<compile_context>
chip_gen: v7x
topology: tpu7x:2x2x1
jax: 0.10.2.dev20260603
libtpu: 0.0.44.dev20260713+nightly
codegen_flags: <defaults>
</compile_context>

<pallas_src>
import functools

import jax
import jax.numpy as jnp
from jax import lax
from jax.experimental import pallas as pl
from jax.experimental.pallas import tpu as pltpu
from jax.experimental.pallas import tpu_sc as plsc

_MAXLEN = 2048
_NC, _NS = 2, 16
_NW = _NC * _NS
_CHUNK = 128



def _idx_body(x_ref, pt_ref, et_ref, dur_ref, pb_ref, eb_ref, ptab_ref,
              etab_ref, x2_ref, x3_ref, g_ref, m_ref, tl_ref):
    b = pl.program_id(0)
    xb = x_ref[0]
    src, d = xb.shape
    pv = pt_ref[0]
    ev = et_ref[0]
    durc = dur_ref[0].astype(jnp.float32)
    pb = pb_ref[...]
    eb = eb_ref[...]
    nb = pb.shape[1]

    pcnt = jnp.sum((pb <= pv).astype(jnp.int32), axis=1, keepdims=True)
    ecnt = jnp.sum((eb <= ev).astype(jnp.int32), axis=1, keepdims=True)
    lane = lax.broadcasted_iota(jnp.int32, (src, nb), 1)
    ph = (lane == pcnt).astype(jnp.float32)
    eh = (lane == ecnt).astype(jnp.float32)
    x2 = xb + jnp.dot(ph, ptab_ref[...], preferred_element_type=jnp.float32)
    x3 = x2 + jnp.dot(eh, etab_ref[...], preferred_element_type=jnp.float32)
    x2_ref[0] = x2
    x3_ref[...] = x3

    ii = lax.broadcasted_iota(jnp.int32, (src, src), 0)
    jj = lax.broadcasted_iota(jnp.int32, (src, src), 1)
    tlow = (jj <= ii).astype(jnp.float32)
    cum = jnp.dot(tlow, durc, preferred_element_type=jnp.float32)

    maxl = g_ref.shape[2]
    frow = lax.broadcasted_iota(jnp.int32, (1, maxl), 1).astype(jnp.float32)
    cmp = (cum <= frow).astype(jnp.int32)
    idx = jnp.sum(cmp, axis=0, keepdims=True)
    msk = (idx >= src).astype(jnp.int32)
    g = jnp.where(msk == 1, 2 * src, (b % 2) * src + idx)
    g_ref[0] = g
    m_ref[0] = msk
    tot = lax.slice(cum, (src - 1, 0), (src, 1))
    tl_ref[0] = tot.astype(jnp.int32)


def _run_idx(x, pt3, et3, dur3, pbrow, ebrow, ptab, etab):
    b, src, d = x.shape
    nb = pbrow.shape[1]
    const2 = lambda i: (0, 0)
    out = pl.pallas_call(
        _idx_body,
        grid=(b,),
        in_specs=[
            pl.BlockSpec((1, src, d), lambda i: (i, 0, 0)),
            pl.BlockSpec((1, src, 1), lambda i: (i, 0, 0)),
            pl.BlockSpec((1, src, 1), lambda i: (i, 0, 0)),
            pl.BlockSpec((1, src, 1), lambda i: (i, 0, 0)),
            pl.BlockSpec((1, nb), const2),
            pl.BlockSpec((1, nb), const2),
            pl.BlockSpec((nb, d), const2),
            pl.BlockSpec((nb, d), const2),
        ],
        out_specs=[
            pl.BlockSpec((1, src, d), lambda i: (i, 0, 0)),
            pl.BlockSpec((src, d), lambda i: (i, 0)),
            pl.BlockSpec((1, 1, _MAXLEN), lambda i: (i, 0, 0)),
            pl.BlockSpec((1, 1, _MAXLEN), lambda i: (i, 0, 0)),
            pl.BlockSpec((1, 1, 1), lambda i: (i, 0, 0)),
        ],
        out_shape=[
            jax.ShapeDtypeStruct((b, src, d), jnp.float32),
            jax.ShapeDtypeStruct((b * src, d), jnp.float32),
            jax.ShapeDtypeStruct((b, 1, _MAXLEN), jnp.int32),
            jax.ShapeDtypeStruct((b, 1, _MAXLEN), jnp.int32),
            jax.ShapeDtypeStruct((b, 1, 1), jnp.int32),
        ],
    )(x, pt3, et3, dur3, pbrow, ebrow, ptab, etab)
    return out


def _pred_body(x_ref, x2_ref, wa_ref, wb_ref, vecs_ref, lb_ref,
               ld_ref, pp_ref, ep_ref):
    xb = x_ref[0]
    x2b = x2_ref[0]
    ld_ref[0] = _one_predictor(xb, wa_ref, wb_ref, vecs_ref, lb_ref, 0)
    pp_ref[0] = _one_predictor(xb, wa_ref, wb_ref, vecs_ref, lb_ref, 1)
    ep_ref[0] = _one_predictor(x2b, wa_ref, wb_ref, vecs_ref, lb_ref, 2)


def _run_preds(x, x2, wa, wb, vecs, lbs):
    b, src, d = x.shape
    c4 = lambda i: (0, 0, 0, 0)
    out = pl.pallas_call(
        _pred_body,
        grid=(b,),
        in_specs=[
            pl.BlockSpec((1, src, d), lambda i: (i, 0, 0)),
            pl.BlockSpec((1, src, d), lambda i: (i, 0, 0)),
            pl.BlockSpec((3, 3, d, d), c4),
            pl.BlockSpec((3, 3, d, d), c4),
            pl.BlockSpec((3, 7, 1, d), c4),
            pl.BlockSpec((3, 1, 1), lambda i: (0, 0, 0)),
        ],
        out_specs=[
            pl.BlockSpec((1, src, 1), lambda i: (i, 0, 0)),
            pl.BlockSpec((1, src, 1), lambda i: (i, 0, 0)),
            pl.BlockSpec((1, src, 1), lambda i: (i, 0, 0)),
        ],
        out_shape=[
            jax.ShapeDtypeStruct((b, src, 1), jnp.float32),
            jax.ShapeDtypeStruct((b, src, 1), jnp.float32),
            jax.ShapeDtypeStruct((b, src, 1), jnp.float32),
        ],
    )(x, x2, wa, wb, vecs, lbs)
    return out



def _shift_down(a):
    return jnp.concatenate([jnp.zeros_like(a[:1]), a[:-1]], axis=0)


def _shift_up(a):
    return jnp.concatenate([a[1:], jnp.zeros_like(a[:1])], axis=0)


def _conv3(h, w_ref, p):
    a0 = jnp.dot(h, w_ref[p, 0], preferred_element_type=jnp.float32)
    a1 = jnp.dot(h, w_ref[p, 1], preferred_element_type=jnp.float32)
    a2 = jnp.dot(h, w_ref[p, 2], preferred_element_type=jnp.float32)
    return _shift_down(a0) + a1 + _shift_up(a2)


def _ln(h, g, be):
    mu = jnp.mean(h, axis=1, keepdims=True)
    dd = h - mu
    var = jnp.mean(dd * dd, axis=1, keepdims=True)
    return g * dd * lax.rsqrt(var + 1e-5) + be


def _one_predictor(h0, wa_ref, wb_ref, vecs_ref, lb_ref, p):
    y1 = _conv3(h0, wa_ref, p) + vecs_ref[p, 0]
    h1 = _ln(jnp.maximum(y1, 0.0), vecs_ref[p, 1], vecs_ref[p, 2])
    y2 = _conv3(h1, wb_ref, p) + vecs_ref[p, 3]
    h2 = _ln(jnp.maximum(y2, 0.0), vecs_ref[p, 4], vecs_ref[p, 5])
    pred = jnp.sum(h2 * vecs_ref[p, 6], axis=1, keepdims=True) + lb_ref[p]
    return pred



@functools.lru_cache(maxsize=None)
def _make_sc_gather(n_rows, d, src, n_sent):
    nphase = 2
    n_pair = 2 * src
    stage = n_pair // _NS
    per_tile = n_rows // (2 * nphase * _NS)
    nchunks = per_tile // _CHUNK
    mesh = plsc.VectorSubcoreMesh(core_axis_name="c", subcore_axis_name="s")

    @functools.partial(
        pl.kernel,
        mesh=mesh,
        out_type=jax.ShapeDtypeStruct((n_rows, d), jnp.float32),
        scratch_types=[
            pltpu.VMEM_SHARED((n_pair + n_sent, d), jnp.float32),
            pltpu.VMEM_SHARED((_NS, nphase * nchunks * _CHUNK), jnp.int32),
            pltpu.SMEM((nphase * nchunks * _CHUNK,), jnp.int32),
            pltpu.VMEM((_CHUNK, d), jnp.float32),
            pltpu.VMEM((_CHUNK, d), jnp.float32),
            pltpu.SemaphoreType.DMA,
            pltpu.SemaphoreType.DMA,
        ],
    )
    def sc_gather(table_hbm, zrows_hbm, ids_hbm, out_hbm, tab_sh, ids_sh,
                  ids_sm, b0, b1, s0, s1):
        sid = lax.axis_index("s")
        c = lax.axis_index("c")
        pltpu.sync_copy(ids_hbm.at[c, sid], ids_sh.at[sid])
        pltpu.sync_copy(ids_sh.at[sid], ids_sm)

        @pl.when(sid == 0)
        def _():
            pltpu.sync_copy(zrows_hbm, tab_sh.at[pl.ds(n_pair, n_sent)])

        bufs = (b0, b1)
        sems = (s0, s1)
        for p in range(nphase):
            pltpu.sync_copy(
                table_hbm.at[pl.ds((2 * c + p) * n_pair + sid * stage,
                                   stage)],
                tab_sh.at[pl.ds(sid * stage, stage)])
            plsc.subcore_barrier()
            base = (c * nphase + p) * (_NS * per_tile) + sid * per_tile
            unroll = 8
            for k in range(nchunks):
                row0 = p * nchunks + k

                def _fire(i, _, _k=k, _row0=row0):
                    for u in range(unroll):
                        j = i * unroll + u
                        rid = ids_sm[_row0 * _CHUNK + j]
                        pltpu.async_copy(tab_sh.at[pl.ds(rid, 1)],
                                         bufs[_k].at[pl.ds(j, 1)], sems[_k])
                    return _

                lax.fori_loop(0, _CHUNK // unroll, _fire, 0)
            for k in range(nchunks):
                pltpu.make_async_copy(table_hbm.at[pl.ds(0, _CHUNK)],
                                      bufs[k], sems[k]).wait()
                pltpu.sync_copy(bufs[k],
                                out_hbm.at[pl.ds(base + k * _CHUNK, _CHUNK)])
            plsc.subcore_barrier()

    return sc_gather



def kernel(x, src_mask, duration_target, pitch_target, energy_target,
           max_len, params, pitch_bins, energy_bins):
    b, src, d = x.shape
    ptab = params["pitch_emb"]
    etab = params["energy_emb"]
    nbins = ptab.shape[0]

    pt3 = pitch_target[:, :, None]
    et3 = energy_target[:, :, None]
    dur3 = duration_target[:, :, None]
    pad = jnp.full((nbins - pitch_bins.shape[0],), jnp.inf, jnp.float32)
    pbrow = jnp.concatenate([pitch_bins, pad])[None, :]
    ebrow = jnp.concatenate([energy_bins, pad])[None, :]

    def _vp_pack(p):
        wa = jnp.transpose(p["w1"], (2, 1, 0))
        wb = jnp.transpose(p["w2"], (2, 1, 0))
        vecs = jnp.stack([p["b1"], p["g1"], p["be1"], p["b2"], p["g2"],
                          p["be2"], p["lw"]])[:, None, :]
        return wa, wb, vecs, p["lb"].reshape(1, 1)

    packs = [_vp_pack(params[k]) for k in ("duration", "pitch", "energy")]
    wa = jnp.stack([pk[0] for pk in packs])
    wb = jnp.stack([pk[1] for pk in packs])
    vecs = jnp.stack([pk[2] for pk in packs])
    lbs = jnp.stack([pk[3] for pk in packs])

    x2, x3flat, g, mask_i, tot3 = _run_idx(x, pt3, et3, dur3, pbrow, ebrow,
                                           ptab, etab)

    n_sent = 8
    zrows = jnp.zeros((n_sent, d), x.dtype)
    n_rows = b * _MAXLEN
    g_tiled = (g.reshape(2, 2, _NS, 2, _CHUNK)
                .transpose(0, 2, 1, 3, 4)
                .reshape(2, _NS, 4 * _CHUNK))
    out_flat = _make_sc_gather(n_rows, d, src, n_sent)(x3flat, zrows, g_tiled)
    out = out_flat.reshape(b, _MAXLEN, d)

    ld, pp, ep = _run_preds(x, x2, wa, wb, vecs, lbs)
    log_dur = jnp.where(src_mask, 0.0, ld[:, :, 0])
    pitch_pred = jnp.where(src_mask, 0.0, pp[:, :, 0])
    energy_pred = jnp.where(src_mask, 0.0, ep[:, :, 0])

    mel_len = jnp.minimum(tot3[:, 0, 0], max_len)
    mel_mask = mask_i.reshape(b, _MAXLEN).astype(bool)

    return out, pitch_pred, energy_pred, log_dur, mel_len, mel_mask

# --- scband reference (transcript-rebuilt; emitter-appended) ---
"""Pipeline reference for scband-variance-adaptor-31181462569394 (READ-ONLY COPY).

The authoritative reference and input builder live on the scoring server;
editing this copy changes nothing except your own understanding.
"""

import jax, jax.numpy as jnp
import numpy as np

B, SRC, D, FILT, K, NBINS, MAXLEN = 8, 512, 256, 256, 3, 256, 2048

def _pred_params(key, d_in, filt, k):
    k1, k2, k3 = jax.random.split(key, 3)
    s1 = 1.0 / np.sqrt(d_in * k); s2 = 1.0 / np.sqrt(filt * k); s3 = 1.0 / np.sqrt(filt)
    return {
        "w1": jax.random.uniform(k1, (filt, d_in, k), jnp.float32, -s1, s1),
        "b1": jnp.zeros((filt,), jnp.float32),
        "g1": jnp.ones((filt,), jnp.float32),
        "be1": jnp.zeros((filt,), jnp.float32),
        "w2": jax.random.uniform(k2, (filt, filt, k), jnp.float32, -s2, s2),
        "b2": jnp.zeros((filt,), jnp.float32),
        "g2": jnp.ones((filt,), jnp.float32),
        "be2": jnp.zeros((filt,), jnp.float32),
        "lw": jax.random.uniform(k3, (filt,), jnp.float32, -s3, s3),
        "lb": jnp.zeros((), jnp.float32),
    }

def setup_inputs(seed: int = 0):
    key = jax.random.key(seed)
    ks = jax.random.split(key, 10)
    x = jax.random.normal(ks[0], (B, SRC, D), jnp.float32)
    src_mask = jnp.zeros((B, SRC), dtype=bool)
    duration_target = jax.random.randint(ks[1], (B, SRC), 0, 4)
    pitch_target = jax.random.uniform(ks[2], (B, SRC), jnp.float32)
    energy_target = jax.random.uniform(ks[3], (B, SRC), jnp.float32)
    params = {
        "duration": _pred_params(ks[4], D, FILT, K),
        "pitch": _pred_params(ks[5], D, FILT, K),
        "energy": _pred_params(ks[6], D, FILT, K),
        "pitch_emb": jax.random.normal(ks[7], (NBINS, D), jnp.float32),
        "energy_emb": jax.random.normal(ks[8], (NBINS, D), jnp.float32),
    }
    pitch_bins = jnp.linspace(0.0, 1.0, NBINS - 1)
    energy_bins = jnp.linspace(0.0, 1.0, NBINS - 1)
    return {"x": x, "src_mask": src_mask, "duration_target": duration_target,
            "pitch_target": pitch_target, "energy_target": energy_target,
            "max_len": MAXLEN, "params": params,
            "pitch_bins": pitch_bins, "energy_bins": energy_bins}

def _conv1d(x, w, b, pad):
    y = jax.lax.conv_general_dilated(
        jnp.transpose(x, (0, 2, 1)), w, (1,), [(pad, pad)],
        dimension_numbers=("NCH", "OIH", "NCH"))
    return jnp.transpose(y, (0, 2, 1)) + b

def _layer_norm(x, g, b, eps=1e-5):
    mu = jnp.mean(x, -1, keepdims=True)
    var = jnp.mean((x - mu) ** 2, -1, keepdims=True)
    return g * (x - mu) / jnp.sqrt(var + eps) + b

def _variance_predictor(x, mask, p):
    h = jax.nn.relu(_conv1d(x, p["w1"], p["b1"], (K - 1) // 2))
    h = _layer_norm(h, p["g1"], p["be1"])
    h = jax.nn.relu(_conv1d(h, p["w2"], p["b2"], 1))
    h = _layer_norm(h, p["g2"], p["be2"])
    out = jnp.einsum("blf,f->bl", h, p["lw"]) + p["lb"]
    return jnp.where(mask, 0.0, out)

def _length_regulate(x, dur, max_len):
    cum = jnp.cumsum(dur, axis=1)
    total = cum[:, -1]
    frames = jnp.arange(MAXLEN)
    idx = jax.vmap(lambda c: jnp.searchsorted(c, frames, side="right"))(cum)
    idx = jnp.clip(idx, 0, x.shape[1] - 1)
    out = jnp.take_along_axis(x, idx[:, :, None], axis=1)
    mel_mask = frames[None, :] >= total[:, None]
    out = out * (~mel_mask)[:, :, None].astype(x.dtype)
    mel_len = jnp.minimum(total, max_len)
    return out, mel_len, mel_mask

def reference(x, src_mask, duration_target, pitch_target, energy_target, max_len, params, pitch_bins, energy_bins):
    log_dur = _variance_predictor(x, src_mask, params["duration"])
    pitch_pred = _variance_predictor(x, src_mask, params["pitch"])
    x = x + params["pitch_emb"][jnp.digitize(pitch_target, pitch_bins)]
    energy_pred = _variance_predictor(x, src_mask, params["energy"])
    x = x + params["energy_emb"][jnp.digitize(energy_target, energy_bins)]
    out, mel_len, mel_mask = _length_regulate(x, duration_target, max_len)
    return out, pitch_pred, energy_pred, log_dur, mel_len, mel_mask

if __name__ == "__main__":
    import jax
    _d = setup_inputs()
    print(jax.jit(kernel)(*tuple(_d.values())))

</pallas_src>

<mosaic_0001>
#map = affine_map<(d0, d1) -> (0, 0)>
#map1 = affine_map<(d0, d1) -> (0, 0, 0)>
module attributes {stable_mosaic.version = 14 : i64} {
  func.func @sc_gather(%arg0: i32, %arg1: i32, %arg2: memref<4096x256xf32, #tpu.memory_space<hbm>>, %arg3: memref<8x256xf32, #tpu.memory_space<hbm>>, %arg4: memref<2x16x512xi32, #tpu.memory_space<hbm>>, %arg5: memref<16384x256xf32, #tpu.memory_space<hbm>>, %arg6: memref<1032x256xf32, #tpu.memory_space<vmem_shared>>, %arg7: memref<16x512xi32, #tpu.memory_space<vmem_shared>>, %arg8: memref<512xi32, #tpu.memory_space<smem>>, %arg9: memref<128x256xf32, #tpu.memory_space<vmem>>, %arg10: memref<128x256xf32, #tpu.memory_space<vmem>>, %arg11: memref<!tpu.dma_semaphore, #tpu.memory_space<semaphore_mem>>, %arg12: memref<!tpu.dma_semaphore, #tpu.memory_space<semaphore_mem>>) attributes {dimension_semantics = [#tpu.dimension_semantics<core_parallel>, #tpu.dimension_semantics<subcore_parallel>], iteration_bounds = array<i64: 2, 16>, scalar_prefetch = 0 : i64, scratch_operands = 7 : i64, tpu.core_type = #tpu.core_type<sc_vector_subcore>, window_params = [{transform_indices = #map}, {transform_indices = #map}, {transform_indices = #map1}, {transform_indices = #map}]} {
    "tpu.region"() ({
      %run_scoped3A = tpu.sem_alloc : memref<!tpu.dma_semaphore, #tpu.memory_space<semaphore_mem>>
      %dma_start3A = arith.constant 0 : i32
      %dma_start3A_97 = tpu.memref_slice %arg7[%arg1, %dma_start3A] : memref<16x512xi32, #tpu.memory_space<vmem_shared>> -> memref<1x512xi32, #tpu.memory_space<vmem_shared>>
      %dma_start3A_98 = tpu.memref_squeeze %dma_start3A_97 : memref<1x512xi32, #tpu.memory_space<vmem_shared>> -> memref<512xi32, #tpu.memory_space<vmem_shared>>
      %dma_start3A_99 = arith.constant 0 : i32
      %dma_start3A_100 = tpu.memref_slice %arg4[%arg0, %arg1, %dma_start3A_99] : memref<2x16x512xi32, #tpu.memory_space<hbm>> -> memref<1x1x512xi32, #tpu.memory_space<hbm>>
      %dma_start3A_101 = tpu.memref_squeeze %dma_start3A_100 : memref<1x1x512xi32, #tpu.memory_space<hbm>> -> memref<512xi32, #tpu.memory_space<hbm>>
      tpu.enqueue_dma source(%dma_start3A_101 : memref<512xi32, #tpu.memory_space<hbm>>) target(%dma_start3A_98 : memref<512xi32, #tpu.memory_space<vmem_shared>>) target_semaphore(%run_scoped3A : memref<!tpu.dma_semaphore, #tpu.memory_space<semaphore_mem>>)
      %dma_wait3A_102 = arith.constant 0 : i32
      %dma_wait3A_103 = tpu.memref_slice %arg7[%arg1, %dma_wait3A_102] : memref<16x512xi32, #tpu.memory_space<vmem_shared>> -> memref<1x512xi32, #tpu.memory_space<vmem_shared>>
      %dma_wait3A_104 = tpu.memref_squeeze %dma_wait3A_103 : memref<1x512xi32, #tpu.memory_space<vmem_shared>> -> memref<512xi32, #tpu.memory_space<vmem_shared>>
      %dma_wait3A_105 = arith.constant 0 : i32
      %dma_wait3A_106 = tpu.memref_slice %arg4[%arg0, %arg1, %dma_wait3A_105] : memref<2x16x512xi32, #tpu.memory_space<hbm>> -> memref<1x1x512xi32, #tpu.memory_space<hbm>>
      %dma_wait3A_107 = tpu.memref_squeeze %dma_wait3A_106 : memref<1x1x512xi32, #tpu.memory_space<hbm>> -> memref<512xi32, #tpu.memory_space<hbm>>
      tpu.wait_dma2 semaphore(%run_scoped3A : memref<!tpu.dma_semaphore, #tpu.memory_space<semaphore_mem>>) src(%dma_wait3A_107 : memref<512xi32, #tpu.memory_space<hbm>>) dst(%dma_wait3A_104 : memref<512xi32, #tpu.memory_space<vmem_shared>>)
      tpu.yield
    }) : () -> ()
    "tpu.region"() ({
      %run_scoped3A = tpu.sem_alloc : memref<!tpu.dma_semaphore, #tpu.memory_space<semaphore_mem>>
      %dma_start3A = arith.constant 0 : i32
      %dma_start3A_97 = tpu.memref_slice %arg7[%arg1, %dma_start3A] : memref<16x512xi32, #tpu.memory_space<vmem_shared>> -> memref<1x512xi32, #tpu.memory_space<vmem_shared>>
      %dma_start3A_98 = tpu.memref_squeeze %dma_start3A_97 : memref<1x512xi32, #tpu.memory_space<vmem_shared>> -> memref<512xi32, #tpu.memory_space<vmem_shared>>
      tpu.enqueue_dma source(%dma_start3A_98 : memref<512xi32, #tpu.memory_space<vmem_shared>>) target(%arg8 : memref<512xi32, #tpu.memory_space<smem>>) target_semaphore(%run_scoped3A : memref<!tpu.dma_semaphore, #tpu.memory_space<semaphore_mem>>)
      %dma_wait3A_99 = arith.constant 0 : i32
      %dma_wait3A_100 = tpu.memref_slice %arg7[%arg1, %dma_wait3A_99] : memref<16x512xi32, #tpu.memory_space<vmem_shared>> -> memref<1x512xi32, #tpu.memory_space<vmem_shared>>
      %dma_wait3A_101 = tpu.memref_squeeze %dma_wait3A_100 : memref<1x512xi32, #tpu.memory_space<vmem_shared>> -> memref<512xi32, #tpu.memory_space<vmem_shared>>
      tpu.wait_dma2 semaphore(%run_scoped3A : memref<!tpu.dma_semaphore, #tpu.memory_space<semaphore_mem>>) src(%dma_wait3A_101 : memref<512xi32, #tpu.memory_space<vmem_shared>>) dst(%arg8 : memref<512xi32, #tpu.memory_space<smem>>)
      tpu.yield
    }) : () -> ()
    %eq3A = arith.constant 0 : i32
    %eq3A_0 = arith.cmpi eq, %arg1, %eq3A : i32
    %convert_element_type3A = arith.extui %eq3A_0 : i1 to i32
    %cond3A = arith.constant 0 : i32
    %cond3A_1 = arith.cmpi ne, %convert_element_type3A, %cond3A : i32
    scf.if %cond3A_1 {
      "tpu.region"() ({
        %run_scoped3A = tpu.sem_alloc : memref<!tpu.dma_semaphore, #tpu.memory_space<semaphore_mem>>
        %dma_start3A = arith.constant 1024 : i32
        %dma_start3A_97 = arith.constant 0 : i32
        %dma_start3A_98 = tpu.memref_slice %arg6[%dma_start3A, %dma_start3A_97] : memref<1032x256xf32, #tpu.memory_space<vmem_shared>> -> memref<8x256xf32, #tpu.memory_space<vmem_shared>>
        tpu.enqueue_dma source(%arg3 : memref<8x256xf32, #tpu.memory_space<hbm>>) target(%dma_start3A_98 : memref<8x256xf32, #tpu.memory_space<vmem_shared>>) target_semaphore(%run_scoped3A : memref<!tpu.dma_semaphore, #tpu.memory_space<semaphore_mem>>)
        %dma_wait3A_99 = arith.constant 1024 : i32
        %dma_wait3A_100 = arith.constant 0 : i32
        %dma_wait3A_101 = tpu.memref_slice %arg6[%dma_wait3A_99, %dma_wait3A_100] : memref<1032x256xf32, #tpu.memory_space<vmem_shared>> -> memref<8x256xf32, #tpu.memory_space<vmem_shared>>
        tpu.wait_dma2 semaphore(%run_scoped3A : memref<!tpu.dma_semaphore, #tpu.memory_space<semaphore_mem>>) src(%arg3 : memref<8x256xf32, #tpu.memory_space<hbm>>) dst(%dma_wait3A_101 : memref<8x256xf32, #tpu.memory_space<vmem_shared>>)
        tpu.yield
      }) : () -> ()
    } else {
    }
    %mul3A = arith.constant 2 : i32
    %mul3A_2 = arith.muli %mul3A, %arg0 : i32
    %add3A = arith.constant 0 : i32
    %add3A_3 = arith.addi %mul3A_2, %add3A : i32
    %mul3A_4 = arith.constant 1024 : i32
    %mul3A_5 = arith.muli %add3A_3, %mul3A_4 : i32
    %mul3A_6 = arith.constant 64 : i32
    %mul3A_7 = arith.muli %arg1, %mul3A_6 : i32
    %add3A_8 = arith.addi %mul3A_5, %mul3A_7 : i32
    %mul3A_9 = arith.constant 64 : i32
    %mul3A_10 = arith.muli %arg1, %mul3A_9 : i32
    "tpu.region"() ({
      %run_scoped3A = tpu.sem_alloc : memref<!tpu.dma_semaphore, #tpu.memory_space<semaphore_mem>>
      %dma_start3A = arith.constant 0 : i32
      %dma_start3A_97 = tpu.memref_slice %arg6[%mul3A_10, %dma_start3A] : memref<1032x256xf32, #tpu.memory_space<vmem_shared>> -> memref<64x256xf32, #tpu.memory_space<vmem_shared>>
      %dma_start3A_98 = arith.constant 0 : i32
      %dma_start3A_99 = tpu.memref_slice %arg2[%add3A_8, %dma_start3A_98] : memref<4096x256xf32, #tpu.memory_space<hbm>> -> memref<64x256xf32, #tpu.memory_space<hbm>>
      tpu.enqueue_dma source(%dma_start3A_99 : memref<64x256xf32, #tpu.memory_space<hbm>>) target(%dma_start3A_97 : memref<64x256xf32, #tpu.memory_space<vmem_shared>>) target_semaphore(%run_scoped3A : memref<!tpu.dma_semaphore, #tpu.memory_space<semaphore_mem>>)
      %dma_wait3A_100 = arith.constant 0 : i32
      %dma_wait3A_101 = tpu.memref_slice %arg6[%mul3A_10, %dma_wait3A_100] : memref<1032x256xf32, #tpu.memory_space<vmem_shared>> -> memref<64x256xf32, #tpu.memory_space<vmem_shared>>
      %dma_wait3A_102 = arith.constant 0 : i32
      %dma_wait3A_103 = tpu.memref_slice %arg2[%add3A_8, %dma_wait3A_102] : memref<4096x256xf32, #tpu.memory_space<hbm>> -> memref<64x256xf32, #tpu.memory_space<hbm>>
      tpu.wait_dma2 semaphore(%run_scoped3A : memref<!tpu.dma_semaphore, #tpu.memory_space<semaphore_mem>>) src(%dma_wait3A_103 : memref<64x256xf32, #tpu.memory_space<hbm>>) dst(%dma_wait3A_101 : memref<64x256xf32, #tpu.memory_space<vmem_shared>>)
      tpu.yield
    }) : () -> ()
    %barrier3A = arith.constant 0 : index
    tpu.barrier barrier_id(%barrier3A)
    %mul3A_11 = arith.constant 2 : i32
    %mul3A_12 = arith.muli %arg0, %mul3A_11 : i32
    %add3A_13 = arith.constant 0 : i32
    %add3A_14 = arith.addi %mul3A_12, %add3A_13 : i32
    %mul3A_15 = arith.constant 4096 : i32
    %mul3A_16 = arith.muli %add3A_14, %mul3A_15 : i32
    %mul3A_17 = arith.constant 256 : i32
    %mul3A_18 = arith.muli %arg1, %mul3A_17 : i32
    %add3A_19 = arith.addi %mul3A_16, %mul3A_18 : i32
    %scan3A = arith.constant 0 : i32
    %scan3A_20 = arith.constant 0 : i32
    %scan3A_21 = arith.constant 16 : i32
    %scan3A_22 = arith.addi %scan3A_20, %scan3A_21 : i32
    %scan3A_23 = arith.constant 1 : i32
    scf.for %scan3A_97 = %scan3A_20 to %scan3A_22 step %scan3A_23  : i32 {
      %mul3A_98 = arith.constant 8 : i32
      %mul3A_99 = arith.muli %scan3A_97, %mul3A_98 : i32
      %add3A_100 = arith.constant 0 : i32
      %add3A_101 = arith.addi %mul3A_99, %add3A_100 : i32
      %add3A_102 = arith.constant 0 : i32
      %add3A_103 = arith.addi %add3A_102, %add3A_101 : i32
      %get3A = arith.index_cast %add3A_103 : i32 to index
      %get3A_104 = memref.load %arg8[%get3A] : memref<512xi32, #tpu.memory_space<smem>>
      %dma_start3A = arith.constant 0 : i32
      %dma_start3A_105 = tpu.memref_slice %arg9[%add3A_101, %dma_start3A] : memref<128x256xf32, #tpu.memory_space<vmem>> -> memref<1x256xf32, #tpu.memory_space<vmem>>
      %dma_start3A_106 = arith.constant 0 : i32
      %dma_start3A_107 = tpu.memref_slice %arg6[%get3A_104, %dma_start3A_106] : memref<1032x256xf32, #tpu.memory_space<vmem_shared>> -> memref<1x256xf32, #tpu.memory_space<vmem_shared>>
      %dma_start3A_108 = arith.constant 0 : i32
      %dma_start3A_109 = tpu.memref_slice %arg9[%add3A_101, %dma_start3A_108] : memref<128x256xf32, #tpu.memory_space<vmem>> -> memref<1x256xf32, #tpu.memory_space<vmem>>
      %dma_start3A_110 = arith.constant 0 : i32
      %dma_start3A_111 = tpu.memref_slice %arg6[%get3A_104, %dma_start3A_110] : memref<1032x256xf32, #tpu.memory_space<vmem_shared>> -> memref<1x256xf32, #tpu.memory_space<vmem_shared>>
      tpu.enqueue_dma source(%dma_start3A_111 : memref<1x256xf32, #tpu.memory_space<vmem_shared>>) target(%dma_start3A_109 : memref<1x256xf32, #tpu.memory_space<vmem>>) target_semaphore(%arg11 : memref<!tpu.dma_semaphore, #tpu.memory_space<semaphore_mem>>)
      %mul3A_112 = arith.constant 8 : i32
      %mul3A_113 = arith.muli %scan3A_97, %mul3A_112 : i32
      %add3A_114 = arith.constant 1 : i32
      %add3A_115 = arith.addi %mul3A_113, %add3A_114 : i32
      %add3A_116 = arith.constant 0 : i32
      %add3A_117 = arith.addi %add3A_116, %add3A_115 : i32
      %get3A_118 = arith.index_cast %add3A_117 : i32 to index
      %get3A_119 = memref.load %arg8[%get3A_118] : memref<512xi32, #tpu.memory_space<smem>>
      %dma_start3A_120 = arith.constant 0 : i32
      %dma_start3A_121 = tpu.memref_slice %arg9[%add3A_115, %dma_start3A_120] : memref<128x256xf32, #tpu.memory_space<vmem>> -> memref<1x256xf32, #tpu.memory_space<vmem>>
      %dma_start3A_122 = arith.constant 0 : i32
      %dma_start3A_123 = tpu.memref_slice %arg6[%get3A_119, %dma_start3A_122] : memref<1032x256xf32, #tpu.memory_space<vmem_shared>> -> memref<1x256xf32, #tpu.memory_space<vmem_shared>>
      %dma_start3A_124 = arith.constant 0 : i32
      %dma_start3A_125 = tpu.memref_slice %arg9[%add3A_115, %dma_start3A_124] : memref<128x256xf32, #tpu.memory_space<vmem>> -> memref<1x256xf32, #tpu.memory_space<vmem>>
      %dma_start3A_126 = arith.constant 0 : i32
      %dma_start3A_127 = tpu.memref_slice %arg6[%get3A_119, %dma_start3A_126] : memref<1032x256xf32, #tpu.memory_space<vmem_shared>> -> memref<1x256xf32, #tpu.memory_space<vmem_shared>>
      tpu.enqueue_dma source(%dma_start3A_127 : memref<1x256xf32, #tpu.memory_space<vmem_shared>>) target(%dma_start3A_125 : memref<1x256xf32, #tpu.memory_space<vmem>>) target_semaphore(%arg11 : memref<!tpu.dma_semaphore, #tpu.memory_space<semaphore_mem>>)
      %mul3A_128 = arith.constant 8 : i32
      %mul3A_129 = arith.muli %scan3A_97, %mul3A_128 : i32
      %add3A_130 = arith.constant 2 : i32
      %add3A_131 = arith.addi %mul3A_129, %add3A_130 : i32
      %add3A_132 = arith.constant 0 : i32
      %add3A_133 = arith.addi %add3A_132, %add3A_131 : i32
      %get3A_134 = arith.index_cast %add3A_133 : i32 to index
      %get3A_135 = memref.load %arg8[%get3A_134] : memref<512xi32, #tpu.memory_space<smem>>
      %dma_start3A_136 = arith.constant 0 : i32
      %dma_start3A_137 = tpu.memref_slice %arg9[%add3A_131, %dma_start3A_136] : memref<128x256xf32, #tpu.memory_space<vmem>> -> memref<1x256xf32, #tpu.memory_space<vmem>>
      %dma_start3A_138 = arith.constant 0 : i32
      %dma_start3A_139 = tpu.memref_slice %arg6[%get3A_135, %dma_start3A_138] : memref<1032x256xf32, #tpu.memory_space<vmem_shared>> -> memref<1x256xf32, #tpu.memory_space<vmem_shared>>
      %dma_start3A_140 = arith.constant 0 : i32
      %dma_start3A_141 = tpu.memref_slice %arg9[%add3A_131, %dma_start3A_140] : memref<128x256xf32, #tpu.memory_space<vmem>> -> memref<1x256xf32, #tpu.memory_space<vmem>>
      %dma_start3A_142 = arith.constant 0 : i32
      %dma_start3A_143 = tpu.memref_slice %arg6[%get3A_135, %dma_start3A_142] : memref<1032x256xf32, #tpu.memory_space<vmem_shared>> -> memref<1x256xf32, #tpu.memory_space<vmem_shared>>
      tpu.enqueue_dma source(%dma_start3A_143 : memref<1x256xf32, #tpu.memory_space<vmem_shared>>) target(%dma_start3A_141 : memref<1x256xf32, #tpu.memory_space<vmem>>) target_semaphore(%arg11 : memref<!tpu.dma_semaphore, #tpu.memory_space<semaphore_mem>>)
      %mul3A_144 = arith.constant 8 : i32
      %mul3A_145 = arith.muli %scan3A_97, %mul3A_144 : i32
      %add3A_146 = arith.constant 3 : i32
      %add3A_147 = arith.addi %mul3A_145, %add3A_146 : i32
      %add3A_148 = arith.constant 0 : i32
      %add3A_149 = arith.addi %add3A_148, %add3A_147 : i32
      %get3A_150 = arith.index_cast %add3A_149 : i32 to index
      %get3A_151 = memref.load %arg8[%get3A_150] : memref<512xi32, #tpu.memory_space<smem>>
      %dma_start3A_152 = arith.constant 0 : i32
      %dma_start3A_153 = tpu.memref_slice %arg9[%add3A_147, %dma_start3A_152] : memref<128x256xf32, #tpu.memory_space<vmem>> -> memref<1x256xf32, #tpu.memory_space<vmem>>
      %dma_start3A_154 = arith.constant 0 : i32
      %dma_start3A_155 = tpu.memref_slice %arg6[%get3A_151, %dma_start3A_154] : memref<1032x256xf32, #tpu.memory_space<vmem_shared>> -> memref<1x256xf32, #tpu.memory_space<vmem_shared>>
      %dma_start3A_156 = arith.constant 0 : i32
      %dma_start3A_157 = tpu.memref_slice %arg9[%add3A_147, %dma_start3A_156] : memref<128x256xf32, #tpu.memory_space<vmem>> -> memref<1x256xf32, #tpu.memory_space<vmem>>
      %dma_start3A_158 = arith.constant 0 : i32
      %dma_start3A_159 = tpu.memref_slice %arg6[%get3A_151, %dma_start3A_158] : memref<1032x256xf32, #tpu.memory_space<vmem_shared>> -> memref<1x256xf32, #tpu.memory_space<vmem_shared>>
      tpu.enqueue_dma source(%dma_start3A_159 : memref<1x256xf32, #tpu.memory_space<vmem_shared>>) target(%dma_start3A_157 : memref<1x256xf32, #tpu.memory_space<vmem>>) target_semaphore(%arg11 : memref<!tpu.dma_semaphore, #tpu.memory_space<semaphore_mem>>)
      %mul3A_160 = arith.constant 8 : i32
      %mul3A_161 = arith.muli %scan3A_97, %mul3A_160 : i32
      %add3A_162 = arith.constant 4 : i32
      %add3A_163 = arith.addi %mul3A_161, %add3A_162 : i32
      %add3A_164 = arith.constant 0 : i32
      %add3A_165 = arith.addi %add3A_164, %add3A_163 : i32
      %get3A_166 = arith.index_cast %add3A_165 : i32 to index
      %get3A_167 = memref.load %arg8[%get3A_166] : memref<512xi32, #tpu.memory_space<smem>>
      %dma_start3A_168 = arith.constant 0 : i32
      %dma_start3A_169 = tpu.memref_slice %arg9[%add3A_163, %dma_start3A_168] : memref<128x256xf32, #tpu.memory_space<vmem>> -> memref<1x256xf32, #tpu.memory_space<vmem>>
      %dma_start3A_170 = arith.constant 0 : i32
      %dma_start3A_171 = tpu.memref_slice %arg6[%get3A_167, %dma_start3A_170] : memref<1032x256xf32, #tpu.memory_space<vmem_shared>> -> memref<1x256xf32, #tpu.memory_space<vmem_shared>>
      %dma_start3A_172 = arith.constant 0 : i32
      %dma_start3A_173 = tpu.memref_slice %arg9[%add3A_163, %dma_start3A_172] : memref<128x256xf32, #tpu.memory_space<vmem>> -> memref<1x256xf32, #tpu.memory_space<vmem>>
      %dma_start3A_174 = arith.constant 0 : i32
      %dma_start3A_175 = tpu.memref_slice %arg6[%get3A_167, %dma_start3A_174] : memref<1032x256xf32, #tpu.memory_space<vmem_shared>> -> memref<1x256xf32, #tpu.memory_space<vmem_shared>>
      tpu.enqueue_dma source(%dma_start3A_175 : memref<1x256xf32, #tpu.memory_space<vmem_shared>>) target(%dma_start3A_173 : memref<1x256xf32, #tpu.memory_space<vmem>>) target_semaphore(%arg11 : memref<!tpu.dma_semaphore, #tpu.memory_space<semaphore_mem>>)
      %mul3A_176 = arith.constant 8 : i32
      %mul3A_177 = arith.muli %scan3A_97, %mul3A_176 : i32
      %add3A_178 = arith.constant 5 : i32
      %add3A_179 = arith.addi %mul3A_177, %add3A_178 : i32
      %add3A_180 = arith.constant 0 : i32
      %add3A_181 = arith.addi %add3A_180, %add3A_179 : i32
      %get3A_182 = arith.index_cast %add3A_181 : i32 to index
      %get3A_183 = memref.load %arg8[%get3A_182] : memref<512xi32, #tpu.memory_space<smem>>
      %dma_start3A_184 = arith.constant 0 : i32
      %dma_start3A_185 = tpu.memref_slice %arg9[%add3A_179, %dma_start3A_184] : memref<128x256xf32, #tpu.memory_space<vmem>> -> memref<1x256xf32, #tpu.memory_space<vmem>>
      %dma_start3A_186 = arith.constant 0 : i32
      %dma_start3A_187 = tpu.memref_slice %arg6[%get3A_183, %dma_start3A_186] : memref<1032x256xf32, #tpu.memory_space<vmem_shared>> -> memref<1x256xf32, #tpu.memory_space<vmem_shared>>
      %dma_start3A_188 = arith.constant 0 : i32
      %dma_start3A_189 = tpu.memref_slice %arg9[%add3A_179, %dma_start3A_188] : memref<128x256xf32, #tpu.memory_space<vmem>> -> memref<1x256xf32, #tpu.memory_space<vmem>>
      %dma_start3A_190 = arith.constant 0 : i32
      %dma_start3A_191 = tpu.memref_slice %arg6[%get3A_183, %dma_start3A_190] : memref<1032x256xf32, #tpu.memory_space<vmem_shared>> -> memref<1x256xf32, #tpu.memory_space<vmem_shared>>
      tpu.enqueue_dma source(%dma_start3A_191 : memref<1x256xf32, #tpu.memory_space<vmem_shared>>) target(%dma_start3A_189 : memref<1x256xf32, #tpu.memory_space<vmem>>) target_semaphore(%arg11 : memref<!tpu.dma_semaphore, #tpu.memory_space<semaphore_mem>>)
      %mul3A_192 = arith.constant 8 : i32
      %mul3A_193 = arith.muli %scan3A_97, %mul3A_192 : i32
      %add3A_194 = arith.constant 6 : i32
      %add3A_195 = arith.addi %mul3A_193, %add3A_194 : i32
      %add3A_196 = arith.constant 0 : i32
      %add3A_197 = arith.addi %add3A_196, %add3A_195 : i32
      %get3A_198 = arith.index_cast %add3A_197 : i32 to index
      %get3A_199 = memref.load %arg8[%get3A_198] : memref<512xi32, #tpu.memory_space<smem>>
      %dma_start3A_200 = arith.constant 0 : i32
      %dma_start3A_201 = tpu.memref_slice %arg9[%add3A_195, %dma_start3A_200] : memref<128x256xf32, #tpu.memory_space<vmem>> -> memref<1x256xf32, #tpu.memory_space<vmem>>
      %dma_start3A_202 = arith.constant 0 : i32
      %dma_start3A_203 = tpu.memref_slice %arg6[%get3A_199, %dma_start3A_202] : memref<1032x256xf32, #tpu.memory_space<vmem_shared>> -> memref<1x256xf32, #tpu.memory_space<vmem_shared>>
      %dma_start3A_204 = arith.constant 0 : i32
      %dma_start3A_205 = tpu.memref_slice %arg9[%add3A_195, %dma_start3A_204] : memref<128x256xf32, #tpu.memory_space<vmem>> -> memref<1x256xf32, #tpu.memory_space<vmem>>
      %dma_start3A_206 = arith.constant 0 : i32
      %dma_start3A_207 = tpu.memref_slice %arg6[%get3A_199, %dma_start3A_206] : memref<1032x256xf32, #tpu.memory_space<vmem_shared>> -> memref<1x256xf32, #tpu.memory_space<vmem_shared>>
      tpu.enqueue_dma source(%dma_start3A_207 : memref<1x256xf32, #tpu.memory_space<vmem_shared>>) target(%dma_start3A_205 : memref<1x256xf32, #tpu.memory_space<vmem>>) target_semaphore(%arg11 : memref<!tpu.dma_semaphore, #tpu.memory_space<semaphore_mem>>)
      %mul3A_208 = arith.constant 8 : i32
      %mul3A_209 = arith.muli %scan3A_97, %mul3A_208 : i32
      %add3A_210 = arith.constant 7 : i32
      %add3A_211 = arith.addi %mul3A_209, %add3A_210 : i32
      %add3A_212 = arith.constant 0 : i32
      %add3A_213 = arith.addi %add3A_212, %add3A_211 : i32
      %get3A_214 = arith.index_cast %add3A_213 : i32 to index
      %get3A_215 = memref.load %arg8[%get3A_214] : memref<512xi32, #tpu.memory_space<smem>>
      %dma_start3A_216 = arith.constant 0 : i32
      %dma_start3A_217 = tpu.memref_slice %arg9[%add3A_211, %dma_start3A_216] : memref<128x256xf32, #tpu.memory_space<vmem>> -> memref<1x256xf32, #tpu.memory_space<vmem>>
      %dma_start3A_218 = arith.constant 0 : i32
      %dma_start3A_219 = tpu.memref_slice %arg6[%get3A_215, %dma_start3A_218] : memref<1032x256xf32, #tpu.memory_space<vmem_shared>> -> memref<1x256xf32, #tpu.memory_space<vmem_shared>>
      %dma_start3A_220 = arith.constant 0 : i32
      %dma_start3A_221 = tpu.memref_slice %arg9[%add3A_211, %dma_start3A_220] : memref<128x256xf32, #tpu.memory_space<vmem>> -> memref<1x256xf32, #tpu.memory_space<vmem>>
      %dma_start3A_222 = arith.constant 0 : i32
      %dma_start3A_223 = tpu.memref_slice %arg6[%get3A_215, %dma_start3A_222] : memref<1032x256xf32, #tpu.memory_space<vmem_shared>> -> memref<1x256xf32, #tpu.memory_space<vmem_shared>>
      tpu.enqueue_dma source(%dma_start3A_223 : memref<1x256xf32, #tpu.memory_space<vmem_shared>>) target(%dma_start3A_221 : memref<1x256xf32, #tpu.memory_space<vmem>>) target_semaphore(%arg11 : memref<!tpu.dma_semaphore, #tpu.memory_space<semaphore_mem>>)
    }
    %scan3A_24 = arith.constant 16 : i32
    %scan3A_25 = arith.constant 0 : i32
    %scan3A_26 = arith.constant 0 : i32
    %scan3A_27 = arith.constant 16 : i32
    %scan3A_28 = arith.addi %scan3A_26, %scan3A_27 : i32
    %scan3A_29 = arith.constant 1 : i32
    scf.for %scan3A_97 = %scan3A_26 to %scan3A_28 step %scan3A_29  : i32 {
      %mul3A_98 = arith.constant 8 : i32
      %mul3A_99 = arith.muli %scan3A_97, %mul3A_98 : i32
      %add3A_100 = arith.constant 0 : i32
      %add3A_101 = arith.addi %mul3A_99, %add3A_100 : i32
      %add3A_102 = arith.constant 128 : i32
      %add3A_103 = arith.addi %add3A_102, %add3A_101 : i32
      %get3A = arith.index_cast %add3A_103 : i32 to index
      %get3A_104 = memref.load %arg8[%get3A] : memref<512xi32, #tpu.memory_space<smem>>
      %dma_start3A = arith.constant 0 : i32
      %dma_start3A_105 = tpu.memref_slice %arg10[%add3A_101, %dma_start3A] : memref<128x256xf32, #tpu.memory_space<vmem>> -> memref<1x256xf32, #tpu.memory_space<vmem>>
      %dma_start3A_106 = arith.constant 0 : i32
      %dma_start3A_107 = tpu.memref_slice %arg6[%get3A_104, %dma_start3A_106] : memref<1032x256xf32, #tpu.memory_space<vmem_shared>> -> memref<1x256xf32, #tpu.memory_space<vmem_shared>>
      %dma_start3A_108 = arith.constant 0 : i32
      %dma_start3A_109 = tpu.memref_slice %arg10[%add3A_101, %dma_start3A_108] : memref<128x256xf32, #tpu.memory_space<vmem>> -> memref<1x256xf32, #tpu.memory_space<vmem>>
      %dma_start3A_110 = arith.constant 0 : i32
      %dma_start3A_111 = tpu.memref_slice %arg6[%get3A_104, %dma_start3A_110] : memref<1032x256xf32, #tpu.memory_space<vmem_shared>> -> memref<1x256xf32, #tpu.memory_space<vmem_shared>>
      tpu.enqueue_dma source(%dma_start3A_111 : memref<1x256xf32, #tpu.memory_space<vmem_shared>>) target(%dma_start3A_109 : memref<1x256xf32, #tpu.memory_space<vmem>>) target_semaphore(%arg12 : memref<!tpu.dma_semaphore, #tpu.memory_space<semaphore_mem>>)
      %mul3A_112 = arith.constant 8 : i32
      %mul3A_113 = arith.muli %scan3A_97, %mul3A_112 : i32
      %add3A_114 = arith.constant 1 : i32
      %add3A_115 = arith.addi %mul3A_113, %add3A_114 : i32
      %add3A_116 = arith.constant 128 : i32
      %add3A_117 = arith.addi %add3A_116, %add3A_115 : i32
      %get3A_118 = arith.index_cast %add3A_117 : i32 to index
      %get3A_119 = memref.load %arg8[%get3A_118] : memref<512xi32, #tpu.memory_space<smem>>
      %dma_start3A_120 = arith.constant 0 : i32
      %dma_start3A_121 = tpu.memref_slice %arg10[%add3A_115, %dma_start3A_120] : memref<128x256xf32, #tpu.memory_space<vmem>> -> memref<1x256xf32, #tpu.memory_space<vmem>>
      %dma_start3A_122 = arith.constant 0 : i32
      %dma_start3A_123 = tpu.memref_slice %arg6[%get3A_119, %dma_start3A_122] : memref<1032x256xf32, #tpu.memory_space<vmem_shared>> -> memref<1x256xf32, #tpu.memory_space<vmem_shared>>
      %dma_start3A_124 = arith.constant 0 : i32
      %dma_start3A_125 = tpu.memref_slice %arg10[%add3A_115, %dma_start3A_124] : memref<128x256xf32, #tpu.memory_space<vmem>> -> memref<1x256xf32, #tpu.memory_space<vmem>>
      %dma_start3A_126 = arith.constant 0 : i32
      %dma_start3A_127 = tpu.memref_slice %arg6[%get3A_119, %dma_start3A_126] : memref<1032x256xf32, #tpu.memory_space<vmem_shared>> -> memref<1x256xf32, #tpu.memory_space<vmem_shared>>
      tpu.enqueue_dma source(%dma_start3A_127 : memref<1x256xf32, #tpu.memory_space<vmem_shared>>) target(%dma_start3A_125 : memref<1x256xf32, #tpu.memory_space<vmem>>) target_semaphore(%arg12 : memref<!tpu.dma_semaphore, #tpu.memory_space<semaphore_mem>>)
      %mul3A_128 = arith.constant 8 : i32
      %mul3A_129 = arith.muli %scan3A_97, %mul3A_128 : i32
      %add3A_130 = arith.constant 2 : i32
      %add3A_131 = arith.addi %mul3A_129, %add3A_130 : i32
      %add3A_132 = arith.constant 128 : i32
      %add3A_133 = arith.addi %add3A_132, %add3A_131 : i32
      %get3A_134 = arith.index_cast %add3A_133 : i32 to index
      %get3A_135 = memref.load %arg8[%get3A_134] : memref<512xi32, #tpu.memory_space<smem>>
      %dma_start3A_136 = arith.constant 0 : i32
      %dma_start3A_137 = tpu.memref_slice %arg10[%add3A_131, %dma_start3A_136] : memref<128x256xf32, #tpu.memory_space<vmem>> -> memref<1x256xf32, #tpu.memory_space<vmem>>
      %dma_start3A_138 = arith.constant 0 : i32
      %dma_start3A_139 = tpu.memref_slice %arg6[%get3A_135, %dma_start3A_138] : memref<1032x256xf32, #tpu.memory_space<vmem_shared>> -> memref<1x256xf32, #tpu.memory_space<vmem_shared>>
      %dma_start3A_140 = arith.constant 0 : i32
      %dma_start3A_141 = tpu.memref_slice %arg10[%add3A_131, %dma_start3A_140] : memref<128x256xf32, #tpu.memory_space<vmem>> -> memref<1x256xf32, #tpu.memory_space<vmem>>
      %dma_start3A_142 = arith.constant 0 : i32
      %dma_start3A_143 = tpu.memref_slice %arg6[%get3A_135, %dma_start3A_142] : memref<1032x256xf32, #tpu.memory_space<vmem_shared>> -> memref<1x256xf32, #tpu.memory_space<vmem_shared>>
      tpu.enqueue_dma source(%dma_start3A_143 : memref<1x256xf32, #tpu.memory_space<vmem_shared>>) target(%dma_start3A_141 : memref<1x256xf32, #tpu.memory_space<vmem>>) target_semaphore(%arg12 : memref<!tpu.dma_semaphore, #tpu.memory_space<semaphore_mem>>)
      %mul3A_144 = arith.constant 8 : i32
      %mul3A_145 = arith.muli %scan3A_97, %mul3A_144 : i32
      %add3A_146 = arith.constant 3 : i32
      %add3A_147 = arith.addi %mul3A_145, %add3A_146 : i32
      %add3A_148 = arith.constant 128 : i32
      %add3A_149 = arith.addi %add3A_148, %add3A_147 : i32
      %get3A_150 = arith.index_cast %add3A_149 : i32 to index
      %get3A_151 = memref.load %arg8[%get3A_150] : memref<512xi32, #tpu.memory_space<smem>>
      %dma_start3A_152 = arith.constant 0 : i32
      %dma_start3A_153 = tpu.memref_slice %arg10[%add3A_147, %dma_start3A_152] : memref<128x256xf32, #tpu.memory_space<vmem>> -> memref<1x256xf32, #tpu.memory_space<vmem>>
      %dma_start3A_154 = arith.constant 0 : i32
      %dma_start3A_155 = tpu.memref_slice %arg6[%get3A_151, %dma_start3A_154] : memref<1032x256xf32, #tpu.memory_space<vmem_shared>> -> memref<1x256xf32, #tpu.memory_space<vmem_shared>>
      %dma_start3A_156 = arith.constant 0 : i32
      %dma_start3A_157 = tpu.memref_slice %arg10[%add3A_147, %dma_start3A_156] : memref<128x256xf32, #tpu.memory_space<vmem>> -> memref<1x256xf32, #tpu.memory_space<vmem>>
      %dma_start3A_158 = arith.constant 0 : i32
      %dma_start3A_159 = tpu.memref_slice %arg6[%get3A_151, %dma_start3A_158] : memref<1032x256xf32, #tpu.memory_space<vmem_shared>> -> memref<1x256xf32, #tpu.memory_space<vmem_shared>>
      tpu.enqueue_dma source(%dma_start3A_159 : memref<1x256xf32, #tpu.memory_space<vmem_shared>>) target(%dma_start3A_157 : memref<1x256xf32, #tpu.memory_space<vmem>>) target_semaphore(%arg12 : memref<!tpu.dma_semaphore, #tpu.memory_space<semaphore_mem>>)
      %mul3A_160 = arith.constant 8 : i32
      %mul3A_161 = arith.muli %scan3A_97, %mul3A_160 : i32
      %add3A_162 = arith.constant 4 : i32
      %add3A_163 = arith.addi %mul3A_161, %add3A_162 : i32
      %add3A_164 = arith.constant 128 : i32
      %add3A_165 = arith.addi %add3A_164, %add3A_163 : i32
      %get3A_166 = arith.index_cast %add3A_165 : i32 to index
      %get3A_167 = memref.load %arg8[%get3A_166] : memref<512xi32, #tpu.memory_space<smem>>
      %dma_start3A_168 = arith.constant 0 : i32
      %dma_start3A_169 = tpu.memref_slice %arg10[%add3A_163, %dma_start3A_168] : memref<128x256xf32, #tpu.memory_space<vmem>> -> memref<1x256xf32, #tpu.memory_space<vmem>>
      %dma_start3A_170 = arith.constant 0 : i32
      %dma_start3A_171 = tpu.memref_slice %arg6[%get3A_167, %dma_start3A_170] : memref<1032x256xf32, #tpu.memory_space<vmem_shared>> -> memref<1x256xf32, #tpu.memory_space<vmem_shared>>
      %dma_start3A_172 = arith.constant 0 : i32
      %dma_start3A_173 = tpu.memref_slice %arg10[%add3A_163, %dma_start3A_172] : memref<128x256xf32, #tpu.memory_space<vmem>> -> memref<1x256xf32, #tpu.memory_space<vmem>>
      %dma_start3A_174 = arith.constant 0 : i32
      %dma_start3A_175 = tpu.memref_slice %arg6[%get3A_167, %dma_start3A_174] : memref<1032x256xf32, #tpu.memory_space<vmem_shared>> -> memref<1x256xf32, #tpu.memory_space<vmem_shared>>
      tpu.enqueue_dma source(%dma_start3A_175 : memref<1x256xf32, #tpu.memory_space<vmem_shared>>) target(%dma_start3A_173 : memref<1x256xf32, #tpu.memory_space<vmem>>) target_semaphore(%arg12 : memref<!tpu.dma_semaphore, #tpu.memory_space<semaphore_mem>>)
      %mul3A_176 = arith.constant 8 : i32
      %mul3A_177 = arith.muli %scan3A_97, %mul3A_176 : i32
      %add3A_178 = arith.constant 5 : i32
      %add3A_179 = arith.addi %mul3A_177, %add3A_178 : i32
      %add3A_180 = arith.constant 128 : i32
      %add3A_181 = arith.addi %add3A_180, %add3A_179 : i32
      %get3A_182 = arith.index_cast %add3A_181 : i32 to index
      %get3A_183 = memref.load %arg8[%get3A_182] : memref<512xi32, #tpu.memory_space<smem>>
      %dma_start3A_184 = arith.constant 0 : i32
      %dma_start3A_185 = tpu.memref_slice %arg10[%add3A_179, %dma_start3A_184] : memref<128x256xf32, #tpu.memory_space<vmem>> -> memref<1x256xf32, #tpu.memory_space<vmem>>
      %dma_start3A_186 = arith.constant 0 : i32
      %dma_start3A_187 = tpu.memref_slice %arg6[%get3A_183, %dma_start3A_186] : memref<1032x256xf32, #tpu.memory_space<vmem_shared>> -> memref<1x256xf32, #tpu.memory_space<vmem_shared>>
      %dma_start3A_188 = arith.constant 0 : i32
      %dma_start3A_189 = tpu.memref_slice %arg10[%add3A_179, %dma_start3A_188] : memref<128x256xf32, #tpu.memory_space<vmem>> -> memref<1x256xf32, #tpu.memory_space<vmem>>
      %dma_start3A_190 = arith.constant 0 : i32
      %dma_start3A_191 = tpu.memref_slice %arg6[%get3A_183, %dma_start3A_190] : memref<1032x256xf32, #tpu.memory_space<vmem_shared>> -> memref<1x256xf32, #tpu.memory_space<vmem_shared>>
      tpu.enqueue_dma source(%dma_start3A_191 : memref<1x256xf32, #tpu.memory_space<vmem_shared>>) target(%dma_start3A_189 : memref<1x256xf32, #tpu.memory_space<vmem>>) target_semaphore(%arg12 : memref<!tpu.dma_semaphore, #tpu.memory_space<semaphore_mem>>)
      %mul3A_192 = arith.constant 8 : i32
      %mul3A_193 = arith.muli %scan3A_97, %mul3A_192 : i32
      %add3A_194 = arith.constant 6 : i32
      %add3A_195 = arith.addi %mul3A_193, %add3A_194 : i32
      %add3A_196 = arith.constant 128 : i32
      %add3A_197 = arith.addi %add3A_196, %add3A_195 : i32
      %get3A_198 = arith.index_cast %add3A_197 : i32 to index
      %get3A_199 = memref.load %arg8[%get3A_198] : memref<512xi32, #tpu.memory_space<smem>>
      %dma_start3A_200 = arith.constant 0 : i32
      %dma_start3A_201 = tpu.memref_slice %arg10[%add3A_195, %dma_start3A_200] : memref<128x256xf32, #tpu.memory_space<vmem>> -> memref<1x256xf32, #tpu.memory_space<vmem>>
      %dma_start3A_202 = arith.constant 0 : i32
      %dma_start3A_203 = tpu.memref_slice %arg6[%get3A_199, %dma_start3A_202] : memref<1032x256xf32, #tpu.memory_space<vmem_shared>> -> memref<1x256xf32, #tpu.memory_space<vmem_shared>>
      %dma_start3A_204 = arith.constant 0 : i32
      %dma_start3A_205 = tpu.memref_slice %arg10[%add3A_195, %dma_start3A_204] : memref<128x256xf32, #tpu.memory_space<vmem>> -> memref<1x256xf32, #tpu.memory_space<vmem>>
      %dma_start3A_206 = arith.constant 0 : i32
      %dma_start3A_207 = tpu.memref_slice %arg6[%get3A_199, %dma_start3A_206] : memref<1032x256xf32, #tpu.memory_space<vmem_shared>> -> memref<1x256xf32, #tpu.memory_space<vmem_shared>>
      tpu.enqueue_dma source(%dma_start3A_207 : memref<1x256xf32, #tpu.memory_space<vmem_shared>>) target(%dma_start3A_205 : memref<1x256xf32, #tpu.memory_space<vmem>>) target_semaphore(%arg12 : memref<!tpu.dma_semaphore, #tpu.memory_space<semaphore_mem>>)
      %mul3A_208 = arith.constant 8 : i32
      %mul3A_209 = arith.muli %scan3A_97, %mul3A_208 : i32
      %add3A_210 = arith.constant 7 : i32
      %add3A_211 = arith.addi %mul3A_209, %add3A_210 : i32
      %add3A_212 = arith.constant 128 : i32
      %add3A_213 = arith.addi %add3A_212, %add3A_211 : i32
      %get3A_214 = arith.index_cast %add3A_213 : i32 to index
      %get3A_215 = memref.load %arg8[%get3A_214] : memref<512xi32, #tpu.memory_space<smem>>
      %dma_start3A_216 = arith.constant 0 : i32
      %dma_start3A_217 = tpu.memref_slice %arg10[%add3A_211, %dma_start3A_216] : memref<128x256xf32, #tpu.memory_space<vmem>> -> memref<1x256xf32, #tpu.memory_space<vmem>>
      %dma_start3A_218 = arith.constant 0 : i32
      %dma_start3A_219 = tpu.memref_slice %arg6[%get3A_215, %dma_start3A_218] : memref<1032x256xf32, #tpu.memory_space<vmem_shared>> -> memref<1x256xf32, #tpu.memory_space<vmem_shared>>
      %dma_start3A_220 = arith.constant 0 : i32
      %dma_start3A_221 = tpu.memref_slice %arg10[%add3A_211, %dma_start3A_220] : memref<128x256xf32, #tpu.memory_space<vmem>> -> memref<1x256xf32, #tpu.memory_space<vmem>>
      %dma_start3A_222 = arith.constant 0 : i32
      %dma_start3A_223 = tpu.memref_slice %arg6[%get3A_215, %dma_start3A_222] : memref<1032x256xf32, #tpu.memory_space<vmem_shared>> -> memref<1x256xf32, #tpu.memory_space<vmem_shared>>
      tpu.enqueue_dma source(%dma_start3A_223 : memref<1x256xf32, #tpu.memory_space<vmem_shared>>) target(%dma_start3A_221 : memref<1x256xf32, #tpu.memory_space<vmem>>) target_semaphore(%arg12 : memref<!tpu.dma_semaphore, #tpu.memory_space<semaphore_mem>>)
    }
    %scan3A_30 = arith.constant 16 : i32
    %dma_wait3A = arith.constant 0 : i32
    %dma_wait3A_31 = arith.constant 0 : i32
    %dma_wait3A_32 = tpu.memref_slice %arg2[%dma_wait3A, %dma_wait3A_31] : memref<4096x256xf32, #tpu.memory_space<hbm>> -> memref<128x256xf32, #tpu.memory_space<hbm>>
    %dma_wait3A_33 = arith.constant 0 : i32
    %dma_wait3A_34 = arith.constant 0 : i32
    %dma_wait3A_35 = tpu.memref_slice %arg2[%dma_wait3A_33, %dma_wait3A_34] : memref<4096x256xf32, #tpu.memory_space<hbm>> -> memref<128x256xf32, #tpu.memory_space<hbm>>
    tpu.wait_dma2 semaphore(%arg11 : memref<!tpu.dma_semaphore, #tpu.memory_space<semaphore_mem>>) src(%dma_wait3A_35 : memref<128x256xf32, #tpu.memory_space<hbm>>) dst(%arg9 : memref<128x256xf32, #tpu.memory_space<vmem>>)
    %add3A_36 = arith.constant 0 : i32
    %add3A_37 = arith.addi %add3A_19, %add3A_36 : i32
    "tpu.region"() ({
      %run_scoped3A = tpu.sem_alloc : memref<!tpu.dma_semaphore, #tpu.memory_space<semaphore_mem>>
      %dma_start3A = arith.constant 0 : i32
      %dma_start3A_97 = tpu.memref_slice %arg5[%add3A_37, %dma_start3A] : memref<16384x256xf32, #tpu.memory_space<hbm>> -> memref<128x256xf32, #tpu.memory_space<hbm>>
      %dma_start3A_98 = arith.constant 0 : i32
      %dma_start3A_99 = tpu.memref_slice %arg5[%add3A_37, %dma_start3A_98] : memref<16384x256xf32, #tpu.memory_space<hbm>> -> memref<128x256xf32, #tpu.memory_space<hbm>>
      tpu.enqueue_dma source(%arg9 : memref<128x256xf32, #tpu.memory_space<vmem>>) target(%dma_start3A_99 : memref<128x256xf32, #tpu.memory_space<hbm>>) target_semaphore(%run_scoped3A : memref<!tpu.dma_semaphore, #tpu.memory_space<semaphore_mem>>)
      %dma_wait3A_100 = arith.constant 0 : i32
      %dma_wait3A_101 = tpu.memref_slice %arg5[%add3A_37, %dma_wait3A_100] : memref<16384x256xf32, #tpu.memory_space<hbm>> -> memref<128x256xf32, #tpu.memory_space<hbm>>
      %dma_wait3A_102 = arith.constant 0 : i32
      %dma_wait3A_103 = tpu.memref_slice %arg5[%add3A_37, %dma_wait3A_102] : memref<16384x256xf32, #tpu.memory_space<hbm>> -> memref<128x256xf32, #tpu.memory_space<hbm>>
      tpu.wait_dma2 semaphore(%run_scoped3A : memref<!tpu.dma_semaphore, #tpu.memory_space<semaphore_mem>>) src(%arg9 : memref<128x256xf32, #tpu.memory_space<vmem>>) dst(%dma_wait3A_103 : memref<128x256xf32, #tpu.memory_space<hbm>>)
      tpu.yield
    }) : () -> ()
    %dma_wait3A_38 = arith.constant 0 : i32
    %dma_wait3A_39 = arith.constant 0 : i32
    %dma_wait3A_40 = tpu.memref_slice %arg2[%dma_wait3A_38, %dma_wait3A_39] : memref<4096x256xf32, #tpu.memory_space<hbm>> -> memref<128x256xf32, #tpu.memory_space<hbm>>
    %dma_wait3A_41 = arith.constant 0 : i32
    %dma_wait3A_42 = arith.constant 0 : i32
    %dma_wait3A_43 = tpu.memref_slice %arg2[%dma_wait3A_41, %dma_wait3A_42] : memref<4096x256xf32, #tpu.memory_space<hbm>> -> memref<128x256xf32, #tpu.memory_space<hbm>>
    tpu.wait_dma2 semaphore(%arg12 : memref<!tpu.dma_semaphore, #tpu.memory_space<semaphore_mem>>) src(%dma_wait3A_43 : memref<128x256xf32, #tpu.memory_space<hbm>>) dst(%arg10 : memref<128x256xf32, #tpu.memory_space<vmem>>)
    %add3A_44 = arith.constant 128 : i32
    %add3A_45 = arith.addi %add3A_19, %add3A_44 : i32
    "tpu.region"() ({
      %run_scoped3A = tpu.sem_alloc : memref<!tpu.dma_semaphore, #tpu.memory_space<semaphore_mem>>
      %dma_start3A = arith.constant 0 : i32
      %dma_start3A_97 = tpu.memref_slice %arg5[%add3A_45, %dma_start3A] : memref<16384x256xf32, #tpu.memory_space<hbm>> -> memref<128x256xf32, #tpu.memory_space<hbm>>
      %dma_start3A_98 = arith.constant 0 : i32
      %dma_start3A_99 = tpu.memref_slice %arg5[%add3A_45, %dma_start3A_98] : memref<16384x256xf32, #tpu.memory_space<hbm>> -> memref<128x256xf32, #tpu.memory_space<hbm>>
      tpu.enqueue_dma source(%arg10 : memref<128x256xf32, #tpu.memory_space<vmem>>) target(%dma_start3A_99 : memref<128x256xf32, #tpu.memory_space<hbm>>) target_semaphore(%run_scoped3A : memref<!tpu.dma_semaphore, #tpu.memory_space<semaphore_mem>>)
      %dma_wait3A_100 = arith.constant 0 : i32
      %dma_wait3A_101 = tpu.memref_slice %arg5[%add3A_45, %dma_wait3A_100] : memref<16384x256xf32, #tpu.memory_space<hbm>> -> memref<128x256xf32, #tpu.memory_space<hbm>>
      %dma_wait3A_102 = arith.constant 0 : i32
      %dma_wait3A_103 = tpu.memref_slice %arg5[%add3A_45, %dma_wait3A_102] : memref<16384x256xf32, #tpu.memory_space<hbm>> -> memref<128x256xf32, #tpu.memory_space<hbm>>
      tpu.wait_dma2 semaphore(%run_scoped3A : memref<!tpu.dma_semaphore, #tpu.memory_space<semaphore_mem>>) src(%arg10 : memref<128x256xf32, #tpu.memory_space<vmem>>) dst(%dma_wait3A_103 : memref<128x256xf32, #tpu.memory_space<hbm>>)
      tpu.yield
    }) : () -> ()
    %barrier3A_46 = arith.constant 0 : index
    tpu.barrier barrier_id(%barrier3A_46)
    %mul3A_47 = arith.constant 2 : i32
    %mul3A_48 = arith.muli %mul3A_47, %arg0 : i32
    %add3A_49 = arith.constant 1 : i32
    %add3A_50 = arith.addi %mul3A_48, %add3A_49 : i32
    %mul3A_51 = arith.constant 1024 : i32
    %mul3A_52 = arith.muli %add3A_50, %mul3A_51 : i32
    %mul3A_53 = arith.constant 64 : i32
    %mul3A_54 = arith.muli %arg1, %mul3A_53 : i32
    %add3A_55 = arith.addi %mul3A_52, %mul3A_54 : i32
    %mul3A_56 = arith.constant 64 : i32
    %mul3A_57 = arith.muli %arg1, %mul3A_56 : i32
    "tpu.region"() ({
      %run_scoped3A = tpu.sem_alloc : memref<!tpu.dma_semaphore, #tpu.memory_space<semaphore_mem>>
      %dma_start3A = arith.constant 0 : i32
      %dma_start3A_97 = tpu.memref_slice %arg6[%mul3A_57, %dma_start3A] : memref<1032x256xf32, #tpu.memory_space<vmem_shared>> -> memref<64x256xf32, #tpu.memory_space<vmem_shared>>
      %dma_start3A_98 = arith.constant 0 : i32
      %dma_start3A_99 = tpu.memref_slice %arg2[%add3A_55, %dma_start3A_98] : memref<4096x256xf32, #tpu.memory_space<hbm>> -> memref<64x256xf32, #tpu.memory_space<hbm>>
      tpu.enqueue_dma source(%dma_start3A_99 : memref<64x256xf32, #tpu.memory_space<hbm>>) target(%dma_start3A_97 : memref<64x256xf32, #tpu.memory_space<vmem_shared>>) target_semaphore(%run_scoped3A : memref<!tpu.dma_semaphore, #tpu.memory_space<semaphore_mem>>)
      %dma_wait3A_100 = arith.constant 0 : i32
      %dma_wait3A_101 = tpu.memref_slice %arg6[%mul3A_57, %dma_wait3A_100] : memref<1032x256xf32, #tpu.memory_space<vmem_shared>> -> memref<64x256xf32, #tpu.memory_space<vmem_shared>>
      %dma_wait3A_102 = arith.constant 0 : i32
      %dma_wait3A_103 = tpu.memref_slice %arg2[%add3A_55, %dma_wait3A_102] : memref<4096x256xf32, #tpu.memory_space<hbm>> -> memref<64x256xf32, #tpu.memory_space<hbm>>
      tpu.wait_dma2 semaphore(%run_scoped3A : memref<!tpu.dma_semaphore, #tpu.memory_space<semaphore_mem>>) src(%dma_wait3A_103 : memref<64x256xf32, #tpu.memory_space<hbm>>) dst(%dma_wait3A_101 : memref<64x256xf32, #tpu.memory_space<vmem_shared>>)
      tpu.yield
    }) : () -> ()
    %barrier3A_58 = arith.constant 0 : index
    tpu.barrier barrier_id(%barrier3A_58)
    %mul3A_59 = arith.constant 2 : i32
    %mul3A_60 = arith.muli %arg0, %mul3A_59 : i32
    %add3A_61 = arith.constant 1 : i32
    %add3A_62 = arith.addi %mul3A_60, %add3A_61 : i32
    %mul3A_63 = arith.constant 4096 : i32
    %mul3A_64 = arith.muli %add3A_62, %mul3A_63 : i32
    %mul3A_65 = arith.constant 256 : i32
    %mul3A_66 = arith.muli %arg1, %mul3A_65 : i32
    %add3A_67 = arith.addi %mul3A_64, %mul3A_66 : i32
    %scan3A_68 = arith.constant 0 : i32
    %scan3A_69 = arith.constant 0 : i32
    %scan3A_70 = arith.constant 16 : i32
    %scan3A_71 = arith.addi %scan3A_69, %scan3A_70 : i32
    %scan3A_72 = arith.constant 1 : i32
    scf.for %scan3A_97 = %scan3A_69 to %scan3A_71 step %scan3A_72  : i32 {
      %mul3A_98 = arith.constant 8 : i32
      %mul3A_99 = arith.muli %scan3A_97, %mul3A_98 : i32
      %add3A_100 = arith.constant 0 : i32
      %add3A_101 = arith.addi %mul3A_99, %add3A_100 : i32
      %add3A_102 = arith.constant 256 : i32
      %add3A_103 = arith.addi %add3A_102, %add3A_101 : i32
      %get3A = arith.index_cast %add3A_103 : i32 to index
      %get3A_104 = memref.load %arg8[%get3A] : memref<512xi32, #tpu.memory_space<smem>>
      %dma_start3A = arith.constant 0 : i32
      %dma_start3A_105 = tpu.memref_slice %arg9[%add3A_101, %dma_start3A] : memref<128x256xf32, #tpu.memory_space<vmem>> -> memref<1x256xf32, #tpu.memory_space<vmem>>
      %dma_start3A_106 = arith.constant 0 : i32
      %dma_start3A_107 = tpu.memref_slice %arg6[%get3A_104, %dma_start3A_106] : memref<1032x256xf32, #tpu.memory_space<vmem_shared>> -> memref<1x256xf32, #tpu.memory_space<vmem_shared>>
      %dma_start3A_108 = arith.constant 0 : i32
      %dma_start3A_109 = tpu.memref_slice %arg9[%add3A_101, %dma_start3A_108] : memref<128x256xf32, #tpu.memory_space<vmem>> -> memref<1x256xf32, #tpu.memory_space<vmem>>
      %dma_start3A_110 = arith.constant 0 : i32
      %dma_start3A_111 = tpu.memref_slice %arg6[%get3A_104, %dma_start3A_110] : memref<1032x256xf32, #tpu.memory_space<vmem_shared>> -> memref<1x256xf32, #tpu.memory_space<vmem_shared>>
      tpu.enqueue_dma source(%dma_start3A_111 : memref<1x256xf32, #tpu.memory_space<vmem_shared>>) target(%dma_start3A_109 : memref<1x256xf32, #tpu.memory_space<vmem>>) target_semaphore(%arg11 : memref<!tpu.dma_semaphore, #tpu.memory_space<semaphore_mem>>)
      %mul3A_112 = arith.constant 8 : i32
      %mul3A_113 = arith.muli %scan3A_97, %mul3A_112 : i32
      %add3A_114 = arith.constant 1 : i32
      %add3A_115 = arith.addi %mul3A_113, %add3A_114 : i32
      %add3A_116 = arith.constant 256 : i32
      %add3A_117 = arith.addi %add3A_116, %add3A_115 : i32
      %get3A_118 = arith.index_cast %add3A_117 : i32 to index
      %get3A_119 = memref.load %arg8[%get3A_118] : memref<512xi32, #tpu.memory_space<smem>>
      %dma_start3A_120 = arith.constant 0 : i32
      %dma_start3A_121 = tpu.memref_slice %arg9[%add3A_115, %dma_start3A_120] : memref<128x256xf32, #tpu.memory_space<vmem>> -> memref<1x256xf32, #tpu.memory_space<vmem>>
      %dma_start3A_122 = arith.constant 0 : i32
      %dma_start3A_123 = tpu.memref_slice %arg6[%get3A_119, %dma_start3A_122] : memref<1032x256xf32, #tpu.memory_space<vmem_shared>> -> memref<1x256xf32, #tpu.memory_space<vmem_shared>>
      %dma_start3A_124 = arith.constant 0 : i32
      %dma_start3A_125 = tpu.memref_slice %arg9[%add3A_115, %dma_start3A_124] : memref<128x256xf32, #tpu.memory_space<vmem>> -> memref<1x256xf32, #tpu.memory_space<vmem>>
      %dma_start3A_126 = arith.constant 0 : i32
      %dma_start3A_127 = tpu.memref_slice %arg6[%get3A_119, %dma_start3A_126] : memref<1032x256xf32, #tpu.memory_space<vmem_shared>> -> memref<1x256xf32, #tpu.memory_space<vmem_shared>>
      tpu.enqueue_dma source(%dma_start3A_127 : memref<1x256xf32, #tpu.memory_space<vmem_shared>>) target(%dma_start3A_125 : memref<1x256xf32, #tpu.memory_space<vmem>>) target_semaphore(%arg11 : memref<!tpu.dma_semaphore, #tpu.memory_space<semaphore_mem>>)
      %mul3A_128 = arith.constant 8 : i32
      %mul3A_129 = arith.muli %scan3A_97, %mul3A_128 : i32
      %add3A_130 = arith.constant 2 : i32
      %add3A_131 = arith.addi %mul3A_129, %add3A_130 : i32
      %add3A_132 = arith.constant 256 : i32
      %add3A_133 = arith.addi %add3A_132, %add3A_131 : i32
      %get3A_134 = arith.index_cast %add3A_133 : i32 to index
      %get3A_135 = memref.load %arg8[%get3A_134] : memref<512xi32, #tpu.memory_space<smem>>
      %dma_start3A_136 = arith.constant 0 : i32
      %dma_start3A_137 = tpu.memref_slice %arg9[%add3A_131, %dma_start3A_136] : memref<128x256xf32, #tpu.memory_space<vmem>> -> memref<1x256xf32, #tpu.memory_space<vmem>>
      %dma_start3A_138 = arith.constant 0 : i32
      %dma_start3A_139 = tpu.memref_slice %arg6[%get3A_135, %dma_start3A_138] : memref<1032x256xf32, #tpu.memory_space<vmem_shared>> -> memref<1x256xf32, #tpu.memory_space<vmem_shared>>
      %dma_start3A_140 = arith.constant 0 : i32
      %dma_start3A_141 = tpu.memref_slice %arg9[%add3A_131, %dma_start3A_140] : memref<128x256xf32, #tpu.memory_space<vmem>> -> memref<1x256xf32, #tpu.memory_space<vmem>>
      %dma_start3A_142 = arith.constant 0 : i32
      %dma_start3A_143 = tpu.memref_slice %arg6[%get3A_135, %dma_start3A_142] : memref<1032x256xf32, #tpu.memory_space<vmem_shared>> -> memref<1x256xf32, #tpu.memory_space<vmem_shared>>
      tpu.enqueue_dma source(%dma_start3A_143 : memref<1x256xf32, #tpu.memory_space<vmem_shared>>) target(%dma_start3A_141 : memref<1x256xf32, #tpu.memory_space<vmem>>) target_semaphore(%arg11 : memref<!tpu.dma_semaphore, #tpu.memory_space<semaphore_mem>>)
      %mul3A_144 = arith.constant 8 : i32
      %mul3A_145 = arith.muli %scan3A_97, %mul3A_144 : i32
      %add3A_146 = arith.constant 3 : i32
      %add3A_147 = arith.addi %mul3A_145, %add3A_146 : i32
      %add3A_148 = arith.constant 256 : i32
      %add3A_149 = arith.addi %add3A_148, %add3A_147 : i32
      %get3A_150 = arith.index_cast %add3A_149 : i32 to index
      %get3A_151 = memref.load %arg8[%get3A_150] : memref<512xi32, #tpu.memory_space<smem>>
      %dma_start3A_152 = arith.constant 0 : i32
      %dma_start3A_153 = tpu.memref_slice %arg9[%add3A_147, %dma_start3A_152] : memref<128x256xf32, #tpu.memory_space<vmem>> -> memref<1x256xf32, #tpu.memory_space<vmem>>
      %dma_start3A_154 = arith.constant 0 : i32
      %dma_start3A_155 = tpu.memref_slice %arg6[%get3A_151, %dma_start3A_154] : memref<1032x256xf32, #tpu.memory_space<vmem_shared>> -> memref<1x256xf32, #tpu.memory_space<vmem_shared>>
      %dma_start3A_156 = arith.constant 0 : i32
      %dma_start3A_157 = tpu.memref_slice %arg9[%add3A_147, %dma_start3A_156] : memref<128x256xf32, #tpu.memory_space<vmem>> -> memref<1x256xf32, #tpu.memory_space<vmem>>
      %dma_start3A_158 = arith.constant 0 : i32
      %dma_start3A_159 = tpu.memref_slice %arg6[%get3A_151, %dma_start3A_158] : memref<1032x256xf32, #tpu.memory_space<vmem_shared>> -> memref<1x256xf32, #tpu.memory_space<vmem_shared>>
      tpu.enqueue_dma source(%dma_start3A_159 : memref<1x256xf32, #tpu.memory_space<vmem_shared>>) target(%dma_start3A_157 : memref<1x256xf32, #tpu.memory_space<vmem>>) target_semaphore(%arg11 : memref<!tpu.dma_semaphore, #tpu.memory_space<semaphore_mem>>)
      %mul3A_160 = arith.constant 8 : i32
      %mul3A_161 = arith.muli %scan3A_97, %mul3A_160 : i32
      %add3A_162 = arith.constant 4 : i32
      %add3A_163 = arith.addi %mul3A_161, %add3A_162 : i32
      %add3A_164 = arith.constant 256 : i32
      %add3A_165 = arith.addi %add3A_164, %add3A_163 : i32
      %get3A_166 = arith.index_cast %add3A_165 : i32 to index
      %get3A_167 = memref.load %arg8[%get3A_166] : memref<512xi32, #tpu.memory_space<smem>>
      %dma_start3A_168 = arith.constant 0 : i32
      %dma_start3A_169 = tpu.memref_slice %arg9[%add3A_163, %dma_start3A_168] : memref<128x256xf32, #tpu.memory_space<vmem>> -> memref<1x256xf32, #tpu.memory_space<vmem>>
      %dma_start3A_170 = arith.constant 0 : i32
      %dma_start3A_171 = tpu.memref_slice %arg6[%get3A_167, %dma_start3A_170] : memref<1032x256xf32, #tpu.memory_space<vmem_shared>> -> memref<1x256xf32, #tpu.memory_space<vmem_shared>>
      %dma_start3A_172 = arith.constant 0 : i32
      %dma_start3A_173 = tpu.memref_slice %arg9[%add3A_163, %dma_start3A_172] : memref<128x256xf32, #tpu.memory_space<vmem>> -> memref<1x256xf32, #tpu.memory_space<vmem>>
      %dma_start3A_174 = arith.constant 0 : i32
      %dma_start3A_175 = tpu.memref_slice %arg6[%get3A_167, %dma_start3A_174] : memref<1032x256xf32, #tpu.memory_space<vmem_shared>> -> memref<1x256xf32, #tpu.memory_space<vmem_shared>>
      tpu.enqueue_dma source(%dma_start3A_175 : memref<1x256xf32, #tpu.memory_space<vmem_shared>>) target(%dma_start3A_173 : memref<1x256xf32, #tpu.memory_space<vmem>>) target_semaphore(%arg11 : memref<!tpu.dma_semaphore, #tpu.memory_space<semaphore_mem>>)
      %mul3A_176 = arith.constant 8 : i32
      %mul3A_177 = arith.muli %scan3A_97, %mul3A_176 : i32
      %add3A_178 = arith.constant 5 : i32
      %add3A_179 = arith.addi %mul3A_177, %add3A_178 : i32
      %add3A_180 = arith.constant 256 : i32
      %add3A_181 = arith.addi %add3A_180, %add3A_179 : i32
      %get3A_182 = arith.index_cast %add3A_181 : i32 to index
      %get3A_183 = memref.load %arg8[%get3A_182] : memref<512xi32, #tpu.memory_space<smem>>
      %dma_start3A_184 = arith.constant 0 : i32
      %dma_start3A_185 = tpu.memref_slice %arg9[%add3A_179, %dma_start3A_184] : memref<128x256xf32, #tpu.memory_space<vmem>> -> memref<1x256xf32, #tpu.memory_space<vmem>>
      %dma_start3A_186 = arith.constant 0 : i32
      %dma_start3A_187 = tpu.memref_slice %arg6[%get3A_183, %dma_start3A_186] : memref<1032x256xf32, #tpu.memory_space<vmem_shared>> -> memref<1x256xf32, #tpu.memory_space<vmem_shared>>
      %dma_start3A_188 = arith.constant 0 : i32
      %dma_start3A_189 = tpu.memref_slice %arg9[%add3A_179, %dma_start3A_188] : memref<128x256xf32, #tpu.memory_space<vmem>> -> memref<1x256xf32, #tpu.memory_space<vmem>>
      %dma_start3A_190 = arith.constant 0 : i32
      %dma_start3A_191 = tpu.memref_slice %arg6[%get3A_183, %dma_start3A_190] : memref<1032x256xf32, #tpu.memory_space<vmem_shared>> -> memref<1x256xf32, #tpu.memory_space<vmem_shared>>
      tpu.enqueue_dma source(%dma_start3A_191 : memref<1x256xf32, #tpu.memory_space<vmem_shared>>) target(%dma_start3A_189 : memref<1x256xf32, #tpu.memory_space<vmem>>) target_semaphore(%arg11 : memref<!tpu.dma_semaphore, #tpu.memory_space<semaphore_mem>>)
      %mul3A_192 = arith.constant 8 : i32
      %mul3A_193 = arith.muli %scan3A_97, %mul3A_192 : i32
      %add3A_194 = arith.constant 6 : i32
      %add3A_195 = arith.addi %mul3A_193, %add3A_194 : i32
      %add3A_196 = arith.constant 256 : i32
      %add3A_197 = arith.addi %add3A_196, %add3A_195 : i32
      %get3A_198 = arith.index_cast %add3A_197 : i32 to index
      %get3A_199 = memref.load %arg8[%get3A_198] : memref<512xi32, #tpu.memory_space<smem>>
      %dma_start3A_200 = arith.constant 0 : i32
      %dma_start3A_201 = tpu.memref_slice %arg9[%add3A_195, %dma_start3A_200] : memref<128x256xf32, #tpu.memory_space<vmem>> -> memref<1x256xf32, #tpu.memory_space<vmem>>
      %dma_start3A_202 = arith.constant 0 : i32
      %dma_start3A_203 = tpu.memref_slice %arg6[%get3A_199, %dma_start3A_202] : memref<1032x256xf32, #tpu.memory_space<vmem_shared>> -> memref<1x256xf32, #tpu.memory_space<vmem_shared>>
      %dma_start3A_204 = arith.constant 0 : i32
      %dma_start3A_205 = tpu.memref_slice %arg9[%add3A_195, %dma_start3A_204] : memref<128x256xf32, #tpu.memory_space<vmem>> -> memref<1x256xf32, #tpu.memory_space<vmem>>
      %dma_start3A_206 = arith.constant 0 : i32
      %dma_start3A_207 = tpu.memref_slice %arg6[%get3A_199, %dma_start3A_206] : memref<1032x256xf32, #tpu.memory_space<vmem_shared>> -> memref<1x256xf32, #tpu.memory_space<vmem_shared>>
      tpu.enqueue_dma source(%dma_start3A_207 : memref<1x256xf32, #tpu.memory_space<vmem_shared>>) target(%dma_start3A_205 : memref<1x256xf32, #tpu.memory_space<vmem>>) target_semaphore(%arg11 : memref<!tpu.dma_semaphore, #tpu.memory_space<semaphore_mem>>)
      %mul3A_208 = arith.constant 8 : i32
      %mul3A_209 = arith.muli %scan3A_97, %mul3A_208 : i32
      %add3A_210 = arith.constant 7 : i32
      %add3A_211 = arith.addi %mul3A_209, %add3A_210 : i32
      %add3A_212 = arith.constant 256 : i32
      %add3A_213 = arith.addi %add3A_212, %add3A_211 : i32
      %get3A_214 = arith.index_cast %add3A_213 : i32 to index
      %get3A_215 = memref.load %arg8[%get3A_214] : memref<512xi32, #tpu.memory_space<smem>>
      %dma_start3A_216 = arith.constant 0 : i32
      %dma_start3A_217 = tpu.memref_slice %arg9[%add3A_211, %dma_start3A_216] : memref<128x256xf32, #tpu.memory_space<vmem>> -> memref<1x256xf32, #tpu.memory_space<vmem>>
      %dma_start3A_218 = arith.constant 0 : i32
      %dma_start3A_219 = tpu.memref_slice %arg6[%get3A_215, %dma_start3A_218] : memref<1032x256xf32, #tpu.memory_space<vmem_shared>> -> memref<1x256xf32, #tpu.memory_space<vmem_shared>>
      %dma_start3A_220 = arith.constant 0 : i32
      %dma_start3A_221 = tpu.memref_slice %arg9[%add3A_211, %dma_start3A_220] : memref<128x256xf32, #tpu.memory_space<vmem>> -> memref<1x256xf32, #tpu.memory_space<vmem>>
      %dma_start3A_222 = arith.constant 0 : i32
      %dma_start3A_223 = tpu.memref_slice %arg6[%get3A_215, %dma_start3A_222] : memref<1032x256xf32, #tpu.memory_space<vmem_shared>> -> memref<1x256xf32, #tpu.memory_space<vmem_shared>>
      tpu.enqueue_dma source(%dma_start3A_223 : memref<1x256xf32, #tpu.memory_space<vmem_shared>>) target(%dma_start3A_221 : memref<1x256xf32, #tpu.memory_space<vmem>>) target_semaphore(%arg11 : memref<!tpu.dma_semaphore, #tpu.memory_space<semaphore_mem>>)
    }
    %scan3A_73 = arith.constant 16 : i32
    %scan3A_74 = arith.constant 0 : i32
    %scan3A_75 = arith.constant 0 : i32
    %scan3A_76 = arith.constant 16 : i32
    %scan3A_77 = arith.addi %scan3A_75, %scan3A_76 : i32
    %scan3A_78 = arith.constant 1 : i32
    scf.for %scan3A_97 = %scan3A_75 to %scan3A_77 step %scan3A_78  : i32 {
      %mul3A_98 = arith.constant 8 : i32
      %mul3A_99 = arith.muli %scan3A_97, %mul3A_98 : i32
      %add3A_100 = arith.constant 0 : i32
      %add3A_101 = arith.addi %mul3A_99, %add3A_100 : i32
      %add3A_102 = arith.constant 384 : i32
      %add3A_103 = arith.addi %add3A_102, %add3A_101 : i32
      %get3A = arith.index_cast %add3A_103 : i32 to index
      %get3A_104 = memref.load %arg8[%get3A] : memref<512xi32, #tpu.memory_space<smem>>
      %dma_start3A = arith.constant 0 : i32
      %dma_start3A_105 = tpu.memref_slice %arg10[%add3A_101, %dma_start3A] : memref<128x256xf32, #tpu.memory_space<vmem>> -> memref<1x256xf32, #tpu.memory_space<vmem>>
      %dma_start3A_106 = arith.constant 0 : i32
      %dma_start3A_107 = tpu.memref_slice %arg6[%get3A_104, %dma_start3A_106] : memref<1032x256xf32, #tpu.memory_space<vmem_shared>> -> memref<1x256xf32, #tpu.memory_space<vmem_shared>>
      %dma_start3A_108 = arith.constant 0 : i32
      %dma_start3A_109 = tpu.memref_slice %arg10[%add3A_101, %dma_start3A_108] : memref<128x256xf32, #tpu.memory_space<vmem>> -> memref<1x256xf32, #tpu.memory_space<vmem>>
      %dma_start3A_110 = arith.constant 0 : i32
      %dma_start3A_111 = tpu.memref_slice %arg6[%get3A_104, %dma_start3A_110] : memref<1032x256xf32, #tpu.memory_space<vmem_shared>> -> memref<1x256xf32, #tpu.memory_space<vmem_shared>>
      tpu.enqueue_dma source(%dma_start3A_111 : memref<1x256xf32, #tpu.memory_space<vmem_shared>>) target(%dma_start3A_109 : memref<1x256xf32, #tpu.memory_space<vmem>>) target_semaphore(%arg12 : memref<!tpu.dma_semaphore, #tpu.memory_space<semaphore_mem>>)
      %mul3A_112 = arith.constant 8 : i32
      %mul3A_113 = arith.muli %scan3A_97, %mul3A_112 : i32
      %add3A_114 = arith.constant 1 : i32
      %add3A_115 = arith.addi %mul3A_113, %add3A_114 : i32
      %add3A_116 = arith.constant 384 : i32
      %add3A_117 = arith.addi %add3A_116, %add3A_115 : i32
      %get3A_118 = arith.index_cast %add3A_117 : i32 to index
      %get3A_119 = memref.load %arg8[%get3A_118] : memref<512xi32, #tpu.memory_space<smem>>
      %dma_start3A_120 = arith.constant 0 : i32
      %dma_start3A_121 = tpu.memref_slice %arg10[%add3A_115, %dma_start3A_120] : memref<128x256xf32, #tpu.memory_space<vmem>> -> memref<1x256xf32, #tpu.memory_space<vmem>>
      %dma_start3A_122 = arith.constant 0 : i32
      %dma_start3A_123 = tpu.memref_slice %arg6[%get3A_119, %dma_start3A_122] : memref<1032x256xf32, #tpu.memory_space<vmem_shared>> -> memref<1x256xf32, #tpu.memory_space<vmem_shared>>
      %dma_start3A_124 = arith.constant 0 : i32
      %dma_start3A_125 = tpu.memref_slice %arg10[%add3A_115, %dma_start3A_124] : memref<128x256xf32, #tpu.memory_space<vmem>> -> memref<1x256xf32, #tpu.memory_space<vmem>>
      %dma_start3A_126 = arith.constant 0 : i32
      %dma_start3A_127 = tpu.memref_slice %arg6[%get3A_119, %dma_start3A_126] : memref<1032x256xf32, #tpu.memory_space<vmem_shared>> -> memref<1x256xf32, #tpu.memory_space<vmem_shared>>
      tpu.enqueue_dma source(%dma_start3A_127 : memref<1x256xf32, #tpu.memory_space<vmem_shared>>) target(%dma_start3A_125 : memref<1x256xf32, #tpu.memory_space<vmem>>) target_semaphore(%arg12 : memref<!tpu.dma_semaphore, #tpu.memory_space<semaphore_mem>>)
      %mul3A_128 = arith.constant 8 : i32
      %mul3A_129 = arith.muli %scan3A_97, %mul3A_128 : i32
      %add3A_130 = arith.constant 2 : i32
      %add3A_131 = arith.addi %mul3A_129, %add3A_130 : i32
      %add3A_132 = arith.constant 384 : i32
      %add3A_133 = arith.addi %add3A_132, %add3A_131 : i32
      %get3A_134 = arith.index_cast %add3A_133 : i32 to index
      %get3A_135 = memref.load %arg8[%get3A_134] : memref<512xi32, #tpu.memory_space<smem>>
      %dma_start3A_136 = arith.constant 0 : i32
      %dma_start3A_137 = tpu.memref_slice %arg10[%add3A_131, %dma_start3A_136] : memref<128x256xf32, #tpu.memory_space<vmem>> -> memref<1x256xf32, #tpu.memory_space<vmem>>
      %dma_start3A_138 = arith.constant 0 : i32
      %dma_start3A_139 = tpu.memref_slice %arg6[%get3A_135, %dma_start3A_138] : memref<1032x256xf32, #tpu.memory_space<vmem_shared>> -> memref<1x256xf32, #tpu.memory_space<vmem_shared>>
      %dma_start3A_140 = arith.constant 0 : i32
      %dma_start3A_141 = tpu.memref_slice %arg10[%add3A_131, %dma_start3A_140] : memref<128x256xf32, #tpu.memory_space<vmem>> -> memref<1x256xf32, #tpu.memory_space<vmem>>
      %dma_start3A_142 = arith.constant 0 : i32
      %dma_start3A_143 = tpu.memref_slice %arg6[%get3A_135, %dma_start3A_142] : memref<1032x256xf32, #tpu.memory_space<vmem_shared>> -> memref<1x256xf32, #tpu.memory_space<vmem_shared>>
      tpu.enqueue_dma source(%dma_start3A_143 : memref<1x256xf32, #tpu.memory_space<vmem_shared>>) target(%dma_start3A_141 : memref<1x256xf32, #tpu.memory_space<vmem>>) target_semaphore(%arg12 : memref<!tpu.dma_semaphore, #tpu.memory_space<semaphore_mem>>)
      %mul3A_144 = arith.constant 8 : i32
      %mul3A_145 = arith.muli %scan3A_97, %mul3A_144 : i32
      %add3A_146 = arith.constant 3 : i32
      %add3A_147 = arith.addi %mul3A_145, %add3A_146 : i32
      %add3A_148 = arith.constant 384 : i32
      %add3A_149 = arith.addi %add3A_148, %add3A_147 : i32
      %get3A_150 = arith.index_cast %add3A_149 : i32 to index
      %get3A_151 = memref.load %arg8[%get3A_150] : memref<512xi32, #tpu.memory_space<smem>>
      %dma_start3A_152 = arith.constant 0 : i32
      %dma_start3A_153 = tpu.memref_slice %arg10[%add3A_147, %dma_start3A_152] : memref<128x256xf32, #tpu.memory_space<vmem>> -> memref<1x256xf32, #tpu.memory_space<vmem>>
      %dma_start3A_154 = arith.constant 0 : i32
      %dma_start3A_155 = tpu.memref_slice %arg6[%get3A_151, %dma_start3A_154] : memref<1032x256xf32, #tpu.memory_space<vmem_shared>> -> memref<1x256xf32, #tpu.memory_space<vmem_shared>>
      %dma_start3A_156 = arith.constant 0 : i32
      %dma_start3A_157 = tpu.memref_slice %arg10[%add3A_147, %dma_start3A_156] : memref<128x256xf32, #tpu.memory_space<vmem>> -> memref<1x256xf32, #tpu.memory_space<vmem>>
      %dma_start3A_158 = arith.constant 0 : i32
      %dma_start3A_159 = tpu.memref_slice %arg6[%get3A_151, %dma_start3A_158] : memref<1032x256xf32, #tpu.memory_space<vmem_shared>> -> memref<1x256xf32, #tpu.memory_space<vmem_shared>>
      tpu.enqueue_dma source(%dma_start3A_159 : memref<1x256xf32, #tpu.memory_space<vmem_shared>>) target(%dma_start3A_157 : memref<1x256xf32, #tpu.memory_space<vmem>>) target_semaphore(%arg12 : memref<!tpu.dma_semaphore, #tpu.memory_space<semaphore_mem>>)
      %mul3A_160 = arith.constant 8 : i32
      %mul3A_161 = arith.muli %scan3A_97, %mul3A_160 : i32
      %add3A_162 = arith.constant 4 : i32
      %add3A_163 = arith.addi %mul3A_161, %add3A_162 : i32
      %add3A_164 = arith.constant 384 : i32
      %add3A_165 = arith.addi %add3A_164, %add3A_163 : i32
      %get3A_166 = arith.index_cast %add3A_165 : i32 to index
      %get3A_167 = memref.load %arg8[%get3A_166] : memref<512xi32, #tpu.memory_space<smem>>
      %dma_start3A_168 = arith.constant 0 : i32
      %dma_start3A_169 = tpu.memref_slice %arg10[%add3A_163, %dma_start3A_168] : memref<128x256xf32, #tpu.memory_space<vmem>> -> memref<1x256xf32, #tpu.memory_space<vmem>>
      %dma_start3A_170 = arith.constant 0 : i32
      %dma_start3A_171 = tpu.memref_slice %arg6[%get3A_167, %dma_start3A_170] : memref<1032x256xf32, #tpu.memory_space<vmem_shared>> -> memref<1x256xf32, #tpu.memory_space<vmem_shared>>
      %dma_start3A_172 = arith.constant 0 : i32
      %dma_start3A_173 = tpu.memref_slice %arg10[%add3A_163, %dma_start3A_172] : memref<128x256xf32, #tpu.memory_space<vmem>> -> memref<1x256xf32, #tpu.memory_space<vmem>>
      %dma_start3A_174 = arith.constant 0 : i32
      %dma_start3A_175 = tpu.memref_slice %arg6[%get3A_167, %dma_start3A_174] : memref<1032x256xf32, #tpu.memory_space<vmem_shared>> -> memref<1x256xf32, #tpu.memory_space<vmem_shared>>
      tpu.enqueue_dma source(%dma_start3A_175 : memref<1x256xf32, #tpu.memory_space<vmem_shared>>) target(%dma_start3A_173 : memref<1x256xf32, #tpu.memory_space<vmem>>) target_semaphore(%arg12 : memref<!tpu.dma_semaphore, #tpu.memory_space<semaphore_mem>>)
      %mul3A_176 = arith.constant 8 : i32
      %mul3A_177 = arith.muli %scan3A_97, %mul3A_176 : i32
      %add3A_178 = arith.constant 5 : i32
      %add3A_179 = arith.addi %mul3A_177, %add3A_178 : i32
      %add3A_180 = arith.constant 384 : i32
      %add3A_181 = arith.addi %add3A_180, %add3A_179 : i32
      %get3A_182 = arith.index_cast %add3A_181 : i32 to index
      %get3A_183 = memref.load %arg8[%get3A_182] : memref<512xi32, #tpu.memory_space<smem>>
      %dma_start3A_184 = arith.constant 0 : i32
      %dma_start3A_185 = tpu.memref_slice %arg10[%add3A_179, %dma_start3A_184] : memref<128x256xf32, #tpu.memory_space<vmem>> -> memref<1x256xf32, #tpu.memory_space<vmem>>
      %dma_start3A_186 = arith.constant 0 : i32
      %dma_start3A_187 = tpu.memref_slice %arg6[%get3A_183, %dma_start3A_186] : memref<1032x256xf32, #tpu.memory_space<vmem_shared>> -> memref<1x256xf32, #tpu.memory_space<vmem_shared>>
      %dma_start3A_188 = arith.constant 0 : i32
      %dma_start3A_189 = tpu.memref_slice %arg10[%add3A_179, %dma_start3A_188] : memref<128x256xf32, #tpu.memory_space<vmem>> -> memref<1x256xf32, #tpu.memory_space<vmem>>
      %dma_start3A_190 = arith.constant 0 : i32
      %dma_start3A_191 = tpu.memref_slice %arg6[%get3A_183, %dma_start3A_190] : memref<1032x256xf32, #tpu.memory_space<vmem_shared>> -> memref<1x256xf32, #tpu.memory_space<vmem_shared>>
      tpu.enqueue_dma source(%dma_start3A_191 : memref<1x256xf32, #tpu.memory_space<vmem_shared>>) target(%dma_start3A_189 : memref<1x256xf32, #tpu.memory_space<vmem>>) target_semaphore(%arg12 : memref<!tpu.dma_semaphore, #tpu.memory_space<semaphore_mem>>)
      %mul3A_192 = arith.constant 8 : i32
      %mul3A_193 = arith.muli %scan3A_97, %mul3A_192 : i32
      %add3A_194 = arith.constant 6 : i32
      %add3A_195 = arith.addi %mul3A_193, %add3A_194 : i32
      %add3A_196 = arith.constant 384 : i32
      %add3A_197 = arith.addi %add3A_196, %add3A_195 : i32
      %get3A_198 = arith.index_cast %add3A_197 : i32 to index
      %get3A_199 = memref.load %arg8[%get3A_198] : memref<512xi32, #tpu.memory_space<smem>>
      %dma_start3A_200 = arith.constant 0 : i32
      %dma_start3A_201 = tpu.memref_slice %arg10[%add3A_195, %dma_start3A_200] : memref<128x256xf32, #tpu.memory_space<vmem>> -> memref<1x256xf32, #tpu.memory_space<vmem>>
      %dma_start3A_202 = arith.constant 0 : i32
      %dma_start3A_203 = tpu.memref_slice %arg6[%get3A_199, %dma_start3A_202] : memref<1032x256xf32, #tpu.memory_space<vmem_shared>> -> memref<1x256xf32, #tpu.memory_space<vmem_shared>>
      %dma_start3A_204 = arith.constant 0 : i32
      %dma_start3A_205 = tpu.memref_slice %arg10[%add3A_195, %dma_start3A_204] : memref<128x256xf32, #tpu.memory_space<vmem>> -> memref<1x256xf32, #tpu.memory_space<vmem>>
      %dma_start3A_206 = arith.constant 0 : i32
      %dma_start3A_207 = tpu.memref_slice %arg6[%get3A_199, %dma_start3A_206] : memref<1032x256xf32, #tpu.memory_space<vmem_shared>> -> memref<1x256xf32, #tpu.memory_space<vmem_shared>>
      tpu.enqueue_dma source(%dma_start3A_207 : memref<1x256xf32, #tpu.memory_space<vmem_shared>>) target(%dma_start3A_205 : memref<1x256xf32, #tpu.memory_space<vmem>>) target_semaphore(%arg12 : memref<!tpu.dma_semaphore, #tpu.memory_space<semaphore_mem>>)
      %mul3A_208 = arith.constant 8 : i32
      %mul3A_209 = arith.muli %scan3A_97, %mul3A_208 : i32
      %add3A_210 = arith.constant 7 : i32
      %add3A_211 = arith.addi %mul3A_209, %add3A_210 : i32
      %add3A_212 = arith.constant 384 : i32
      %add3A_213 = arith.addi %add3A_212, %add3A_211 : i32
      %get3A_214 = arith.index_cast %add3A_213 : i32 to index
      %get3A_215 = memref.load %arg8[%get3A_214] : memref<512xi32, #tpu.memory_space<smem>>
      %dma_start3A_216 = arith.constant 0 : i32
      %dma_start3A_217 = tpu.memref_slice %arg10[%add3A_211, %dma_start3A_216] : memref<128x256xf32, #tpu.memory_space<vmem>> -> memref<1x256xf32, #tpu.memory_space<vmem>>
      %dma_start3A_218 = arith.constant 0 : i32
      %dma_start3A_219 = tpu.memref_slice %arg6[%get3A_215, %dma_start3A_218] : memref<1032x256xf32, #tpu.memory_space<vmem_shared>> -> memref<1x256xf32, #tpu.memory_space<vmem_shared>>
      %dma_start3A_220 = arith.constant 0 : i32
      %dma_start3A_221 = tpu.memref_slice %arg10[%add3A_211, %dma_start3A_220] : memref<128x256xf32, #tpu.memory_space<vmem>> -> memref<1x256xf32, #tpu.memory_space<vmem>>
      %dma_start3A_222 = arith.constant 0 : i32
      %dma_start3A_223 = tpu.memref_slice %arg6[%get3A_215, %dma_start3A_222] : memref<1032x256xf32, #tpu.memory_space<vmem_shared>> -> memref<1x256xf32, #tpu.memory_space<vmem_shared>>
      tpu.enqueue_dma source(%dma_start3A_223 : memref<1x256xf32, #tpu.memory_space<vmem_shared>>) target(%dma_start3A_221 : memref<1x256xf32, #tpu.memory_space<vmem>>) target_semaphore(%arg12 : memref<!tpu.dma_semaphore, #tpu.memory_space<semaphore_mem>>)
    }
    %scan3A_79 = arith.constant 16 : i32
    %dma_wait3A_80 = arith.constant 0 : i32
    %dma_wait3A_81 = arith.constant 0 : i32
    %dma_wait3A_82 = tpu.memref_slice %arg2[%dma_wait3A_80, %dma_wait3A_81] : memref<4096x256xf32, #tpu.memory_space<hbm>> -> memref<128x256xf32, #tpu.memory_space<hbm>>
    %dma_wait3A_83 = arith.constant 0 : i32
    %dma_wait3A_84 = arith.constant 0 : i32
    %dma_wait3A_85 = tpu.memref_slice %arg2[%dma_wait3A_83, %dma_wait3A_84] : memref<4096x256xf32, #tpu.memory_space<hbm>> -> memref<128x256xf32, #tpu.memory_space<hbm>>
    tpu.wait_dma2 semaphore(%arg11 : memref<!tpu.dma_semaphore, #tpu.memory_space<semaphore_mem>>) src(%dma_wait3A_85 : memref<128x256xf32, #tpu.memory_space<hbm>>) dst(%arg9 : memref<128x256xf32, #tpu.memory_space<vmem>>)
    %add3A_86 = arith.constant 0 : i32
    %add3A_87 = arith.addi %add3A_67, %add3A_86 : i32
    "tpu.region"() ({
      %run_scoped3A = tpu.sem_alloc : memref<!tpu.dma_semaphore, #tpu.memory_space<semaphore_mem>>
      %dma_start3A = arith.constant 0 : i32
      %dma_start3A_97 = tpu.memref_slice %arg5[%add3A_87, %dma_start3A] : memref<16384x256xf32, #tpu.memory_space<hbm>> -> memref<128x256xf32, #tpu.memory_space<hbm>>
      %dma_start3A_98 = arith.constant 0 : i32
      %dma_start3A_99 = tpu.memref_slice %arg5[%add3A_87, %dma_start3A_98] : memref<16384x256xf32, #tpu.memory_space<hbm>> -> memref<128x256xf32, #tpu.memory_space<hbm>>
      tpu.enqueue_dma source(%arg9 : memref<128x256xf32, #tpu.memory_space<vmem>>) target(%dma_start3A_99 : memref<128x256xf32, #tpu.memory_space<hbm>>) target_semaphore(%run_scoped3A : memref<!tpu.dma_semaphore, #tpu.memory_space<semaphore_mem>>)
      %dma_wait3A_100 = arith.constant 0 : i32
      %dma_wait3A_101 = tpu.memref_slice %arg5[%add3A_87, %dma_wait3A_100] : memref<16384x256xf32, #tpu.memory_space<hbm>> -> memref<128x256xf32, #tpu.memory_space<hbm>>
      %dma_wait3A_102 = arith.constant 0 : i32
      %dma_wait3A_103 = tpu.memref_slice %arg5[%add3A_87, %dma_wait3A_102] : memref<16384x256xf32, #tpu.memory_space<hbm>> -> memref<128x256xf32, #tpu.memory_space<hbm>>
      tpu.wait_dma2 semaphore(%run_scoped3A : memref<!tpu.dma_semaphore, #tpu.memory_space<semaphore_mem>>) src(%arg9 : memref<128x256xf32, #tpu.memory_space<vmem>>) dst(%dma_wait3A_103 : memref<128x256xf32, #tpu.memory_space<hbm>>)
      tpu.yield
    }) : () -> ()
    %dma_wait3A_88 = arith.constant 0 : i32
    %dma_wait3A_89 = arith.constant 0 : i32
    %dma_wait3A_90 = tpu.memref_slice %arg2[%dma_wait3A_88, %dma_wait3A_89] : memref<4096x256xf32, #tpu.memory_space<hbm>> -> memref<128x256xf32, #tpu.memory_space<hbm>>
    %dma_wait3A_91 = arith.constant 0 : i32
    %dma_wait3A_92 = arith.constant 0 : i32
    %dma_wait3A_93 = tpu.memref_slice %arg2[%dma_wait3A_91, %dma_wait3A_92] : memref<4096x256xf32, #tpu.memory_space<hbm>> -> memref<128x256xf32, #tpu.memory_space<hbm>>
    tpu.wait_dma2 semaphore(%arg12 : memref<!tpu.dma_semaphore, #tpu.memory_space<semaphore_mem>>) src(%dma_wait3A_93 : memref<128x256xf32, #tpu.memory_space<hbm>>) dst(%arg10 : memref<128x256xf32, #tpu.memory_space<vmem>>)
    %add3A_94 = arith.constant 128 : i32
    %add3A_95 = arith.addi %add3A_67, %add3A_94 : i32
    "tpu.region"() ({
      %run_scoped3A = tpu.sem_alloc : memref<!tpu.dma_semaphore, #tpu.memory_space<semaphore_mem>>
      %dma_start3A = arith.constant 0 : i32
      %dma_start3A_97 = tpu.memref_slice %arg5[%add3A_95, %dma_start3A] : memref<16384x256xf32, #tpu.memory_space<hbm>> -> memref<128x256xf32, #tpu.memory_space<hbm>>
      %dma_start3A_98 = arith.constant 0 : i32
      %dma_start3A_99 = tpu.memref_slice %arg5[%add3A_95, %dma_start3A_98] : memref<16384x256xf32, #tpu.memory_space<hbm>> -> memref<128x256xf32, #tpu.memory_space<hbm>>
      tpu.enqueue_dma source(%arg10 : memref<128x256xf32, #tpu.memory_space<vmem>>) target(%dma_start3A_99 : memref<128x256xf32, #tpu.memory_space<hbm>>) target_semaphore(%run_scoped3A : memref<!tpu.dma_semaphore, #tpu.memory_space<semaphore_mem>>)
      %dma_wait3A_100 = arith.constant 0 : i32
      %dma_wait3A_101 = tpu.memref_slice %arg5[%add3A_95, %dma_wait3A_100] : memref<16384x256xf32, #tpu.memory_space<hbm>> -> memref<128x256xf32, #tpu.memory_space<hbm>>
      %dma_wait3A_102 = arith.constant 0 : i32
      %dma_wait3A_103 = tpu.memref_slice %arg5[%add3A_95, %dma_wait3A_102] : memref<16384x256xf32, #tpu.memory_space<hbm>> -> memref<128x256xf32, #tpu.memory_space<hbm>>
      tpu.wait_dma2 semaphore(%run_scoped3A : memref<!tpu.dma_semaphore, #tpu.memory_space<semaphore_mem>>) src(%arg10 : memref<128x256xf32, #tpu.memory_space<vmem>>) dst(%dma_wait3A_103 : memref<128x256xf32, #tpu.memory_space<hbm>>)
      tpu.yield
    }) : () -> ()
    %barrier3A_96 = arith.constant 0 : index
    tpu.barrier barrier_id(%barrier3A_96)
    return
  }
}

module attributes {stable_mosaic.version = 14 : i64} {
  func.func @_idx_body(%arg0: i32, %arg1: memref<1x512x256xf32, #tpu.memory_space<vmem>>, %arg2: memref<1x512x1xf32, #tpu.memory_space<vmem>>, %arg3: memref<1x512x1xf32, #tpu.memory_space<vmem>>, %arg4: memref<1x512x1xi32, #tpu.memory_space<vmem>>, %arg5: memref<1x256xf32, #tpu.memory_space<vmem>>, %arg6: memref<1x256xf32, #tpu.memory_space<vmem>>, %arg7: memref<256x256xf32, #tpu.memory_space<vmem>>, %arg8: memref<256x256xf32, #tpu.memory_space<vmem>>, %arg9: memref<1x512x256xf32, #tpu.memory_space<vmem>>, %arg10: memref<512x256xf32, #tpu.memory_space<vmem>>, %arg11: memref<1x1x2048xi32, #tpu.memory_space<vmem>>, %arg12: memref<1x1x2048xi32, #tpu.memory_space<vmem>>, %arg13: memref<1x1x1xi32, #tpu.memory_space<vmem>>) attributes {dimension_semantics = [#tpu.dimension_semantics<arbitrary>], iteration_bounds = array<i64: 8>, scalar_prefetch = 0 : i64, scratch_operands = 0 : i64, tpu.core_type = #tpu.core_type<tc>, window_params = [{transform_indices = @transform_0, window_bounds = array<i64: 1, 512, 256>}, {transform_indices = @transform_1, window_bounds = array<i64: 1, 512, 1>}, {transform_indices = @transform_2, window_bounds = array<i64: 1, 512, 1>}, {transform_indices = @transform_3, window_bounds = array<i64: 1, 512, 1>}, {pipeline_mode = #tpu.pipeline_mode<synchronous>, transform_indices = @transform_4, window_bounds = array<i64: 1, 256>}, {pipeline_mode = #tpu.pipeline_mode<synchronous>, transform_indices = @transform_5, window_bounds = array<i64: 1, 256>}, {pipeline_mode = #tpu.pipeline_mode<synchronous>, transform_indices = @transform_6, window_bounds = array<i64: 256, 256>}, {pipeline_mode = #tpu.pipeline_mode<synchronous>, transform_indices = @transform_7, window_bounds = array<i64: 256, 256>}, {transform_indices = @transform_8, window_bounds = array<i64: 1, 512, 256>}, {transform_indices = @transform_9, window_bounds = array<i64: 512, 256>}, {transform_indices = @transform_10, window_bounds = array<i64: 1, 1, 2048>}, {transform_indices = @transform_11, window_bounds = array<i64: 1, 1, 2048>}, {transform_indices = @transform_12, window_bounds = array<i64: 1, 1, 1>}]} {
    %get3A = arith.constant 0 : index
    %get3A_0 = arith.constant 0 : index
    %get3A_1 = arith.constant 0 : index
    %get3A_2 = vector.load %arg1[%get3A, %get3A_0, %get3A_1] : memref<1x512x256xf32, #tpu.memory_space<vmem>>, vector<1x512x256xf32>
    %get3A_3 = vector.shape_cast %get3A_2 : vector<1x512x256xf32> to vector<512x256xf32>
    %get3A_4 = arith.constant 0 : index
    %get3A_5 = arith.constant 0 : index
    %get3A_6 = arith.constant 0 : index
    %get3A_7 = vector.load %arg2[%get3A_4, %get3A_5, %get3A_6] : memref<1x512x1xf32, #tpu.memory_space<vmem>>, vector<1x512x1xf32>
    %get3A_8 = vector.shape_cast %get3A_7 : vector<1x512x1xf32> to vector<512x1xf32>
    %get3A_9 = arith.constant 0 : index
    %get3A_10 = arith.constant 0 : index
    %get3A_11 = arith.constant 0 : index
    %get3A_12 = vector.load %arg3[%get3A_9, %get3A_10, %get3A_11] : memref<1x512x1xf32, #tpu.memory_space<vmem>>, vector<1x512x1xf32>
    %get3A_13 = vector.shape_cast %get3A_12 : vector<1x512x1xf32> to vector<512x1xf32>
    %get3A_14 = arith.constant 0 : index
    %get3A_15 = arith.constant 0 : index
    %get3A_16 = arith.constant 0 : index
    %get3A_17 = vector.load %arg4[%get3A_14, %get3A_15, %get3A_16] : memref<1x512x1xi32, #tpu.memory_space<vmem>>, vector<1x512x1xi32>
    %get3A_18 = vector.shape_cast %get3A_17 : vector<1x512x1xi32> to vector<512x1xi32>
    %convert_element_type3A = arith.sitofp %get3A_18 : vector<512x1xi32> to vector<512x1xf32>
    %get3A_19 = arith.constant 0 : index
    %get3A_20 = arith.constant 0 : index
    %get3A_21 = vector.load %arg5[%get3A_19, %get3A_20] : memref<1x256xf32, #tpu.memory_space<vmem>>, vector<1x256xf32>
    %get3A_22 = arith.constant 0 : index
    %get3A_23 = arith.constant 0 : index
    %get3A_24 = vector.load %arg6[%get3A_22, %get3A_23] : memref<1x256xf32, #tpu.memory_space<vmem>>, vector<1x256xf32>
    %le3A = vector.broadcast %get3A_21 : vector<1x256xf32> to vector<512x256xf32>
    %le3A_25 = vector.broadcast %get3A_8 : vector<512x1xf32> to vector<512x256xf32>
    %le3A_26 = arith.cmpf ole, %le3A, %le3A_25 : vector<512x256xf32>
    %convert_element_type3A_27 = arith.extui %le3A_26 : vector<512x256xi1> to vector<512x256xi32>
    %reduce_sum3A = arith.constant dense<0> : vector<512xi32>
    %reduce_sum3A_28 = vector.multi_reduction <add>, %convert_element_type3A_27, %reduce_sum3A [1] : vector<512x256xi32> to vector<512xi32>
    %broadcast_in_dim3A = vector.shape_cast %reduce_sum3A_28 : vector<512xi32> to vector<512x1xi32>
    %le3A_29 = vector.broadcast %get3A_24 : vector<1x256xf32> to vector<512x256xf32>
    %le3A_30 = vector.broadcast %get3A_13 : vector<512x1xf32> to vector<512x256xf32>
    %le3A_31 = arith.cmpf ole, %le3A_29, %le3A_30 : vector<512x256xf32>
    %convert_element_type3A_32 = arith.extui %le3A_31 : vector<512x256xi1> to vector<512x256xi32>
    %reduce_sum3A_33 = arith.constant dense<0> : vector<512xi32>
    %reduce_sum3A_34 = vector.multi_reduction <add>, %convert_element_type3A_32, %reduce_sum3A_33 [1] : vector<512x256xi32> to vector<512xi32>
    %broadcast_in_dim3A_35 = vector.shape_cast %reduce_sum3A_34 : vector<512xi32> to vector<512x1xi32>
    %iota3A = tpu.iota {dimensions = array<i32: 1>} : vector<512x256xi32>
    %eq3A = vector.broadcast %broadcast_in_dim3A : vector<512x1xi32> to vector<512x256xi32>
    %eq3A_36 = arith.cmpi eq, %iota3A, %eq3A : vector<512x256xi32>
    %convert_element_type3A_37 = arith.extui %eq3A_36 : vector<512x256xi1> to vector<512x256xi32>
    %convert_element_type3A_38 = arith.sitofp %convert_element_type3A_37 : vector<512x256xi32> to vector<512x256xf32>
    %eq3A_39 = vector.broadcast %broadcast_in_dim3A_35 : vector<512x1xi32> to vector<512x256xi32>
    %eq3A_40 = arith.cmpi eq, %iota3A, %eq3A_39 : vector<512x256xi32>
    %convert_element_type3A_41 = arith.extui %eq3A_40 : vector<512x256xi1> to vector<512x256xi32>
    %convert_element_type3A_42 = arith.sitofp %convert_element_type3A_41 : vector<512x256xi32> to vector<512x256xf32>
    %get3A_43 = arith.constant 0 : index
    %get3A_44 = arith.constant 0 : index
    %get3A_45 = vector.load %arg7[%get3A_43, %get3A_44] : memref<256x256xf32, #tpu.memory_space<vmem>>, vector<256x256xf32>
    %dot_general3A = arith.constant dense<0.000000e+00> : vector<512x256xf32>
    %dot_general3A_46 = tpu.matmul %convert_element_type3A_38, %get3A_45, %dot_general3A {dimension_numbers = #tpu.dot_dimension_numbers<[1], [0], [0], [1], [0, 0, 1, 1], [], []>, transpose_lhs_hint = false} : vector<512x256xf32>, vector<256x256xf32>, vector<512x256xf32> -> vector<512x256xf32>
    %add3A = arith.addf %get3A_3, %dot_general3A_46 : vector<512x256xf32>
    %get3A_47 = arith.constant 0 : index
    %get3A_48 = arith.constant 0 : index
    %get3A_49 = vector.load %arg8[%get3A_47, %get3A_48] : memref<256x256xf32, #tpu.memory_space<vmem>>, vector<256x256xf32>
    %dot_general3A_50 = arith.constant dense<0.000000e+00> : vector<512x256xf32>
    %dot_general3A_51 = tpu.matmul %convert_element_type3A_42, %get3A_49, %dot_general3A_50 {dimension_numbers = #tpu.dot_dimension_numbers<[1], [0], [0], [1], [0, 0, 1, 1], [], []>, transpose_lhs_hint = false} : vector<512x256xf32>, vector<256x256xf32>, vector<512x256xf32> -> vector<512x256xf32>
    %add3A_52 = arith.addf %add3A, %dot_general3A_51 : vector<512x256xf32>
    %swap3A = arith.constant 0 : index
    %swap3A_53 = arith.constant 0 : index
    %swap3A_54 = arith.constant 0 : index
    %swap3A_55 = vector.load %arg9[%swap3A, %swap3A_53, %swap3A_54] : memref<1x512x256xf32, #tpu.memory_space<vmem>>, vector<1x512x256xf32>
    %swap3A_56 = vector.shape_cast %swap3A_55 : vector<1x512x256xf32> to vector<512x256xf32>
    %swap3A_57 = vector.shape_cast %add3A : vector<512x256xf32> to vector<1x512x256xf32>
    tpu.vector_store %arg9[%swap3A, %swap3A_53, %swap3A_54], %swap3A_57 {strides = array<i32>} : memref<1x512x256xf32, #tpu.memory_space<vmem>>, vector<1x512x256xf32>,
    %swap3A_58 = arith.constant 0 : index
    %swap3A_59 = arith.constant 0 : index
    %swap3A_60 = vector.load %arg10[%swap3A_58, %swap3A_59] : memref<512x256xf32, #tpu.memory_space<vmem>>, vector<512x256xf32>
    tpu.vector_store %arg10[%swap3A_58, %swap3A_59], %add3A_52 {strides = array<i32>} : memref<512x256xf32, #tpu.memory_space<vmem>>, vector<512x256xf32>,
    %iota3A_61 = tpu.iota {dimensions = array<i32: 0>} : vector<512x512xi32>
    %iota3A_62 = tpu.iota {dimensions = array<i32: 1>} : vector<512x512xi32>
    %le3A_63 = arith.cmpi sle, %iota3A_62, %iota3A_61 : vector<512x512xi32>
    %convert_element_type3A_64 = arith.extui %le3A_63 : vector<512x512xi1> to vector<512x512xi32>
    %convert_element_type3A_65 = arith.sitofp %convert_element_type3A_64 : vector<512x512xi32> to vector<512x512xf32>
    %dot_general3A_66 = arith.constant dense<0.000000e+00> : vector<512x1xf32>
    %dot_general3A_67 = tpu.matmul %convert_element_type3A_65, %convert_element_type3A, %dot_general3A_66 {dimension_numbers = #tpu.dot_dimension_numbers<[1], [0], [0], [1], [0, 0, 1, 1], [], []>, transpose_lhs_hint = false} : vector<512x512xf32>, vector<512x1xf32>, vector<512x1xf32> -> vector<512x1xf32>
    %iota3A_68 = tpu.iota {dimensions = array<i32: 1>} : vector<1x2048xi32>
    %convert_element_type3A_69 = arith.sitofp %iota3A_68 : vector<1x2048xi32> to vector<1x2048xf32>
    %le3A_70 = vector.broadcast %dot_general3A_67 : vector<512x1xf32> to vector<512x2048xf32>
    %le3A_71 = vector.broadcast %convert_element_type3A_69 : vector<1x2048xf32> to vector<512x2048xf32>
    %le3A_72 = arith.cmpf ole, %le3A_70, %le3A_71 : vector<512x2048xf32>
    %convert_element_type3A_73 = arith.extui %le3A_72 : vector<512x2048xi1> to vector<512x2048xi32>
    %reduce_sum3A_74 = arith.constant dense<0> : vector<2048xi32>
    %reduce_sum3A_75 = vector.multi_reduction <add>, %convert_element_type3A_73, %reduce_sum3A_74 [0] : vector<512x2048xi32> to vector<2048xi32>
    %broadcast_in_dim3A_76 = vector.shape_cast %reduce_sum3A_75 : vector<2048xi32> to vector<1x2048xi32>
    %ge3A = arith.constant 512 : i32
    %ge3A_77 = vector.broadcast %ge3A : i32 to vector<1x2048xi32>
    %ge3A_78 = arith.cmpi sge, %broadcast_in_dim3A_76, %ge3A_77 : vector<1x2048xi32>
    %convert_element_type3A_79 = arith.extui %ge3A_78 : vector<1x2048xi1> to vector<1x2048xi32>
    %eq3A_80 = arith.constant 1 : i32
    %eq3A_81 = vector.broadcast %eq3A_80 : i32 to vector<1x2048xi32>
    %eq3A_82 = arith.cmpi eq, %convert_element_type3A_79, %eq3A_81 : vector<1x2048xi32>
    %jit3A = arith.constant 2 : i32
    %eq3A_83 = arith.constant 0 : i32
    %eq3A_84 = arith.cmpi eq, %jit3A, %eq3A_83 : i32
    %jit3A_85 = arith.constant 1 : i32
    %select_n3A = arith.select %eq3A_84, %jit3A_85, %jit3A : i32
    %rem3A = arith.remsi %arg0, %select_n3A : i32
    %ne3A = arith.constant 0 : i32
    %ne3A_86 = arith.cmpi ne, %rem3A, %ne3A : i32
    %lt3A = arith.constant 0 : i32
    %lt3A_87 = arith.cmpi slt, %rem3A, %lt3A : i32
    %lt3A_88 = arith.constant 0 : i32
    %lt3A_89 = arith.cmpi slt, %select_n3A, %lt3A_88 : i32
    %ne3A_90 = arith.xori %lt3A_87, %lt3A_89 : i1
    %and3A = arith.andi %ne3A_90, %ne3A_86 : i1
    %add3A_91 = arith.addi %rem3A, %select_n3A : i32
    %select_n3A_92 = arith.select %and3A, %add3A_91, %rem3A : i32
    %mul3A = arith.constant 512 : i32
    %mul3A_93 = arith.muli %select_n3A_92, %mul3A : i32
    %add3A_94 = vector.broadcast %mul3A_93 : i32 to vector<1x2048xi32>
    %add3A_95 = arith.addi %add3A_94, %broadcast_in_dim3A_76 : vector<1x2048xi32>
    %jit3A_96 = arith.constant 1024 : i32
    %broadcast_in_dim3A_97 = vector.broadcast %jit3A_96 : i32 to vector<1x2048xi32>
    %select_n3A_98 = arith.select %eq3A_82, %broadcast_in_dim3A_97, %add3A_95 : vector<1x2048xi1>, vector<1x2048xi32>
    %swap3A_99 = arith.constant 0 : index
    %swap3A_100 = arith.constant 0 : index
    %swap3A_101 = arith.constant 0 : index
    %swap3A_102 = vector.load %arg11[%swap3A_99, %swap3A_100, %swap3A_101] : memref<1x1x2048xi32, #tpu.memory_space<vmem>>, vector<1x1x2048xi32>
    %swap3A_103 = vector.shape_cast %swap3A_102 : vector<1x1x2048xi32> to vector<1x2048xi32>
    %swap3A_104 = vector.shape_cast %select_n3A_98 : vector<1x2048xi32> to vector<1x1x2048xi32>
    tpu.vector_store %arg11[%swap3A_99, %swap3A_100, %swap3A_101], %swap3A_104 {strides = array<i32>} : memref<1x1x2048xi32, #tpu.memory_space<vmem>>, vector<1x1x2048xi32>,
    %swap3A_105 = arith.constant 0 : index
    %swap3A_106 = arith.constant 0 : index
    %swap3A_107 = arith.constant 0 : index
    %swap3A_108 = vector.load %arg12[%swap3A_105, %swap3A_106, %swap3A_107] : memref<1x1x2048xi32, #tpu.memory_space<vmem>>, vector<1x1x2048xi32>
    %swap3A_109 = vector.shape_cast %swap3A_108 : vector<1x1x2048xi32> to vector<1x2048xi32>
    %swap3A_110 = vector.shape_cast %convert_element_type3A_79 : vector<1x2048xi32> to vector<1x1x2048xi32>
    tpu.vector_store %arg12[%swap3A_105, %swap3A_106, %swap3A_107], %swap3A_110 {strides = array<i32>} : memref<1x1x2048xi32, #tpu.memory_space<vmem>>, vector<1x1x2048xi32>,
    %slice3A = vector.extract_strided_slice %dot_general3A_67 {offsets = [511, 0], sizes = [1, 1], strides = [1, 1]} : vector<512x1xf32> to vector<1x1xf32>
    %convert_element_type3A_111 = arith.fptosi %slice3A : vector<1x1xf32> to vector<1x1xi32>
    %swap3A_112 = arith.constant 0 : index
    %swap3A_113 = arith.constant 0 : index
    %swap3A_114 = arith.constant 0 : index
    %swap3A_115 = vector.load %arg13[%swap3A_112, %swap3A_113, %swap3A_114] : memref<1x1x1xi32, #tpu.memory_space<vmem>>, vector<1x1x1xi32>
    %swap3A_116 = vector.shape_cast %swap3A_115 : vector<1x1x1xi32> to vector<1x1xi32>
    %swap3A_117 = vector.shape_cast %convert_element_type3A_111 : vector<1x1xi32> to vector<1x1x1xi32>
    tpu.vector_store %arg13[%swap3A_112, %swap3A_113, %swap3A_114], %swap3A_117 {strides = array<i32>} : memref<1x1x1xi32, #tpu.memory_space<vmem>>, vector<1x1x1xi32>,
    return
  }
  func.func @transform_0(%arg0: i32) -> (i32, i32, i32) {
    %c0_i32 = arith.constant 0 : i32
    %c0_i32_0 = arith.constant 0 : i32
    %c0_i32_1 = arith.constant 0 : i32
    return %arg0, %c0_i32, %c0_i32_0 : i32, i32, i32
  }
  func.func @transform_1(%arg0: i32) -> (i32, i32, i32) {
    %c0_i32 = arith.constant 0 : i32
    %c0_i32_0 = arith.constant 0 : i32
    %c0_i32_1 = arith.constant 0 : i32
    return %arg0, %c0_i32, %c0_i32_0 : i32, i32, i32
  }
  func.func @transform_2(%arg0: i32) -> (i32, i32, i32) {
    %c0_i32 = arith.constant 0 : i32
    %c0_i32_0 = arith.constant 0 : i32
    %c0_i32_1 = arith.constant 0 : i32
    return %arg0, %c0_i32, %c0_i32_0 : i32, i32, i32
  }
  func.func @transform_3(%arg0: i32) -> (i32, i32, i32) {
    %c0_i32 = arith.constant 0 : i32
    %c0_i32_0 = arith.constant 0 : i32
    %c0_i32_1 = arith.constant 0 : i32
    return %arg0, %c0_i32, %c0_i32_0 : i32, i32, i32
  }
  func.func @transform_4(%arg0: i32) -> (i32, i32) {
    %c0_i32 = arith.constant 0 : i32
    %c0_i32_0 = arith.constant 0 : i32
    %c0_i32_1 = arith.constant 0 : i32
    return %c0_i32, %c0_i32_0 : i32, i32
  }
  func.func @transform_5(%arg0: i32) -> (i32, i32) {
    %c0_i32 = arith.constant 0 : i32
    %c0_i32_0 = arith.constant 0 : i32
    %c0_i32_1 = arith.constant 0 : i32
    return %c0_i32, %c0_i32_0 : i32, i32
  }
  func.func @transform_6(%arg0: i32) -> (i32, i32) {
    %c0_i32 = arith.constant 0 : i32
    %c0_i32_0 = arith.constant 0 : i32
    %c0_i32_1 = arith.constant 0 : i32
    return %c0_i32, %c0_i32_0 : i32, i32
  }
  func.func @transform_7(%arg0: i32) -> (i32, i32) {
    %c0_i32 = arith.constant 0 : i32
    %c0_i32_0 = arith.constant 0 : i32
    %c0_i32_1 = arith.constant 0 : i32
    return %c0_i32, %c0_i32_0 : i32, i32
  }
  func.func @transform_8(%arg0: i32) -> (i32, i32, i32) {
    %c0_i32 = arith.constant 0 : i32
    %c0_i32_0 = arith.constant 0 : i32
    %c0_i32_1 = arith.constant 0 : i32
    return %arg0, %c0_i32, %c0_i32_0 : i32, i32, i32
  }
  func.func @transform_9(%arg0: i32) -> (i32, i32) {
    %c0_i32 = arith.constant 0 : i32
    %c0_i32_0 = arith.constant 0 : i32
    return %arg0, %c0_i32 : i32, i32
  }
  func.func @transform_10(%arg0: i32) -> (i32, i32, i32) {
    %c0_i32 = arith.constant 0 : i32
    %c0_i32_0 = arith.constant 0 : i32
    %c0_i32_1 = arith.constant 0 : i32
    return %arg0, %c0_i32, %c0_i32_0 : i32, i32, i32
  }
  func.func @transform_11(%arg0: i32) -> (i32, i32, i32) {
    %c0_i32 = arith.constant 0 : i32
    %c0_i32_0 = arith.constant 0 : i32
    %c0_i32_1 = arith.constant 0 : i32
    return %arg0, %c0_i32, %c0_i32_0 : i32, i32, i32
  }
  func.func @transform_12(%arg0: i32) -> (i32, i32, i32) {
    %c0_i32 = arith.constant 0 : i32
    %c0_i32_0 = arith.constant 0 : i32
    %c0_i32_1 = arith.constant 0 : i32
    return %arg0, %c0_i32, %c0_i32_0 : i32, i32, i32
  }
}

module attributes {stable_mosaic.version = 14 : i64} {
  func.func @_pred_body(%arg0: i32, %arg1: memref<1x512x256xf32, #tpu.memory_space<vmem>>, %arg2: memref<1x512x256xf32, #tpu.memory_space<vmem>>, %arg3: memref<3x3x256x256xf32, #tpu.memory_space<vmem>>, %arg4: memref<3x3x256x256xf32, #tpu.memory_space<vmem>>, %arg5: memref<3x7x1x256xf32, #tpu.memory_space<vmem>>, %arg6: memref<3x1x1xf32, #tpu.memory_space<vmem>>, %arg7: memref<1x512x1xf32, #tpu.memory_space<vmem>>, %arg8: memref<1x512x1xf32, #tpu.memory_space<vmem>>, %arg9: memref<1x512x1xf32, #tpu.memory_space<vmem>>) attributes {dimension_semantics = [#tpu.dimension_semantics<arbitrary>], iteration_bounds = array<i64: 8>, scalar_prefetch = 0 : i64, scratch_operands = 0 : i64, tpu.core_type = #tpu.core_type<tc>, window_params = [{transform_indices = @transform_0, window_bounds = array<i64: 1, 512, 256>}, {transform_indices = @transform_1, window_bounds = array<i64: 1, 512, 256>}, {pipeline_mode = #tpu.pipeline_mode<synchronous>, transform_indices = @transform_2, window_bounds = array<i64: 3, 3, 256, 256>}, {pipeline_mode = #tpu.pipeline_mode<synchronous>, transform_indices = @transform_3, window_bounds = array<i64: 3, 3, 256, 256>}, {pipeline_mode = #tpu.pipeline_mode<synchronous>, transform_indices = @transform_4, window_bounds = array<i64: 3, 7, 1, 256>}, {pipeline_mode = #tpu.pipeline_mode<synchronous>, transform_indices = @transform_5, window_bounds = array<i64: 3, 1, 1>}, {transform_indices = @transform_6, window_bounds = array<i64: 1, 512, 1>}, {transform_indices = @transform_7, window_bounds = array<i64: 1, 512, 1>}, {transform_indices = @transform_8, window_bounds = array<i64: 1, 512, 1>}]} {
    %get3A = arith.constant 0 : index
    %get3A_0 = arith.constant 0 : index
    %get3A_1 = arith.constant 0 : index
    %get3A_2 = vector.load %arg1[%get3A, %get3A_0, %get3A_1] : memref<1x512x256xf32, #tpu.memory_space<vmem>>, vector<1x512x256xf32>
    %get3A_3 = vector.shape_cast %get3A_2 : vector<1x512x256xf32> to vector<512x256xf32>
    %get3A_4 = arith.constant 0 : index
    %get3A_5 = arith.constant 0 : index
    %get3A_6 = arith.constant 0 : index
    %get3A_7 = vector.load %arg2[%get3A_4, %get3A_5, %get3A_6] : memref<1x512x256xf32, #tpu.memory_space<vmem>>, vector<1x512x256xf32>
    %get3A_8 = vector.shape_cast %get3A_7 : vector<1x512x256xf32> to vector<512x256xf32>
    %get3A_9 = arith.constant 0 : index
    %get3A_10 = arith.constant 0 : index
    %get3A_11 = arith.constant 0 : index
    %get3A_12 = arith.constant 0 : index
    %get3A_13 = vector.load %arg3[%get3A_9, %get3A_10, %get3A_11, %get3A_12] : memref<3x3x256x256xf32, #tpu.memory_space<vmem>>, vector<1x1x256x256xf32>
    %get3A_14 = vector.shape_cast %get3A_13 : vector<1x1x256x256xf32> to vector<256x256xf32>
    %dot_general3A = arith.constant dense<0.000000e+00> : vector<512x256xf32>
    %dot_general3A_15 = tpu.matmul %get3A_3, %get3A_14, %dot_general3A {dimension_numbers = #tpu.dot_dimension_numbers<[1], [0], [0], [1], [0, 0, 1, 1], [], []>, transpose_lhs_hint = false} : vector<512x256xf32>, vector<256x256xf32>, vector<512x256xf32> -> vector<512x256xf32>
    %get3A_16 = arith.constant 0 : index
    %get3A_17 = arith.constant 1 : index
    %get3A_18 = arith.constant 0 : index
    %get3A_19 = arith.constant 0 : index
    %get3A_20 = vector.load %arg3[%get3A_16, %get3A_17, %get3A_18, %get3A_19] : memref<3x3x256x256xf32, #tpu.memory_space<vmem>>, vector<1x1x256x256xf32>
    %get3A_21 = vector.shape_cast %get3A_20 : vector<1x1x256x256xf32> to vector<256x256xf32>
    %dot_general3A_22 = arith.constant dense<0.000000e+00> : vector<512x256xf32>
    %dot_general3A_23 = tpu.matmul %get3A_3, %get3A_21, %dot_general3A_22 {dimension_numbers = #tpu.dot_dimension_numbers<[1], [0], [0], [1], [0, 0, 1, 1], [], []>, transpose_lhs_hint = false} : vector<512x256xf32>, vector<256x256xf32>, vector<512x256xf32> -> vector<512x256xf32>
    %get3A_24 = arith.constant 0 : index
    %get3A_25 = arith.constant 2 : index
    %get3A_26 = arith.constant 0 : index
    %get3A_27 = arith.constant 0 : index
    %get3A_28 = vector.load %arg3[%get3A_24, %get3A_25, %get3A_26, %get3A_27] : memref<3x3x256x256xf32, #tpu.memory_space<vmem>>, vector<1x1x256x256xf32>
    %get3A_29 = vector.shape_cast %get3A_28 : vector<1x1x256x256xf32> to vector<256x256xf32>
    %dot_general3A_30 = arith.constant dense<0.000000e+00> : vector<512x256xf32>
    %dot_general3A_31 = tpu.matmul %get3A_3, %get3A_29, %dot_general3A_30 {dimension_numbers = #tpu.dot_dimension_numbers<[1], [0], [0], [1], [0, 0, 1, 1], [], []>, transpose_lhs_hint = false} : vector<512x256xf32>, vector<256x256xf32>, vector<512x256xf32> -> vector<512x256xf32>
    %broadcast_in_dim3A = arith.constant 0.000000e+00 : f32
    %broadcast_in_dim3A_32 = vector.broadcast %broadcast_in_dim3A : f32 to vector<1x256xf32>
    %slice3A = vector.extract_strided_slice %dot_general3A_15 {offsets = [0, 0], sizes = [511, 256], strides = [1, 1]} : vector<512x256xf32> to vector<511x256xf32>
    %concatenate3A = tpu.concatenate %broadcast_in_dim3A_32, %slice3A in 0 : vector<1x256xf32>, vector<511x256xf32> -> vector<512x256xf32>
    %add3A = arith.addf %concatenate3A, %dot_general3A_23 : vector<512x256xf32>
    %slice3A_33 = vector.extract_strided_slice %dot_general3A_31 {offsets = [1, 0], sizes = [511, 256], strides = [1, 1]} : vector<512x256xf32> to vector<511x256xf32>
    %broadcast_in_dim3A_34 = arith.constant 0.000000e+00 : f32
    %broadcast_in_dim3A_35 = vector.broadcast %broadcast_in_dim3A_34 : f32 to vector<1x256xf32>
    %concatenate3A_36 = tpu.concatenate %slice3A_33, %broadcast_in_dim3A_35 in 0 : vector<511x256xf32>, vector<1x256xf32> -> vector<512x256xf32>
    %add3A_37 = arith.addf %add3A, %concatenate3A_36 : vector<512x256xf32>
    %get3A_38 = arith.constant 0 : index
    %get3A_39 = arith.constant 0 : index
    %get3A_40 = arith.constant 0 : index
    %get3A_41 = arith.constant 0 : index
    %get3A_42 = vector.load %arg5[%get3A_38, %get3A_39, %get3A_40, %get3A_41] : memref<3x7x1x256xf32, #tpu.memory_space<vmem>>, vector<1x1x1x256xf32>
    %get3A_43 = vector.shape_cast %get3A_42 : vector<1x1x1x256xf32> to vector<1x256xf32>
    %add3A_44 = vector.broadcast %get3A_43 : vector<1x256xf32> to vector<512x256xf32>
    %add3A_45 = arith.addf %add3A_37, %add3A_44 : vector<512x256xf32>
    %max3A = arith.constant 0.000000e+00 : f32
    %max3A_46 = vector.broadcast %max3A : f32 to vector<512x256xf32>
    %max3A_47 = arith.maximumf %add3A_45, %max3A_46 : vector<512x256xf32>
    %get3A_48 = arith.constant 0 : index
    %get3A_49 = arith.constant 1 : index
    %get3A_50 = arith.constant 0 : index
    %get3A_51 = arith.constant 0 : index
    %get3A_52 = vector.load %arg5[%get3A_48, %get3A_49, %get3A_50, %get3A_51] : memref<3x7x1x256xf32, #tpu.memory_space<vmem>>, vector<1x1x1x256xf32>
    %get3A_53 = vector.shape_cast %get3A_52 : vector<1x1x1x256xf32> to vector<1x256xf32>
    %get3A_54 = arith.constant 0 : index
    %get3A_55 = arith.constant 2 : index
    %get3A_56 = arith.constant 0 : index
    %get3A_57 = arith.constant 0 : index
    %get3A_58 = vector.load %arg5[%get3A_54, %get3A_55, %get3A_56, %get3A_57] : memref<3x7x1x256xf32, #tpu.memory_space<vmem>>, vector<1x1x1x256xf32>
    %get3A_59 = vector.shape_cast %get3A_58 : vector<1x1x1x256xf32> to vector<1x256xf32>
    %reduce_sum3A = arith.constant dense<0.000000e+00> : vector<512xf32>
    %reduce_sum3A_60 = vector.multi_reduction <add>, %max3A_47, %reduce_sum3A [1] : vector<512x256xf32> to vector<512xf32>
    %broadcast_in_dim3A_61 = vector.shape_cast %reduce_sum3A_60 : vector<512xf32> to vector<512x1xf32>
    %div3A = arith.constant 2.560000e+02 : f32
    %div3A_62 = vector.broadcast %div3A : f32 to vector<512x1xf32>
    %div3A_63 = arith.divf %broadcast_in_dim3A_61, %div3A_62 : vector<512x1xf32>
    %sub3A = vector.broadcast %div3A_63 : vector<512x1xf32> to vector<512x256xf32>
    %sub3A_64 = arith.subf %max3A_47, %sub3A : vector<512x256xf32>
    %mul3A = arith.mulf %sub3A_64, %sub3A_64 : vector<512x256xf32>
    %reduce_sum3A_65 = arith.constant dense<0.000000e+00> : vector<512xf32>
    %reduce_sum3A_66 = vector.multi_reduction <add>, %mul3A, %reduce_sum3A_65 [1] : vector<512x256xf32> to vector<512xf32>
    %broadcast_in_dim3A_67 = vector.shape_cast %reduce_sum3A_66 : vector<512xf32> to vector<512x1xf32>
    %div3A_68 = arith.constant 2.560000e+02 : f32
    %div3A_69 = vector.broadcast %div3A_68 : f32 to vector<512x1xf32>
    %div3A_70 = arith.divf %broadcast_in_dim3A_67, %div3A_69 : vector<512x1xf32>
    %mul3A_71 = vector.broadcast %get3A_53 : vector<1x256xf32> to vector<512x256xf32>
    %mul3A_72 = arith.mulf %mul3A_71, %sub3A_64 : vector<512x256xf32>
    %add3A_73 = arith.constant 9.99999974E-6 : f32
    %add3A_74 = vector.broadcast %add3A_73 : f32 to vector<512x1xf32>
    %add3A_75 = arith.addf %div3A_70, %add3A_74 : vector<512x1xf32>
    %rsqrt3A = math.rsqrt %add3A_75 : vector<512x1xf32>
    %mul3A_76 = vector.broadcast %rsqrt3A : vector<512x1xf32> to vector<512x256xf32>
    %mul3A_77 = arith.mulf %mul3A_72, %mul3A_76 : vector<512x256xf32>
    %add3A_78 = vector.broadcast %get3A_59 : vector<1x256xf32> to vector<512x256xf32>
    %add3A_79 = arith.addf %mul3A_77, %add3A_78 : vector<512x256xf32>
    %get3A_80 = arith.constant 0 : index
    %get3A_81 = arith.constant 0 : index
    %get3A_82 = arith.constant 0 : index
    %get3A_83 = arith.constant 0 : index
    %get3A_84 = vector.load %arg4[%get3A_80, %get3A_81, %get3A_82, %get3A_83] : memref<3x3x256x256xf32, #tpu.memory_space<vmem>>, vector<1x1x256x256xf32>
    %get3A_85 = vector.shape_cast %get3A_84 : vector<1x1x256x256xf32> to vector<256x256xf32>
    %dot_general3A_86 = arith.constant dense<0.000000e+00> : vector<512x256xf32>
    %dot_general3A_87 = tpu.matmul %add3A_79, %get3A_85, %dot_general3A_86 {dimension_numbers = #tpu.dot_dimension_numbers<[1], [0], [0], [1], [0, 0, 1, 1], [], []>, transpose_lhs_hint = false} : vector<512x256xf32>, vector<256x256xf32>, vector<512x256xf32> -> vector<512x256xf32>
    %get3A_88 = arith.constant 0 : index
    %get3A_89 = arith.constant 1 : index
    %get3A_90 = arith.constant 0 : index
    %get3A_91 = arith.constant 0 : index
    %get3A_92 = vector.load %arg4[%get3A_88, %get3A_89, %get3A_90, %get3A_91] : memref<3x3x256x256xf32, #tpu.memory_space<vmem>>, vector<1x1x256x256xf32>
    %get3A_93 = vector.shape_cast %get3A_92 : vector<1x1x256x256xf32> to vector<256x256xf32>
    %dot_general3A_94 = arith.constant dense<0.000000e+00> : vector<512x256xf32>
    %dot_general3A_95 = tpu.matmul %add3A_79, %get3A_93, %dot_general3A_94 {dimension_numbers = #tpu.dot_dimension_numbers<[1], [0], [0], [1], [0, 0, 1, 1], [], []>, transpose_lhs_hint = false} : vector<512x256xf32>, vector<256x256xf32>, vector<512x256xf32> -> vector<512x256xf32>
    %get3A_96 = arith.constant 0 : index
    %get3A_97 = arith.constant 2 : index
    %get3A_98 = arith.constant 0 : index
    %get3A_99 = arith.constant 0 : index
    %get3A_100 = vector.load %arg4[%get3A_96, %get3A_97, %get3A_98, %get3A_99] : memref<3x3x256x256xf32, #tpu.memory_space<vmem>>, vector<1x1x256x256xf32>
    %get3A_101 = vector.shape_cast %get3A_100 : vector<1x1x256x256xf32> to vector<256x256xf32>
    %dot_general3A_102 = arith.constant dense<0.000000e+00> : vector<512x256xf32>
    %dot_general3A_103 = tpu.matmul %add3A_79, %get3A_101, %dot_general3A_102 {dimension_numbers = #tpu.dot_dimension_numbers<[1], [0], [0], [1], [0, 0, 1, 1], [], []>, transpose_lhs_hint = false} : vector<512x256xf32>, vector<256x256xf32>, vector<512x256xf32> -> vector<512x256xf32>
    %broadcast_in_dim3A_104 = arith.constant 0.000000e+00 : f32
    %broadcast_in_dim3A_105 = vector.broadcast %broadcast_in_dim3A_104 : f32 to vector<1x256xf32>
    %slice3A_106 = vector.extract_strided_slice %dot_general3A_87 {offsets = [0, 0], sizes = [511, 256], strides = [1, 1]} : vector<512x256xf32> to vector<511x256xf32>
    %concatenate3A_107 = tpu.concatenate %broadcast_in_dim3A_105, %slice3A_106 in 0 : vector<1x256xf32>, vector<511x256xf32> -> vector<512x256xf32>
    %add3A_108 = arith.addf %concatenate3A_107, %dot_general3A_95 : vector<512x256xf32>
    %slice3A_109 = vector.extract_strided_slice %dot_general3A_103 {offsets = [1, 0], sizes = [511, 256], strides = [1, 1]} : vector<512x256xf32> to vector<511x256xf32>
    %broadcast_in_dim3A_110 = arith.constant 0.000000e+00 : f32
    %broadcast_in_dim3A_111 = vector.broadcast %broadcast_in_dim3A_110 : f32 to vector<1x256xf32>
    %concatenate3A_112 = tpu.concatenate %slice3A_109, %broadcast_in_dim3A_111 in 0 : vector<511x256xf32>, vector<1x256xf32> -> vector<512x256xf32>
    %add3A_113 = arith.addf %add3A_108, %concatenate3A_112 : vector<512x256xf32>
    %get3A_114 = arith.constant 0 : index
    %get3A_115 = arith.constant 3 : index
    %get3A_116 = arith.constant 0 : index
    %get3A_117 = arith.constant 0 : index
    %get3A_118 = vector.load %arg5[%get3A_114, %get3A_115, %get3A_116, %get3A_117] : memref<3x7x1x256xf32, #tpu.memory_space<vmem>>, vector<1x1x1x256xf32>
    %get3A_119 = vector.shape_cast %get3A_118 : vector<1x1x1x256xf32> to vector<1x256xf32>
    %add3A_120 = vector.broadcast %get3A_119 : vector<1x256xf32> to vector<512x256xf32>
    %add3A_121 = arith.addf %add3A_113, %add3A_120 : vector<512x256xf32>
    %max3A_122 = arith.constant 0.000000e+00 : f32
    %max3A_123 = vector.broadcast %max3A_122 : f32 to vector<512x256xf32>
    %max3A_124 = arith.maximumf %add3A_121, %max3A_123 : vector<512x256xf32>
    %get3A_125 = arith.constant 0 : index
    %get3A_126 = arith.constant 4 : index
    %get3A_127 = arith.constant 0 : index
    %get3A_128 = arith.constant 0 : index
    %get3A_129 = vector.load %arg5[%get3A_125, %get3A_126, %get3A_127, %get3A_128] : memref<3x7x1x256xf32, #tpu.memory_space<vmem>>, vector<1x1x1x256xf32>
    %get3A_130 = vector.shape_cast %get3A_129 : vector<1x1x1x256xf32> to vector<1x256xf32>
    %get3A_131 = arith.constant 0 : index
    %get3A_132 = arith.constant 5 : index
    %get3A_133 = arith.constant 0 : index
    %get3A_134 = arith.constant 0 : index
    %get3A_135 = vector.load %arg5[%get3A_131, %get3A_132, %get3A_133, %get3A_134] : memref<3x7x1x256xf32, #tpu.memory_space<vmem>>, vector<1x1x1x256xf32>
    %get3A_136 = vector.shape_cast %get3A_135 : vector<1x1x1x256xf32> to vector<1x256xf32>
    %reduce_sum3A_137 = arith.constant dense<0.000000e+00> : vector<512xf32>
    %reduce_sum3A_138 = vector.multi_reduction <add>, %max3A_124, %reduce_sum3A_137 [1] : vector<512x256xf32> to vector<512xf32>
    %broadcast_in_dim3A_139 = vector.shape_cast %reduce_sum3A_138 : vector<512xf32> to vector<512x1xf32>
    %div3A_140 = arith.constant 2.560000e+02 : f32
    %div3A_141 = vector.broadcast %div3A_140 : f32 to vector<512x1xf32>
    %div3A_142 = arith.divf %broadcast_in_dim3A_139, %div3A_141 : vector<512x1xf32>
    %sub3A_143 = vector.broadcast %div3A_142 : vector<512x1xf32> to vector<512x256xf32>
    %sub3A_144 = arith.subf %max3A_124, %sub3A_143 : vector<512x256xf32>
    %mul3A_145 = arith.mulf %sub3A_144, %sub3A_144 : vector<512x256xf32>
    %reduce_sum3A_146 = arith.constant dense<0.000000e+00> : vector<512xf32>
    %reduce_sum3A_147 = vector.multi_reduction <add>, %mul3A_145, %reduce_sum3A_146 [1] : vector<512x256xf32> to vector<512xf32>
    %broadcast_in_dim3A_148 = vector.shape_cast %reduce_sum3A_147 : vector<512xf32> to vector<512x1xf32>
    %div3A_149 = arith.constant 2.560000e+02 : f32
    %div3A_150 = vector.broadcast %div3A_149 : f32 to vector<512x1xf32>
    %div3A_151 = arith.divf %broadcast_in_dim3A_148, %div3A_150 : vector<512x1xf32>
    %mul3A_152 = vector.broadcast %get3A_130 : vector<1x256xf32> to vector<512x256xf32>
    %mul3A_153 = arith.mulf %mul3A_152, %sub3A_144 : vector<512x256xf32>
    %add3A_154 = arith.constant 9.99999974E-6 : f32
    %add3A_155 = vector.broadcast %add3A_154 : f32 to vector<512x1xf32>
    %add3A_156 = arith.addf %div3A_151, %add3A_155 : vector<512x1xf32>
    %rsqrt3A_157 = math.rsqrt %add3A_156 : vector<512x1xf32>
    %mul3A_158 = vector.broadcast %rsqrt3A_157 : vector<512x1xf32> to vector<512x256xf32>
    %mul3A_159 = arith.mulf %mul3A_153, %mul3A_158 : vector<512x256xf32>
    %add3A_160 = vector.broadcast %get3A_136 : vector<1x256xf32> to vector<512x256xf32>
    %add3A_161 = arith.addf %mul3A_159, %add3A_160 : vector<512x256xf32>
    %get3A_162 = arith.constant 0 : index
    %get3A_163 = arith.constant 6 : index
    %get3A_164 = arith.constant 0 : index
    %get3A_165 = arith.constant 0 : index
    %get3A_166 = vector.load %arg5[%get3A_162, %get3A_163, %get3A_164, %get3A_165] : memref<3x7x1x256xf32, #tpu.memory_space<vmem>>, vector<1x1x1x256xf32>
    %get3A_167 = vector.shape_cast %get3A_166 : vector<1x1x1x256xf32> to vector<1x256xf32>
    %mul3A_168 = vector.broadcast %get3A_167 : vector<1x256xf32> to vector<512x256xf32>
    %mul3A_169 = arith.mulf %add3A_161, %mul3A_168 : vector<512x256xf32>
    %reduce_sum3A_170 = arith.constant dense<0.000000e+00> : vector<512xf32>
    %reduce_sum3A_171 = vector.multi_reduction <add>, %mul3A_169, %reduce_sum3A_170 [1] : vector<512x256xf32> to vector<512xf32>
    %broadcast_in_dim3A_172 = vector.shape_cast %reduce_sum3A_171 : vector<512xf32> to vector<512x1xf32>
    %get3A_173 = arith.constant 0 : index
    %get3A_174 = arith.constant 0 : index
    %get3A_175 = arith.constant 0 : index
    %get3A_176 = vector.load %arg6[%get3A_173, %get3A_174, %get3A_175] : memref<3x1x1xf32, #tpu.memory_space<vmem>>, vector<1x1x1xf32>
    %get3A_177 = vector.shape_cast %get3A_176 : vector<1x1x1xf32> to vector<1x1xf32>
    %add3A_178 = vector.broadcast %get3A_177 : vector<1x1xf32> to vector<512x1xf32>
    %add3A_179 = arith.addf %broadcast_in_dim3A_172, %add3A_178 : vector<512x1xf32>
    %swap3A = arith.constant 0 : index
    %swap3A_180 = arith.constant 0 : index
    %swap3A_181 = arith.constant 0 : index
    %swap3A_182 = vector.load %arg7[%swap3A, %swap3A_180, %swap3A_181] : memref<1x512x1xf32, #tpu.memory_space<vmem>>, vector<1x512x1xf32>
    %swap3A_183 = vector.shape_cast %swap3A_182 : vector<1x512x1xf32> to vector<512x1xf32>
    %swap3A_184 = vector.shape_cast %add3A_179 : vector<512x1xf32> to vector<1x512x1xf32>
    tpu.vector_store %arg7[%swap3A, %swap3A_180, %swap3A_181], %swap3A_184 {strides = array<i32>} : memref<1x512x1xf32, #tpu.memory_space<vmem>>, vector<1x512x1xf32>,
    %get3A_185 = arith.constant 1 : index
    %get3A_186 = arith.constant 0 : index
    %get3A_187 = arith.constant 0 : index
    %get3A_188 = arith.constant 0 : index
    %get3A_189 = vector.load %arg3[%get3A_185, %get3A_186, %get3A_187, %get3A_188] : memref<3x3x256x256xf32, #tpu.memory_space<vmem>>, vector<1x1x256x256xf32>
    %get3A_190 = vector.shape_cast %get3A_189 : vector<1x1x256x256xf32> to vector<256x256xf32>
    %dot_general3A_191 = arith.constant dense<0.000000e+00> : vector<512x256xf32>
    %dot_general3A_192 = tpu.matmul %get3A_3, %get3A_190, %dot_general3A_191 {dimension_numbers = #tpu.dot_dimension_numbers<[1], [0], [0], [1], [0, 0, 1, 1], [], []>, transpose_lhs_hint = false} : vector<512x256xf32>, vector<256x256xf32>, vector<512x256xf32> -> vector<512x256xf32>
    %get3A_193 = arith.constant 1 : index
    %get3A_194 = arith.constant 1 : index
    %get3A_195 = arith.constant 0 : index
    %get3A_196 = arith.constant 0 : index
    %get3A_197 = vector.load %arg3[%get3A_193, %get3A_194, %get3A_195, %get3A_196] : memref<3x3x256x256xf32, #tpu.memory_space<vmem>>, vector<1x1x256x256xf32>
    %get3A_198 = vector.shape_cast %get3A_197 : vector<1x1x256x256xf32> to vector<256x256xf32>
    %dot_general3A_199 = arith.constant dense<0.000000e+00> : vector<512x256xf32>
    %dot_general3A_200 = tpu.matmul %get3A_3, %get3A_198, %dot_general3A_199 {dimension_numbers = #tpu.dot_dimension_numbers<[1], [0], [0], [1], [0, 0, 1, 1], [], []>, transpose_lhs_hint = false} : vector<512x256xf32>, vector<256x256xf32>, vector<512x256xf32> -> vector<512x256xf32>
    %get3A_201 = arith.constant 1 : index
    %get3A_202 = arith.constant 2 : index
    %get3A_203 = arith.constant 0 : index
    %get3A_204 = arith.constant 0 : index
    %get3A_205 = vector.load %arg3[%get3A_201, %get3A_202, %get3A_203, %get3A_204] : memref<3x3x256x256xf32, #tpu.memory_space<vmem>>, vector<1x1x256x256xf32>
    %get3A_206 = vector.shape_cast %get3A_205 : vector<1x1x256x256xf32> to vector<256x256xf32>
    %dot_general3A_207 = arith.constant dense<0.000000e+00> : vector<512x256xf32>
    %dot_general3A_208 = tpu.matmul %get3A_3, %get3A_206, %dot_general3A_207 {dimension_numbers = #tpu.dot_dimension_numbers<[1], [0], [0], [1], [0, 0, 1, 1], [], []>, transpose_lhs_hint = false} : vector<512x256xf32>, vector<256x256xf32>, vector<512x256xf32> -> vector<512x256xf32>
    %broadcast_in_dim3A_209 = arith.constant 0.000000e+00 : f32
    %broadcast_in_dim3A_210 = vector.broadcast %broadcast_in_dim3A_209 : f32 to vector<1x256xf32>
    %slice3A_211 = vector.extract_strided_slice %dot_general3A_192 {offsets = [0, 0], sizes = [511, 256], strides = [1, 1]} : vector<512x256xf32> to vector<511x256xf32>
    %concatenate3A_212 = tpu.concatenate %broadcast_in_dim3A_210, %slice3A_211 in 0 : vector<1x256xf32>, vector<511x256xf32> -> vector<512x256xf32>
    %add3A_213 = arith.addf %concatenate3A_212, %dot_general3A_200 : vector<512x256xf32>
    %slice3A_214 = vector.extract_strided_slice %dot_general3A_208 {offsets = [1, 0], sizes = [511, 256], strides = [1, 1]} : vector<512x256xf32> to vector<511x256xf32>
    %broadcast_in_dim3A_215 = arith.constant 0.000000e+00 : f32
    %broadcast_in_dim3A_216 = vector.broadcast %broadcast_in_dim3A_215 : f32 to vector<1x256xf32>
    %concatenate3A_217 = tpu.concatenate %slice3A_214, %broadcast_in_dim3A_216 in 0 : vector<511x256xf32>, vector<1x256xf32> -> vector<512x256xf32>
    %add3A_218 = arith.addf %add3A_213, %concatenate3A_217 : vector<512x256xf32>
    %get3A_219 = arith.constant 1 : index
    %get3A_220 = arith.constant 0 : index
    %get3A_221 = arith.constant 0 : index
    %get3A_222 = arith.constant 0 : index
    %get3A_223 = vector.load %arg5[%get3A_219, %get3A_220, %get3A_221, %get3A_222] : memref<3x7x1x256xf32, #tpu.memory_space<vmem>>, vector<1x1x1x256xf32>
    %get3A_224 = vector.shape_cast %get3A_223 : vector<1x1x1x256xf32> to vector<1x256xf32>
    %add3A_225 = vector.broadcast %get3A_224 : vector<1x256xf32> to vector<512x256xf32>
    %add3A_226 = arith.addf %add3A_218, %add3A_225 : vector<512x256xf32>
    %max3A_227 = arith.constant 0.000000e+00 : f32
    %max3A_228 = vector.broadcast %max3A_227 : f32 to vector<512x256xf32>
    %max3A_229 = arith.maximumf %add3A_226, %max3A_228 : vector<512x256xf32>
    %get3A_230 = arith.constant 1 : index
    %get3A_231 = arith.constant 1 : index
    %get3A_232 = arith.constant 0 : index
    %get3A_233 = arith.constant 0 : index
    %get3A_234 = vector.load %arg5[%get3A_230, %get3A_231, %get3A_232, %get3A_233] : memref<3x7x1x256xf32, #tpu.memory_space<vmem>>, vector<1x1x1x256xf32>
    %get3A_235 = vector.shape_cast %get3A_234 : vector<1x1x1x256xf32> to vector<1x256xf32>
    %get3A_236 = arith.constant 1 : index
    %get3A_237 = arith.constant 2 : index
    %get3A_238 = arith.constant 0 : index
    %get3A_239 = arith.constant 0 : index
    %get3A_240 = vector.load %arg5[%get3A_236, %get3A_237, %get3A_238, %get3A_239] : memref<3x7x1x256xf32, #tpu.memory_space<vmem>>, vector<1x1x1x256xf32>
    %get3A_241 = vector.shape_cast %get3A_240 : vector<1x1x1x256xf32> to vector<1x256xf32>
    %reduce_sum3A_242 = arith.constant dense<0.000000e+00> : vector<512xf32>
    %reduce_sum3A_243 = vector.multi_reduction <add>, %max3A_229, %reduce_sum3A_242 [1] : vector<512x256xf32> to vector<512xf32>
    %broadcast_in_dim3A_244 = vector.shape_cast %reduce_sum3A_243 : vector<512xf32> to vector<512x1xf32>
    %div3A_245 = arith.constant 2.560000e+02 : f32
    %div3A_246 = vector.broadcast %div3A_245 : f32 to vector<512x1xf32>
    %div3A_247 = arith.divf %broadcast_in_dim3A_244, %div3A_246 : vector<512x1xf32>
    %sub3A_248 = vector.broadcast %div3A_247 : vector<512x1xf32> to vector<512x256xf32>
    %sub3A_249 = arith.subf %max3A_229, %sub3A_248 : vector<512x256xf32>
    %mul3A_250 = arith.mulf %sub3A_249, %sub3A_249 : vector<512x256xf32>
    %reduce_sum3A_251 = arith.constant dense<0.000000e+00> : vector<512xf32>
    %reduce_sum3A_252 = vector.multi_reduction <add>, %mul3A_250, %reduce_sum3A_251 [1] : vector<512x256xf32> to vector<512xf32>
    %broadcast_in_dim3A_253 = vector.shape_cast %reduce_sum3A_252 : vector<512xf32> to vector<512x1xf32>
    %div3A_254 = arith.constant 2.560000e+02 : f32
    %div3A_255 = vector.broadcast %div3A_254 : f32 to vector<512x1xf32>
    %div3A_256 = arith.divf %broadcast_in_dim3A_253, %div3A_255 : vector<512x1xf32>
    %mul3A_257 = vector.broadcast %get3A_235 : vector<1x256xf32> to vector<512x256xf32>
    %mul3A_258 = arith.mulf %mul3A_257, %sub3A_249 : vector<512x256xf32>
    %add3A_259 = arith.constant 9.99999974E-6 : f32
    %add3A_260 = vector.broadcast %add3A_259 : f32 to vector<512x1xf32>
    %add3A_261 = arith.addf %div3A_256, %add3A_260 : vector<512x1xf32>
    %rsqrt3A_262 = math.rsqrt %add3A_261 : vector<512x1xf32>
    %mul3A_263 = vector.broadcast %rsqrt3A_262 : vector<512x1xf32> to vector<512x256xf32>
    %mul3A_264 = arith.mulf %mul3A_258, %mul3A_263 : vector<512x256xf32>
    %add3A_265 = vector.broadcast %get3A_241 : vector<1x256xf32> to vector<512x256xf32>
    %add3A_266 = arith.addf %mul3A_264, %add3A_265 : vector<512x256xf32>
    %get3A_267 = arith.constant 1 : index
    %get3A_268 = arith.constant 0 : index
    %get3A_269 = arith.constant 0 : index
    %get3A_270 = arith.constant 0 : index
    %get3A_271 = vector.load %arg4[%get3A_267, %get3A_268, %get3A_269, %get3A_270] : memref<3x3x256x256xf32, #tpu.memory_space<vmem>>, vector<1x1x256x256xf32>
    %get3A_272 = vector.shape_cast %get3A_271 : vector<1x1x256x256xf32> to vector<256x256xf32>
    %dot_general3A_273 = arith.constant dense<0.000000e+00> : vector<512x256xf32>
    %dot_general3A_274 = tpu.matmul %add3A_266, %get3A_272, %dot_general3A_273 {dimension_numbers = #tpu.dot_dimension_numbers<[1], [0], [0], [1], [0, 0, 1, 1], [], []>, transpose_lhs_hint = false} : vector<512x256xf32>, vector<256x256xf32>, vector<512x256xf32> -> vector<512x256xf32>
    %get3A_275 = arith.constant 1 : index
    %get3A_276 = arith.constant 1 : index
    %get3A_277 = arith.constant 0 : index
    %get3A_278 = arith.constant 0 : index
    %get3A_279 = vector.load %arg4[%get3A_275, %get3A_276, %get3A_277, %get3A_278] : memref<3x3x256x256xf32, #tpu.memory_space<vmem>>, vector<1x1x256x256xf32>
    %get3A_280 = vector.shape_cast %get3A_279 : vector<1x1x256x256xf32> to vector<256x256xf32>
    %dot_general3A_281 = arith.constant dense<0.000000e+00> : vector<512x256xf32>
    %dot_general3A_282 = tpu.matmul %add3A_266, %get3A_280, %dot_general3A_281 {dimension_numbers = #tpu.dot_dimension_numbers<[1], [0], [0], [1], [0, 0, 1, 1], [], []>, transpose_lhs_hint = false} : vector<512x256xf32>, vector<256x256xf32>, vector<512x256xf32> -> vector<512x256xf32>
    %get3A_283 = arith.constant 1 : index
    %get3A_284 = arith.constant 2 : index
    %get3A_285 = arith.constant 0 : index
    %get3A_286 = arith.constant 0 : index
    %get3A_287 = vector.load %arg4[%get3A_283, %get3A_284, %get3A_285, %get3A_286] : memref<3x3x256x256xf32, #tpu.memory_space<vmem>>, vector<1x1x256x256xf32>
    %get3A_288 = vector.shape_cast %get3A_287 : vector<1x1x256x256xf32> to vector<256x256xf32>
    %dot_general3A_289 = arith.constant dense<0.000000e+00> : vector<512x256xf32>
    %dot_general3A_290 = tpu.matmul %add3A_266, %get3A_288, %dot_general3A_289 {dimension_numbers = #tpu.dot_dimension_numbers<[1], [0], [0], [1], [0, 0, 1, 1], [], []>, transpose_lhs_hint = false} : vector<512x256xf32>, vector<256x256xf32>, vector<512x256xf32> -> vector<512x256xf32>
    %broadcast_in_dim3A_291 = arith.constant 0.000000e+00 : f32
    %broadcast_in_dim3A_292 = vector.broadcast %broadcast_in_dim3A_291 : f32 to vector<1x256xf32>
    %slice3A_293 = vector.extract_strided_slice %dot_general3A_274 {offsets = [0, 0], sizes = [511, 256], strides = [1, 1]} : vector<512x256xf32> to vector<511x256xf32>
    %concatenate3A_294 = tpu.concatenate %broadcast_in_dim3A_292, %slice3A_293 in 0 : vector<1x256xf32>, vector<511x256xf32> -> vector<512x256xf32>
    %add3A_295 = arith.addf %concatenate3A_294, %dot_general3A_282 : vector<512x256xf32>
    %slice3A_296 = vector.extract_strided_slice %dot_general3A_290 {offsets = [1, 0], sizes = [511, 256], strides = [1, 1]} : vector<512x256xf32> to vector<511x256xf32>
    %broadcast_in_dim3A_297 = arith.constant 0.000000e+00 : f32
    %broadcast_in_dim3A_298 = vector.broadcast %broadcast_in_dim3A_297 : f32 to vector<1x256xf32>
    %concatenate3A_299 = tpu.concatenate %slice3A_296, %broadcast_in_dim3A_298 in 0 : vector<511x256xf32>, vector<1x256xf32> -> vector<512x256xf32>
    %add3A_300 = arith.addf %add3A_295, %concatenate3A_299 : vector<512x256xf32>
    %get3A_301 = arith.constant 1 : index
    %get3A_302 = arith.constant 3 : index
    %get3A_303 = arith.constant 0 : index
    %get3A_304 = arith.constant 0 : index
    %get3A_305 = vector.load %arg5[%get3A_301, %get3A_302, %get3A_303, %get3A_304] : memref<3x7x1x256xf32, #tpu.memory_space<vmem>>, vector<1x1x1x256xf32>
    %get3A_306 = vector.shape_cast %get3A_305 : vector<1x1x1x256xf32> to vector<1x256xf32>
    %add3A_307 = vector.broadcast %get3A_306 : vector<1x256xf32> to vector<512x256xf32>
    %add3A_308 = arith.addf %add3A_300, %add3A_307 : vector<512x256xf32>
    %max3A_309 = arith.constant 0.000000e+00 : f32
    %max3A_310 = vector.broadcast %max3A_309 : f32 to vector<512x256xf32>
    %max3A_311 = arith.maximumf %add3A_308, %max3A_310 : vector<512x256xf32>
    %get3A_312 = arith.constant 1 : index
    %get3A_313 = arith.constant 4 : index
    %get3A_314 = arith.constant 0 : index
    %get3A_315 = arith.constant 0 : index
    %get3A_316 = vector.load %arg5[%get3A_312, %get3A_313, %get3A_314, %get3A_315] : memref<3x7x1x256xf32, #tpu.memory_space<vmem>>, vector<1x1x1x256xf32>
    %get3A_317 = vector.shape_cast %get3A_316 : vector<1x1x1x256xf32> to vector<1x256xf32>
    %get3A_318 = arith.constant 1 : index
    %get3A_319 = arith.constant 5 : index
    %get3A_320 = arith.constant 0 : index
    %get3A_321 = arith.constant 0 : index
    %get3A_322 = vector.load %arg5[%get3A_318, %get3A_319, %get3A_320, %get3A_321] : memref<3x7x1x256xf32, #tpu.memory_space<vmem>>, vector<1x1x1x256xf32>
    %get3A_323 = vector.shape_cast %get3A_322 : vector<1x1x1x256xf32> to vector<1x256xf32>
    %reduce_sum3A_324 = arith.constant dense<0.000000e+00> : vector<512xf32>
    %reduce_sum3A_325 = vector.multi_reduction <add>, %max3A_311, %reduce_sum3A_324 [1] : vector<512x256xf32> to vector<512xf32>
    %broadcast_in_dim3A_326 = vector.shape_cast %reduce_sum3A_325 : vector<512xf32> to vector<512x1xf32>
    %div3A_327 = arith.constant 2.560000e+02 : f32
    %div3A_328 = vector.broadcast %div3A_327 : f32 to vector<512x1xf32>
    %div3A_329 = arith.divf %broadcast_in_dim3A_326, %div3A_328 : vector<512x1xf32>
    %sub3A_330 = vector.broadcast %div3A_329 : vector<512x1xf32> to vector<512x256xf32>
    %sub3A_331 = arith.subf %max3A_311, %sub3A_330 : vector<512x256xf32>
    %mul3A_332 = arith.mulf %sub3A_331, %sub3A_331 : vector<512x256xf32>
    %reduce_sum3A_333 = arith.constant dense<0.000000e+00> : vector<512xf32>
    %reduce_sum3A_334 = vector.multi_reduction <add>, %mul3A_332, %reduce_sum3A_333 [1] : vector<512x256xf32> to vector<512xf32>
    %broadcast_in_dim3A_335 = vector.shape_cast %reduce_sum3A_334 : vector<512xf32> to vector<512x1xf32>
    %div3A_336 = arith.constant 2.560000e+02 : f32
    %div3A_337 = vector.broadcast %div3A_336 : f32 to vector<512x1xf32>
    %div3A_338 = arith.divf %broadcast_in_dim3A_335, %div3A_337 : vector<512x1xf32>
    %mul3A_339 = vector.broadcast %get3A_317 : vector<1x256xf32> to vector<512x256xf32>
    %mul3A_340 = arith.mulf %mul3A_339, %sub3A_331 : vector<512x256xf32>
    %add3A_341 = arith.constant 9.99999974E-6 : f32
    %add3A_342 = vector.broadcast %add3A_341 : f32 to vector<512x1xf32>
    %add3A_343 = arith.addf %div3A_338, %add3A_342 : vector<512x1xf32>
    %rsqrt3A_344 = math.rsqrt %add3A_343 : vector<512x1xf32>
    %mul3A_345 = vector.broadcast %rsqrt3A_344 : vector<512x1xf32> to vector<512x256xf32>
    %mul3A_346 = arith.mulf %mul3A_340, %mul3A_345 : vector<512x256xf32>
    %add3A_347 = vector.broadcast %get3A_323 : vector<1x256xf32> to vector<512x256xf32>
    %add3A_348 = arith.addf %mul3A_346, %add3A_347 : vector<512x256xf32>
    %get3A_349 = arith.constant 1 : index
    %get3A_350 = arith.constant 6 : index
    %get3A_351 = arith.constant 0 : index
    %get3A_352 = arith.constant 0 : index
    %get3A_353 = vector.load %arg5[%get3A_349, %get3A_350, %get3A_351, %get3A_352] : memref<3x7x1x256xf32, #tpu.memory_space<vmem>>, vector<1x1x1x256xf32>
    %get3A_354 = vector.shape_cast %get3A_353 : vector<1x1x1x256xf32> to vector<1x256xf32>
    %mul3A_355 = vector.broadcast %get3A_354 : vector<1x256xf32> to vector<512x256xf32>
    %mul3A_356 = arith.mulf %add3A_348, %mul3A_355 : vector<512x256xf32>
    %reduce_sum3A_357 = arith.constant dense<0.000000e+00> : vector<512xf32>
    %reduce_sum3A_358 = vector.multi_reduction <add>, %mul3A_356, %reduce_sum3A_357 [1] : vector<512x256xf32> to vector<512xf32>
    %broadcast_in_dim3A_359 = vector.shape_cast %reduce_sum3A_358 : vector<512xf32> to vector<512x1xf32>
    %get3A_360 = arith.constant 1 : index
    %get3A_361 = arith.constant 0 : index
    %get3A_362 = arith.constant 0 : index
    %get3A_363 = vector.load %arg6[%get3A_360, %get3A_361, %get3A_362] : memref<3x1x1xf32, #tpu.memory_space<vmem>>, vector<1x1x1xf32>
    %get3A_364 = vector.shape_cast %get3A_363 : vector<1x1x1xf32> to vector<1x1xf32>
    %add3A_365 = vector.broadcast %get3A_364 : vector<1x1xf32> to vector<512x1xf32>
    %add3A_366 = arith.addf %broadcast_in_dim3A_359, %add3A_365 : vector<512x1xf32>
    %swap3A_367 = arith.constant 0 : index
    %swap3A_368 = arith.constant 0 : index
    %swap3A_369 = arith.constant 0 : index
    %swap3A_370 = vector.load %arg8[%swap3A_367, %swap3A_368, %swap3A_369] : memref<1x512x1xf32, #tpu.memory_space<vmem>>, vector<1x512x1xf32>
    %swap3A_371 = vector.shape_cast %swap3A_370 : vector<1x512x1xf32> to vector<512x1xf32>
    %swap3A_372 = vector.shape_cast %add3A_366 : vector<512x1xf32> to vector<1x512x1xf32>
    tpu.vector_store %arg8[%swap3A_367, %swap3A_368, %swap3A_369], %swap3A_372 {strides = array<i32>} : memref<1x512x1xf32, #tpu.memory_space<vmem>>, vector<1x512x1xf32>,
    %get3A_373 = arith.constant 2 : index
    %get3A_374 = arith.constant 0 : index
    %get3A_375 = arith.constant 0 : index
    %get3A_376 = arith.constant 0 : index
    %get3A_377 = vector.load %arg3[%get3A_373, %get3A_374, %get3A_375, %get3A_376] : memref<3x3x256x256xf32, #tpu.memory_space<vmem>>, vector<1x1x256x256xf32>
    %get3A_378 = vector.shape_cast %get3A_377 : vector<1x1x256x256xf32> to vector<256x256xf32>
    %dot_general3A_379 = arith.constant dense<0.000000e+00> : vector<512x256xf32>
    %dot_general3A_380 = tpu.matmul %get3A_8, %get3A_378, %dot_general3A_379 {dimension_numbers = #tpu.dot_dimension_numbers<[1], [0], [0], [1], [0, 0, 1, 1], [], []>, transpose_lhs_hint = false} : vector<512x256xf32>, vector<256x256xf32>, vector<512x256xf32> -> vector<512x256xf32>
    %get3A_381 = arith.constant 2 : index
    %get3A_382 = arith.constant 1 : index
    %get3A_383 = arith.constant 0 : index
    %get3A_384 = arith.constant 0 : index
    %get3A_385 = vector.load %arg3[%get3A_381, %get3A_382, %get3A_383, %get3A_384] : memref<3x3x256x256xf32, #tpu.memory_space<vmem>>, vector<1x1x256x256xf32>
    %get3A_386 = vector.shape_cast %get3A_385 : vector<1x1x256x256xf32> to vector<256x256xf32>
    %dot_general3A_387 = arith.constant dense<0.000000e+00> : vector<512x256xf32>
    %dot_general3A_388 = tpu.matmul %get3A_8, %get3A_386, %dot_general3A_387 {dimension_numbers = #tpu.dot_dimension_numbers<[1], [0], [0], [1], [0, 0, 1, 1], [], []>, transpose_lhs_hint = false} : vector<512x256xf32>, vector<256x256xf32>, vector<512x256xf32> -> vector<512x256xf32>
    %get3A_389 = arith.constant 2 : index
    %get3A_390 = arith.constant 2 : index
    %get3A_391 = arith.constant 0 : index
    %get3A_392 = arith.constant 0 : index
    %get3A_393 = vector.load %arg3[%get3A_389, %get3A_390, %get3A_391, %get3A_392] : memref<3x3x256x256xf32, #tpu.memory_space<vmem>>, vector<1x1x256x256xf32>
    %get3A_394 = vector.shape_cast %get3A_393 : vector<1x1x256x256xf32> to vector<256x256xf32>
    %dot_general3A_395 = arith.constant dense<0.000000e+00> : vector<512x256xf32>
    %dot_general3A_396 = tpu.matmul %get3A_8, %get3A_394, %dot_general3A_395 {dimension_numbers = #tpu.dot_dimension_numbers<[1], [0], [0], [1], [0, 0, 1, 1], [], []>, transpose_lhs_hint = false} : vector<512x256xf32>, vector<256x256xf32>, vector<512x256xf32> -> vector<512x256xf32>
    %broadcast_in_dim3A_397 = arith.constant 0.000000e+00 : f32
    %broadcast_in_dim3A_398 = vector.broadcast %broadcast_in_dim3A_397 : f32 to vector<1x256xf32>
    %slice3A_399 = vector.extract_strided_slice %dot_general3A_380 {offsets = [0, 0], sizes = [511, 256], strides = [1, 1]} : vector<512x256xf32> to vector<511x256xf32>
    %concatenate3A_400 = tpu.concatenate %broadcast_in_dim3A_398, %slice3A_399 in 0 : vector<1x256xf32>, vector<511x256xf32> -> vector<512x256xf32>
    %add3A_401 = arith.addf %concatenate3A_400, %dot_general3A_388 : vector<512x256xf32>
    %slice3A_402 = vector.extract_strided_slice %dot_general3A_396 {offsets = [1, 0], sizes = [511, 256], strides = [1, 1]} : vector<512x256xf32> to vector<511x256xf32>
    %broadcast_in_dim3A_403 = arith.constant 0.000000e+00 : f32
    %broadcast_in_dim3A_404 = vector.broadcast %broadcast_in_dim3A_403 : f32 to vector<1x256xf32>
    %concatenate3A_405 = tpu.concatenate %slice3A_402, %broadcast_in_dim3A_404 in 0 : vector<511x256xf32>, vector<1x256xf32> -> vector<512x256xf32>
    %add3A_406 = arith.addf %add3A_401, %concatenate3A_405 : vector<512x256xf32>
    %get3A_407 = arith.constant 2 : index
    %get3A_408 = arith.constant 0 : index
    %get3A_409 = arith.constant 0 : index
    %get3A_410 = arith.constant 0 : index
    %get3A_411 = vector.load %arg5[%get3A_407, %get3A_408, %get3A_409, %get3A_410] : memref<3x7x1x256xf32, #tpu.memory_space<vmem>>, vector<1x1x1x256xf32>
    %get3A_412 = vector.shape_cast %get3A_411 : vector<1x1x1x256xf32> to vector<1x256xf32>
    %add3A_413 = vector.broadcast %get3A_412 : vector<1x256xf32> to vector<512x256xf32>
    %add3A_414 = arith.addf %add3A_406, %add3A_413 : vector<512x256xf32>
    %max3A_415 = arith.constant 0.000000e+00 : f32
    %max3A_416 = vector.broadcast %max3A_415 : f32 to vector<512x256xf32>
    %max3A_417 = arith.maximumf %add3A_414, %max3A_416 : vector<512x256xf32>
    %get3A_418 = arith.constant 2 : index
    %get3A_419 = arith.constant 1 : index
    %get3A_420 = arith.constant 0 : index
    %get3A_421 = arith.constant 0 : index
    %get3A_422 = vector.load %arg5[%get3A_418, %get3A_419, %get3A_420, %get3A_421] : memref<3x7x1x256xf32, #tpu.memory_space<vmem>>, vector<1x1x1x256xf32>
    %get3A_423 = vector.shape_cast %get3A_422 : vector<1x1x1x256xf32> to vector<1x256xf32>
    %get3A_424 = arith.constant 2 : index
    %get3A_425 = arith.constant 2 : index
    %get3A_426 = arith.constant 0 : index
    %get3A_427 = arith.constant 0 : index
    %get3A_428 = vector.load %arg5[%get3A_424, %get3A_425, %get3A_426, %get3A_427] : memref<3x7x1x256xf32, #tpu.memory_space<vmem>>, vector<1x1x1x256xf32>
    %get3A_429 = vector.shape_cast %get3A_428 : vector<1x1x1x256xf32> to vector<1x256xf32>
    %reduce_sum3A_430 = arith.constant dense<0.000000e+00> : vector<512xf32>
    %reduce_sum3A_431 = vector.multi_reduction <add>, %max3A_417, %reduce_sum3A_430 [1] : vector<512x256xf32> to vector<512xf32>
    %broadcast_in_dim3A_432 = vector.shape_cast %reduce_sum3A_431 : vector<512xf32> to vector<512x1xf32>
    %div3A_433 = arith.constant 2.560000e+02 : f32
    %div3A_434 = vector.broadcast %div3A_433 : f32 to vector<512x1xf32>
    %div3A_435 = arith.divf %broadcast_in_dim3A_432, %div3A_434 : vector<512x1xf32>
    %sub3A_436 = vector.broadcast %div3A_435 : vector<512x1xf32> to vector<512x256xf32>
    %sub3A_437 = arith.subf %max3A_417, %sub3A_436 : vector<512x256xf32>
    %mul3A_438 = arith.mulf %sub3A_437, %sub3A_437 : vector<512x256xf32>
    %reduce_sum3A_439 = arith.constant dense<0.000000e+00> : vector<512xf32>
    %reduce_sum3A_440 = vector.multi_reduction <add>, %mul3A_438, %reduce_sum3A_439 [1] : vector<512x256xf32> to vector<512xf32>
    %broadcast_in_dim3A_441 = vector.shape_cast %reduce_sum3A_440 : vector<512xf32> to vector<512x1xf32>
    %div3A_442 = arith.constant 2.560000e+02 : f32
    %div3A_443 = vector.broadcast %div3A_442 : f32 to vector<512x1xf32>
    %div3A_444 = arith.divf %broadcast_in_dim3A_441, %div3A_443 : vector<512x1xf32>
    %mul3A_445 = vector.broadcast %get3A_423 : vector<1x256xf32> to vector<512x256xf32>
    %mul3A_446 = arith.mulf %mul3A_445, %sub3A_437 : vector<512x256xf32>
    %add3A_447 = arith.constant 9.99999974E-6 : f32
    %add3A_448 = vector.broadcast %add3A_447 : f32 to vector<512x1xf32>
    %add3A_449 = arith.addf %div3A_444, %add3A_448 : vector<512x1xf32>
    %rsqrt3A_450 = math.rsqrt %add3A_449 : vector<512x1xf32>
    %mul3A_451 = vector.broadcast %rsqrt3A_450 : vector<512x1xf32> to vector<512x256xf32>
    %mul3A_452 = arith.mulf %mul3A_446, %mul3A_451 : vector<512x256xf32>
    %add3A_453 = vector.broadcast %get3A_429 : vector<1x256xf32> to vector<512x256xf32>
    %add3A_454 = arith.addf %mul3A_452, %add3A_453 : vector<512x256xf32>
    %get3A_455 = arith.constant 2 : index
    %get3A_456 = arith.constant 0 : index
    %get3A_457 = arith.constant 0 : index
    %get3A_458 = arith.constant 0 : index
    %get3A_459 = vector.load %arg4[%get3A_455, %get3A_456, %get3A_457, %get3A_458] : memref<3x3x256x256xf32, #tpu.memory_space<vmem>>, vector<1x1x256x256xf32>
    %get3A_460 = vector.shape_cast %get3A_459 : vector<1x1x256x256xf32> to vector<256x256xf32>
    %dot_general3A_461 = arith.constant dense<0.000000e+00> : vector<512x256xf32>
    %dot_general3A_462 = tpu.matmul %add3A_454, %get3A_460, %dot_general3A_461 {dimension_numbers = #tpu.dot_dimension_numbers<[1], [0], [0], [1], [0, 0, 1, 1], [], []>, transpose_lhs_hint = false} : vector<512x256xf32>, vector<256x256xf32>, vector<512x256xf32> -> vector<512x256xf32>
    %get3A_463 = arith.constant 2 : index
    %get3A_464 = arith.constant 1 : index
    %get3A_465 = arith.constant 0 : index
    %get3A_466 = arith.constant 0 : index
    %get3A_467 = vector.load %arg4[%get3A_463, %get3A_464, %get3A_465, %get3A_466] : memref<3x3x256x256xf32, #tpu.memory_space<vmem>>, vector<1x1x256x256xf32>
    %get3A_468 = vector.shape_cast %get3A_467 : vector<1x1x256x256xf32> to vector<256x256xf32>
    %dot_general3A_469 = arith.constant dense<0.000000e+00> : vector<512x256xf32>
    %dot_general3A_470 = tpu.matmul %add3A_454, %get3A_468, %dot_general3A_469 {dimension_numbers = #tpu.dot_dimension_numbers<[1], [0], [0], [1], [0, 0, 1, 1], [], []>, transpose_lhs_hint = false} : vector<512x256xf32>, vector<256x256xf32>, vector<512x256xf32> -> vector<512x256xf32>
    %get3A_471 = arith.constant 2 : index
    %get3A_472 = arith.constant 2 : index
    %get3A_473 = arith.constant 0 : index
    %get3A_474 = arith.constant 0 : index
    %get3A_475 = vector.load %arg4[%get3A_471, %get3A_472, %get3A_473, %get3A_474] : memref<3x3x256x256xf32, #tpu.memory_space<vmem>>, vector<1x1x256x256xf32>
    %get3A_476 = vector.shape_cast %get3A_475 : vector<1x1x256x256xf32> to vector<256x256xf32>
    %dot_general3A_477 = arith.constant dense<0.000000e+00> : vector<512x256xf32>
    %dot_general3A_478 = tpu.matmul %add3A_454, %get3A_476, %dot_general3A_477 {dimension_numbers = #tpu.dot_dimension_numbers<[1], [0], [0], [1], [0, 0, 1, 1], [], []>, transpose_lhs_hint = false} : vector<512x256xf32>, vector<256x256xf32>, vector<512x256xf32> -> vector<512x256xf32>
    %broadcast_in_dim3A_479 = arith.constant 0.000000e+00 : f32
    %broadcast_in_dim3A_480 = vector.broadcast %broadcast_in_dim3A_479 : f32 to vector<1x256xf32>
    %slice3A_481 = vector.extract_strided_slice %dot_general3A_462 {offsets = [0, 0], sizes = [511, 256], strides = [1, 1]} : vector<512x256xf32> to vector<511x256xf32>
    %concatenate3A_482 = tpu.concatenate %broadcast_in_dim3A_480, %slice3A_481 in 0 : vector<1x256xf32>, vector<511x256xf32> -> vector<512x256xf32>
    %add3A_483 = arith.addf %concatenate3A_482, %dot_general3A_470 : vector<512x256xf32>
    %slice3A_484 = vector.extract_strided_slice %dot_general3A_478 {offsets = [1, 0], sizes = [511, 256], strides = [1, 1]} : vector<512x256xf32> to vector<511x256xf32>
    %broadcast_in_dim3A_485 = arith.constant 0.000000e+00 : f32
    %broadcast_in_dim3A_486 = vector.broadcast %broadcast_in_dim3A_485 : f32 to vector<1x256xf32>
    %concatenate3A_487 = tpu.concatenate %slice3A_484, %broadcast_in_dim3A_486 in 0 : vector<511x256xf32>, vector<1x256xf32> -> vector<512x256xf32>
    %add3A_488 = arith.addf %add3A_483, %concatenate3A_487 : vector<512x256xf32>
    %get3A_489 = arith.constant 2 : index
    %get3A_490 = arith.constant 3 : index
    %get3A_491 = arith.constant 0 : index
    %get3A_492 = arith.constant 0 : index
    %get3A_493 = vector.load %arg5[%get3A_489, %get3A_490, %get3A_491, %get3A_492] : memref<3x7x1x256xf32, #tpu.memory_space<vmem>>, vector<1x1x1x256xf32>
    %get3A_494 = vector.shape_cast %get3A_493 : vector<1x1x1x256xf32> to vector<1x256xf32>
    %add3A_495 = vector.broadcast %get3A_494 : vector<1x256xf32> to vector<512x256xf32>
    %add3A_496 = arith.addf %add3A_488, %add3A_495 : vector<512x256xf32>
    %max3A_497 = arith.constant 0.000000e+00 : f32
    %max3A_498 = vector.broadcast %max3A_497 : f32 to vector<512x256xf32>
    %max3A_499 = arith.maximumf %add3A_496, %max3A_498 : vector<512x256xf32>
    %get3A_500 = arith.constant 2 : index
    %get3A_501 = arith.constant 4 : index
    %get3A_502 = arith.constant 0 : index
    %get3A_503 = arith.constant 0 : index
    %get3A_504 = vector.load %arg5[%get3A_500, %get3A_501, %get3A_502, %get3A_503] : memref<3x7x1x256xf32, #tpu.memory_space<vmem>>, vector<1x1x1x256xf32>
    %get3A_505 = vector.shape_cast %get3A_504 : vector<1x1x1x256xf32> to vector<1x256xf32>
    %get3A_506 = arith.constant 2 : index
    %get3A_507 = arith.constant 5 : index
    %get3A_508 = arith.constant 0 : index
    %get3A_509 = arith.constant 0 : index
    %get3A_510 = vector.load %arg5[%get3A_506, %get3A_507, %get3A_508, %get3A_509] : memref<3x7x1x256xf32, #tpu.memory_space<vmem>>, vector<1x1x1x256xf32>
    %get3A_511 = vector.shape_cast %get3A_510 : vector<1x1x1x256xf32> to vector<1x256xf32>
    %reduce_sum3A_512 = arith.constant dense<0.000000e+00> : vector<512xf32>
    %reduce_sum3A_513 = vector.multi_reduction <add>, %max3A_499, %reduce_sum3A_512 [1] : vector<512x256xf32> to vector<512xf32>
    %broadcast_in_dim3A_514 = vector.shape_cast %reduce_sum3A_513 : vector<512xf32> to vector<512x1xf32>
    %div3A_515 = arith.constant 2.560000e+02 : f32
    %div3A_516 = vector.broadcast %div3A_515 : f32 to vector<512x1xf32>
    %div3A_517 = arith.divf %broadcast_in_dim3A_514, %div3A_516 : vector<512x1xf32>
    %sub3A_518 = vector.broadcast %div3A_517 : vector<512x1xf32> to vector<512x256xf32>
    %sub3A_519 = arith.subf %max3A_499, %sub3A_518 : vector<512x256xf32>
    %mul3A_520 = arith.mulf %sub3A_519, %sub3A_519 : vector<512x256xf32>
    %reduce_sum3A_521 = arith.constant dense<0.000000e+00> : vector<512xf32>
    %reduce_sum3A_522 = vector.multi_reduction <add>, %mul3A_520, %reduce_sum3A_521 [1] : vector<512x256xf32> to vector<512xf32>
    %broadcast_in_dim3A_523 = vector.shape_cast %reduce_sum3A_522 : vector<512xf32> to vector<512x1xf32>
    %div3A_524 = arith.constant 2.560000e+02 : f32
    %div3A_525 = vector.broadcast %div3A_524 : f32 to vector<512x1xf32>
    %div3A_526 = arith.divf %broadcast_in_dim3A_523, %div3A_525 : vector<512x1xf32>
    %mul3A_527 = vector.broadcast %get3A_505 : vector<1x256xf32> to vector<512x256xf32>
    %mul3A_528 = arith.mulf %mul3A_527, %sub3A_519 : vector<512x256xf32>
    %add3A_529 = arith.constant 9.99999974E-6 : f32
    %add3A_530 = vector.broadcast %add3A_529 : f32 to vector<512x1xf32>
    %add3A_531 = arith.addf %div3A_526, %add3A_530 : vector<512x1xf32>
    %rsqrt3A_532 = math.rsqrt %add3A_531 : vector<512x1xf32>
    %mul3A_533 = vector.broadcast %rsqrt3A_532 : vector<512x1xf32> to vector<512x256xf32>
    %mul3A_534 = arith.mulf %mul3A_528, %mul3A_533 : vector<512x256xf32>
    %add3A_535 = vector.broadcast %get3A_511 : vector<1x256xf32> to vector<512x256xf32>
    %add3A_536 = arith.addf %mul3A_534, %add3A_535 : vector<512x256xf32>
    %get3A_537 = arith.constant 2 : index
    %get3A_538 = arith.constant 6 : index
    %get3A_539 = arith.constant 0 : index
    %get3A_540 = arith.constant 0 : index
    %get3A_541 = vector.load %arg5[%get3A_537, %get3A_538, %get3A_539, %get3A_540] : memref<3x7x1x256xf32, #tpu.memory_space<vmem>>, vector<1x1x1x256xf32>
    %get3A_542 = vector.shape_cast %get3A_541 : vector<1x1x1x256xf32> to vector<1x256xf32>
    %mul3A_543 = vector.broadcast %get3A_542 : vector<1x256xf32> to vector<512x256xf32>
    %mul3A_544 = arith.mulf %add3A_536, %mul3A_543 : vector<512x256xf32>
    %reduce_sum3A_545 = arith.constant dense<0.000000e+00> : vector<512xf32>
    %reduce_sum3A_546 = vector.multi_reduction <add>, %mul3A_544, %reduce_sum3A_545 [1] : vector<512x256xf32> to vector<512xf32>
    %broadcast_in_dim3A_547 = vector.shape_cast %reduce_sum3A_546 : vector<512xf32> to vector<512x1xf32>
    %get3A_548 = arith.constant 2 : index
    %get3A_549 = arith.constant 0 : index
    %get3A_550 = arith.constant 0 : index
    %get3A_551 = vector.load %arg6[%get3A_548, %get3A_549, %get3A_550] : memref<3x1x1xf32, #tpu.memory_space<vmem>>, vector<1x1x1xf32>
    %get3A_552 = vector.shape_cast %get3A_551 : vector<1x1x1xf32> to vector<1x1xf32>
    %add3A_553 = vector.broadcast %get3A_552 : vector<1x1xf32> to vector<512x1xf32>
    %add3A_554 = arith.addf %broadcast_in_dim3A_547, %add3A_553 : vector<512x1xf32>
    %swap3A_555 = arith.constant 0 : index
    %swap3A_556 = arith.constant 0 : index
    %swap3A_557 = arith.constant 0 : index
    %swap3A_558 = vector.load %arg9[%swap3A_555, %swap3A_556, %swap3A_557] : memref<1x512x1xf32, #tpu.memory_space<vmem>>, vector<1x512x1xf32>
    %swap3A_559 = vector.shape_cast %swap3A_558 : vector<1x512x1xf32> to vector<512x1xf32>
    %swap3A_560 = vector.shape_cast %add3A_554 : vector<512x1xf32> to vector<1x512x1xf32>
    tpu.vector_store %arg9[%swap3A_555, %swap3A_556, %swap3A_557], %swap3A_560 {strides = array<i32>} : memref<1x512x1xf32, #tpu.memory_space<vmem>>, vector<1x512x1xf32>,
    return
  }
  func.func @transform_0(%arg0: i32) -> (i32, i32, i32) {
    %c0_i32 = arith.constant 0 : i32
    %c0_i32_0 = arith.constant 0 : i32
    %c0_i32_1 = arith.constant 0 : i32
    return %arg0, %c0_i32, %c0_i32_0 : i32, i32, i32
  }
  func.func @transform_1(%arg0: i32) -> (i32, i32, i32) {
    %c0_i32 = arith.constant 0 : i32
    %c0_i32_0 = arith.constant 0 : i32
    %c0_i32_1 = arith.constant 0 : i32
    return %arg0, %c0_i32, %c0_i32_0 : i32, i32, i32
  }
  func.func @transform_2(%arg0: i32) -> (i32, i32, i32, i32) {
    %c0_i32 = arith.constant 0 : i32
    %c0_i32_0 = arith.constant 0 : i32
    %c0_i32_1 = arith.constant 0 : i32
    %c0_i32_2 = arith.constant 0 : i32
    %c0_i32_3 = arith.constant 0 : i32
    return %c0_i32, %c0_i32_0, %c0_i32_1, %c0_i32_2 : i32, i32, i32, i32
  }
  func.func @transform_3(%arg0: i32) -> (i32, i32, i32, i32) {
    %c0_i32 = arith.constant 0 : i32
    %c0_i32_0 = arith.constant 0 : i32
    %c0_i32_1 = arith.constant 0 : i32
    %c0_i32_2 = arith.constant 0 : i32
    %c0_i32_3 = arith.constant 0 : i32
    return %c0_i32, %c0_i32_0, %c0_i32_1, %c0_i32_2 : i32, i32, i32, i32
  }
  func.func @transform_4(%arg0: i32) -> (i32, i32, i32, i32) {
    %c0_i32 = arith.constant 0 : i32
    %c0_i32_0 = arith.constant 0 : i32
    %c0_i32_1 = arith.constant 0 : i32
    %c0_i32_2 = arith.constant 0 : i32
    %c0_i32_3 = arith.constant 0 : i32
    return %c0_i32, %c0_i32_0, %c0_i32_1, %c0_i32_2 : i32, i32, i32, i32
  }
  func.func @transform_5(%arg0: i32) -> (i32, i32, i32) {
    %c0_i32 = arith.constant 0 : i32
    %c0_i32_0 = arith.constant 0 : i32
    %c0_i32_1 = arith.constant 0 : i32
    %c0_i32_2 = arith.constant 0 : i32
    return %c0_i32, %c0_i32_0, %c0_i32_1 : i32, i32, i32
  }
  func.func @transform_6(%arg0: i32) -> (i32, i32, i32) {
    %c0_i32 = arith.constant 0 : i32
    %c0_i32_0 = arith.constant 0 : i32
    %c0_i32_1 = arith.constant 0 : i32
    return %arg0, %c0_i32, %c0_i32_0 : i32, i32, i32
  }
  func.func @transform_7(%arg0: i32) -> (i32, i32, i32) {
    %c0_i32 = arith.constant 0 : i32
    %c0_i32_0 = arith.constant 0 : i32
    %c0_i32_1 = arith.constant 0 : i32
    return %arg0, %c0_i32, %c0_i32_0 : i32, i32, i32
  }
  func.func @transform_8(%arg0: i32) -> (i32, i32, i32) {
    %c0_i32 = arith.constant 0 : i32
    %c0_i32_0 = arith.constant 0 : i32
    %c0_i32_1 = arith.constant 0 : i32
    return %arg0, %c0_i32, %c0_i32_0 : i32, i32, i32
  }
}

</mosaic_0001>

<sc_bundles>
// kernel: kernel.5.cloned.1.call-start
scs
__scs_entry_jumppad:
0x0: {  	(pc) =	sbr.rel $0x88, $3  }
0x1: {  	(tag) =	ssettag $0x0;
	lr =	simm.s32 $0x1  }
0x2: {  	[smem:$0x3F79] =	sst lr;
	_ =	strace $0xD0000000  }
0x3: {  	_ = 	snop  }
0x4: {  	_ = 	snop  }
0x5: {  	_ = 	snop  }
0x6: {  	_ = 	snop  }
0x7: {  	_ = 	snop  }
__scs_overlays_trampoline_lowered:
0x8: {  	[smem:$0x3F88] =	sst s0  }
0x9: {  	[smem:$0x3F89] =	sst s1  }
0xa: {  	[smem:$0x3F8A] =	sst s2  }
0xb: {  	[smem:$0x3F8B] =	sst s3  }
0xc: {  	[smem:$0x3F8C] =	sst s4  }
0xd: {  	[smem:$0x3F8D] =	sst s5  }
0xe: {  	[smem:$0x3F8E] =	sst s6  }
0xf: {  	[smem:$0x3F8F] =	sst s7  }
0x10: {  	[smem:$0x3F90] =	sst s8  }
0x11: {  	[smem:$0x3F91] =	sst s9;
	s0 =	simm.s32 @!p0 $0x0  }
0x12: {  	s1 =	sld [smem:$0x3F77];
	s0 =	simm.s32 @p0 $0x1  }
0x13: {  	[smem:$0x3F92] =	sst s0;
	s0 =	simm.s32 @!p1 $0x0  }
0x14: {  	s2 =	sld [smem:$0x3F76];
	s0 =	simm.s32 @p1 $0x1  }
0x15: {  	[smem:$0x3F93] =	sst s0;
	s0 =	simm.s32 @!p2 $0x0  }
0x16: {  	s3 =	sld [smem:$0x3FDB];
	s0 =	simm.s32 @p2 $0x1  }
0x17: {  	s4 =	simm.s32 $0x1BF5;
	[smem:$0x3F95] =	sst s0  }
0x18: {  	s0 =	sld [smem:$0x3F78];
	_ =	swait.ge [sflag:s4], $0x0  }
0x19: {  	s7 =	sld [smem:$0x3F79]  }
0x1a: {  	s8 =	sadd.s32 $0xFFFFE003, lr  }
0x1b: {  	s9 =	sadd.s32 $0xFFFFFEF7, lr;
	s5 =	simm.s32 $0xFFFFFFFF;
	p2 =	slt.u32 s8, $0xFFFFF086  }
0x1c: {  	p1 =	slt.u32 s9, $0xF7A;
	s5 =	simm.s32 @!p2 $0x0  }
0x1d: {  	s5 =	simm.s32 @p1 $0x1;
	p0 =	seq.s32 s7, s2  }
0x1e: {  	s7 =	smul.u32 @!p0 $0xF7A, s2;
	p2 =	seq.s32 @!p0 s5, $0x0  }
0x1f: {  	s9 =	smul.u32 $0xF7A, s1;
	s8 =	simm.s32 @!p0 $0x1BF5;
	p2 =	por !p2, p0  }
0x20: {  	[sflag:s8] =	ssyncset.s32 @!p0 $0xFFFFF086;
	s6 =	sadd.s32 @!p0 s3, s7;
	s7 =	simm.s32 @!p0 $0x108  }
0x21: {  	s3 =	sadd.s32 s3, s9;
	s6 =	sadd.s32 @!p0 $0x88, s6;
	s7 =	simm.s32 @p2 $0x1082  }
0x22: {  	[simem:s7], [sflag:s8] =	dma.local @!p0 [hbm:s6], $0xF7A  }
0x23: {  	s9 =	sor.u32 $0xD0000000, s2;
	s6 =	simm.s32 $0x108;
	_ =	swait.ge @!p0 [sflag:s8], $0x0  }
0x24: {  	s3 =	sadd.s32 $0x88, s3;
	s6 =	simm.s32 @!p1 $0x1082;
	[sflag:s4] =	ssyncset.s32 $0xFFFFF086  }
0x25: {  	[simem:s6], [sflag:s4] =	dma.local [hbm:s3], $0xF7A  }
0x26: {  	[smem:$0x3F79] =	sst s1;
	(tag) =	ssettag s2;
	_ =	strace s9  }
0x27: {  	s1 =	sld [smem:$0x3F89]  }
0x28: {  	s2 =	sld [smem:$0x3F8A]  }
0x29: {  	s4 =	sld [smem:$0x3F8C]  }
0x2a: {  	p0 =	seq.s32 s5, $0x0;
	s5 =	sld [smem:$0x3F8D]  }
0x2b: {  	s6 =	sld [smem:$0x3F8E]  }
0x2c: {  	s7 =	sld [smem:$0x3F8F]  }
0x2d: {  	s3 =	simm.s32 $0x108;
	s8 =	sld [smem:$0x3F90]  }
0x2e: {  	s3 =	simm.s32 @!p0 $0x1082;
	s9 =	sld [smem:$0x3F91]  }
0x2f: {  	lr =	sadd.s32 s0, s3;
	s0 =	sld [smem:$0x3F88]  }
0x30: {  	s3 =	sld [smem:$0x3F8B]  }
0x31: {  	[smem:$0x3F94] =	sst s10  }
0x32: {  	s10 =	sld [smem:$0x3F92];
	_ =	sdelay $0x3  }
0x33: {  	p0 =	seq.s32 s10, $0x1;
	s10 =	sld [smem:$0x3F94];
	_ =	sdelay $0x3  }
0x34: {  	[smem:$0x3F94] =	sst s10  }
0x35: {  	s10 =	sld [smem:$0x3F93];
	_ =	sdelay $0x3  }
0x36: {  	p1 =	seq.s32 s10, $0x1;
	s10 =	sld [smem:$0x3F94];
	_ =	sdelay $0x3  }
0x37: {  	[smem:$0x3F94] =	sst s10  }
0x38: {  	s10 =	sld [smem:$0x3F95]  }
0x39: {  	_ = 	snop;
	(pc) =	sbr.ind lr, $3  }
0x3a: {  	_ = 	snop  }
0x3b: {  	_ = 	snop  }
0x3c: {  	p2 =	seq.s32 s10, $0x1;
	s10 =	sld [smem:$0x3F94]  }
0x3d: {  	_ =	shalt  }
0x3e: {  	_ =	shalt  }
0x3f: {  	_ =	shalt  }
0x40: {  	_ =	shalt  }
0x41: {  	_ =	shalt  }
0x42: {  	_ =	shalt  }
0x43: {  	_ =	shalt  }
0x44: {  	_ =	shalt  }
0x45: {  	_ =	shalt  }
0x46: {  	_ =	shalt  }
0x47: {  	_ =	shalt  }
0x48: {  	_ =	shalt  }
0x49: {  	_ =	shalt  }
0x4a: {  	_ =	shalt  }
0x4b: {  	_ =	shalt  }
0x4c: {  	_ =	shalt  }
0x4d: {  	_ =	shalt  }
0x4e: {  	_ =	shalt  }
0x4f: {  	_ =	shalt  }
0x50: {  	_ =	shalt  }
0x51: {  	_ =	shalt  }
0x52: {  	_ =	shalt  }
0x53: {  	_ =	shalt  }
0x54: {  	_ =	shalt  }
0x55: {  	_ =	shalt  }
0x56: {  	_ =	shalt  }
0x57: {  	_ =	shalt  }
0x58: {  	_ =	shalt  }
0x59: {  	_ =	shalt  }
0x5a: {  	_ =	shalt  }
0x5b: {  	_ =	shalt  }
0x5c: {  	_ =	shalt  }
0x5d: {  	_ =	shalt  }
0x5e: {  	_ =	shalt  }
0x5f: {  	_ =	shalt  }
0x60: {  	_ =	shalt  }
0x61: {  	_ =	shalt  }
0x62: {  	_ =	shalt  }
0x63: {  	_ =	shalt  }
0x64: {  	_ =	shalt  }
0x65: {  	_ =	shalt  }
0x66: {  	_ =	shalt  }
0x67: {  	_ =	shalt  }
0x68: {  	_ =	shalt  }
0x69: {  	_ =	shalt  }
0x6a: {  	_ =	shalt  }
0x6b: {  	_ =	shalt  }
0x6c: {  	_ =	shalt  }
0x6d: {  	_ =	shalt  }
0x6e: {  	_ =	shalt  }
0x6f: {  	_ =	shalt  }
0x70: {  	_ =	shalt  }
0x71: {  	_ =	shalt  }
0x72: {  	_ =	shalt  }
0x73: {  	_ =	shalt  }
0x74: {  	_ =	shalt  }
0x75: {  	_ =	shalt  }
0x76: {  	_ =	shalt  }
0x77: {  	_ =	shalt  }
0x78: {  	_ =	shalt  }
0x79: {  	_ =	shalt  }
0x7a: {  	_ =	shalt  }
0x7b: {  	_ =	shalt  }
0x7c: {  	_ =	shalt  }
0x7d: {  	_ =	shalt  }
0x7e: {  	_ =	shalt  }
0x7f: {  	_ =	shalt  }
0x80: {  	_ =	shalt  }
0x81: {  	_ =	shalt  }
0x82: {  	_ =	shalt  }
0x83: {  	_ =	shalt  }
0x84: {  	_ =	shalt  }
0x85: {  	_ =	shalt  }
0x86: {  	_ =	shalt  }
0x87: {  	_ =	shalt  }
.Lfunc_end0:
.L_simem_size_0:
called_computation_lowered:
.L_overlay_start_0:
0x88: {  	s2 =	sld [smem:$0x3FD9]  }
0x89: {  	s3 =	sld [smem:$0x3FFE];
	_ =	sdelay $0x1  }
0x8a: {  	s1 =	srdreg.scid  }
0x8b: {  	s0 =	sand.u32 $0x1, s1  }
0x8c: {  	s14 =	sshll.u32 s0, $0xA;
	s2 =	sadd.s32 s3, s2  }
0x8d: {  	s2 =	sadd.s32 s2, s14  }
0x8e: {  	[smem:$0x3FA0] =	sst s2  }
0x8f: {  	_ = 	snop  }
0x90: {  	s2 =	sld [smem:$0x3FD0];
	_ =	sdelay $0x2  }
0x91: {  	s15 =	simm.s32 $0xA;
	s4 =	simm.s32 $0x10  }
0x92: {  	[smem:s4], [sflag:s15] =	dma.local [hbm:s2], $0x1  }
0x93: {  	_ =	swait.eq [sflag:s15], $0x1  }
0x94: {  	[sflag:s15] =	ssyncset.done $0x0  }
0x95: {  	[sflag:s15] =	ssyncadd.s32 $0xFFFFFFFF  }
0x96: {  	s16 =	sld [smem:$0x10];
	(tm) =	ssettm $0x1  }
0x97: {  	s17 =	sld [smem:$0x3FFB];
	_ =	sdelay $0x3  }
0x98: {  	_ =	strace s17  }
0x99: {  	s3 =	sld [smem:$0x3FFC];
	_ =	sdelay $0x3  }
0x9a: {  	_ =	strace s3  }
0x9b: {  	s3 =	sld [smem:$0x3FFD];
	_ =	sdelay $0x3  }
0x9c: {  	_ =	strace s3  }
0x9d: {  	_ =	strace $0x8FFFFFFF  }
0x9e: {  	s18 =	sld [smem:$0x3FDB];
	_ =	sdelay $0x1  }
0x9f: {  	s19 =	simm.s32 $_scs_section_size  }
0xa0: {  	s5 =	simm.s32 $_size__tile_overlayer_lowered;
	s6 =	simm.s32 $_tile_overlayer_lowered  }
0xa1: {  	s22 =	simm.s32 $0x1BFF;
	s21 =	sshll.u32 s6, $0x1;
	s3 =	sadd.s32 s19, s18  }
0xa2: {  	s7 =	simm.s32 $0x0;
	s20 =	sshll.u32 s5, $0x1;
	s5 =	sadd.s32 s21, s3  }
0xa3: {  	[timem:s7], [sflag:s22] =	dma.local [hbm:s5], s20  }
0xa4: {  	_ =	swait.ge [sflag:s22], s20  }
0xa5: {  	s4 =	ssub.s32 $0x0, s20;
	[sflag:s22] =	ssyncset.done $0x0  }
0xa6: {  	[sflag:s22] =	ssyncadd.s32 s4;
	_ =	sdelay $0x1  }
0xa7: {  	s23 =	simm.s32 $0x1B8B  }
0xa8: {  	_ =	swait.ge [sflag:s23], $0x1  }
0xa9: {  	[sflag:s23] =	ssyncset.done $0x0  }
0xaa: {  	s25 =	simm.s32 $0x1B8E;
	s24 =	sld [smem:$0x3FFE];
	[sflag:s23] =	ssyncadd.s32 $0xFFFFFFFF  }
0xab: {  	s26 =	simm.s32 $execute0_lowered;
	[smem:$0x3FD2] =	sst s25  }
0xac: {  	s5 =	sshll.u32 s26, $0x1;
	_ =	strace $0x80000046;
	[dreg:$0x1] =	wrdreg $0xFFFFFFFF  }
0xad: {  	s28 =	simm.s32 $_size_execute0_lowered;
	s3 =	sadd.s32 s3, s5;
	[dreg:$0x0] =	wrdreg $0x0  }
0xae: {  	s5 =	sshll.u32 s28, $0x1;
	[dreg:$0x2] =	wrdreg s3  }
0xaf: {  	[dreg:$0x3] =	wrdreg s5  }
0xb0: {  	[dreg:$0x4] =	wrdreg $0xC0  }
0xb1: {  	_ =	task [dreg:s7], $0x5FFFF  }
0xb2: {  	[dreg:$0x1] =	wrdreg $0xFFFFFFFF  }
0xb3: {  	[dreg:$0x0] =	wrdreg $0x60  }
0xb4: {  	[dreg:$0x2] =	wrdreg s24  }
0xb5: {  	[dreg:$0x3] =	wrdreg s16  }
0xb6: {  	[dreg:$0x4] =	wrdreg $0x40800  }
0xb7: {  	[dreg:$0x5] =	wrdreg $0x0  }
0xb8: {  	[dreg:$0x6] =	wrdreg $0x9  }
0xb9: {  	_ =	task.clear_ibuf [dreg:s7], $0x7FFFF;
	_ =	strace $0x90000046  }
0xba: {  	s29 =	simm.s32 $0x9;
	_ =	strace $0x80000048  }
0xbb: {  	_ =	swait.ge [sflag:s29], $0x1  }
0xbc: {  	[sflag:s29] =	ssyncadd.s32 $0xFFFFFFFF  }
0xbd: {  	_ =	strace $0x90000048  }
0xbe: {  	_ =	sfence  }
0xbf: {  	s30 =	sld [smem:$0x0];
	_ =	sdelay $0x2  }
0xc0: {  	s31 =	sshll.u32 s1, $0xD;
	s1 =	sshrl.u32 s1, $0x2  }
0xc1: {  	s3 =	sand.u32 $0x4000, s31;
	s1 =	sadd.s32 s1, s30  }
0xc2: {  	s0 =	sor.u32 s3, s0;
	s1 =	sshll.u32 s1, $0x11  }
0xc3: {  	s0 =	sor.u32 s1, s0  }
0xc4: {  	s0 =	sadd.s32 $0x8F2B, s0  }
0xc5: {  	[sflag:s0] =	ssyncadd.remote.s32 $0x1  }
0xc6: {  	_ =	sfence.sel $0xFFFF  }
0xc7: {  	[dreg:$0x0] =	wrdreg $0xFFFFFFFF;
	(pc) =	sbr.abs _section_cstart, $3  }
0xc8: {  	[dreg:$0x1] =	wrdreg $0xFFFFFFFF  }
0xc9: {  	_ =	task.clear_ibuf [dreg:s7], $0x2FFFF;
	_ =	strace $0x9FFFFFFF  }
0xca: {  	(tm) =	ssettm $0x7FFFFFFF  }
0xcb: {  	_ =	shalt  }
tec
execute0_lowered:
.L_overlay_start_1:
0x0: {  	(tag) =	ssettag $0x1  }
0x1: {  	s0 =	rddreg [dreg:$0x0]  }
0x2: {  	s3 =	rddreg [dreg:$0x1]  }
0x3: {  	s4 =	rddreg [dreg:$0x2]  }
0x4: {  	s1 =	rddreg [dreg:$0x3];
	s5 =	srdreg.scid  }
0x5: {  	s7 =	stileid.u32;
	s2 =	simm.s32 $0x0;
	s18 =	simm.s32 $0x1  }
0x6: {  	s20 =	simm.s32 $0x3;
	s28 =	simm.s32 $0x0;
	s5 =	sand.u32 $0x1, s5  }
0x7: {  	s6 =	sshll.u32 s7, $0x9;
	s8 =	sshll.u32 s7, $0x7;
	[smem:$0x7FF] =	sst s2  }
0x8: {  	s11 =	sadd.s32 $0x3E00, s0;
	s10 =	sadd.s32 $0x24600, s0;
	s23 =	sshll.u32 s7, $0x6  }
0x9: {  	s24 =	sshll.u32 s7, $0xE;
	s12 =	sshll.u32 s7, $0xD;
	s14 =	sadd.s32 $0x1000, s3  }
0xa: {  	p0 =	sne.s32 s7, $0x0;
	s6 =	sand.u32 $0x1000, s6;
	s9 =	sshll.u32 s5, $0xD  }
0xb: {  	s8 =	sand.u32 $0x380, s8;
	_ =	strace $0x80000047;
	[dreg:$0x5] =	wrdreg s10  }
0xc: {  	s21 =	ssub.s32 $0x2, s5;
	s25 =	sshll.u32 s5, $0x13;
	s13 =	sshll.u32 s5, $0x12  }
0xd: {  	s5 =	sshllo.u32 s5, $0x1;
	s29 =	sadd.s32 s24, s1;
	s9 =	sor.u32 s9, s6  }
0xe: {  	s22 =	sshrl.u32 s21, $0x1;
	s4 =	sadd.s32 s6, s4;
	s6 =	sor.u32 $0x1C03, s23  }
0xf: {  	s10 =	sor.u32 s24, s25;
	s26 =	sor.u32 s13, s12;
	[dreg:$0x8] =	wrdreg s29  }
0x10: {  	s31 =	sshll.u32 s5, $0x12;
	s5 =	sshll.u32 s5, $0x11;
	s25 =	simm.s32 $0x2  }
0x11: {  	s9 =	sor.u32 s8, s9;
	s4 =	sadd.s32 s8, s4;
	s10 =	sshrl.u32 s10, $0x3  }
0x12: {  	s30 =	sadd.s32 s3, s26;
	s8 =	sor.u32 s24, s31;
	s5 =	sor.u32 s12, s5  }
0x13: {  	s9 =	sshrl.u32 s9, $0x3;
	s10 =	sadd.s32 s11, s10;
	[dreg:$0x9] =	wrdreg s30  }
0x14: {  	s8 =	sshrl.u32 s8, $0x3;
	s12 =	sadd.s32 s3, s5;
	s13 =	sadd.s32 s5, s14  }
0x15: {  	s15 =	sadd.s32 $0x400, s4;
	s16 =	sadd.s32 $0x800, s4;
	s17 =	sadd.s32 $0xC00, s4  }
0x16: {  	s0 =	sadd.s32 s9, s0;
	[dreg:$0x7] =	wrdreg s10;
	s10 =	sadd.s32 s26, s14  }
0x17: {  	s9 =	ssub.s32 s21, s22;
	s0 =	sadd.s32 $0x23E00, s0;
	[dreg:$0xa] =	wrdreg s10  }
0x18: {  	s8 =	sadd.s32 s11, s8;
	[dreg:$0x6] =	wrdreg s0;
	s0 =	sadd.s32 $0x40000, s1  }
0x19: {  	[dreg:$0xb] =	wrdreg s8;
	s14 =	smax.u32 s9, $0x1;
	s23 =	sshrl.u32 @!p0 s0, $0x3  }
.LBB2_1:
0x1a: {  	s0 =	sshrl.u32 s4, $0x3;
	s3 =	rddreg [dreg:$0x6];
	s5 =	simm.s32 $0x80  }
0x1b: {  	[spmem:s0@s5], [sflag:s6] =	dma.strided [hbm:s3@s5], $0x40, s18, $0x10   }
0x1c: {  	_ =	swait.ge [sflag:s20], $0x40  }
0x1d: {  	[sflag:s20] =	ssyncset.done $0x0  }
0x1e: {  	[sflag:s20] =	ssyncadd.s32 $0xFFFFFFC0  }
0x1f: {  	[smem:s2], [sflag:$0x3] =	stream.linear.gather [spmem:s4], $0x80, $0x38;
	[tilespmem:$0x14280] =	vst v63  }
0x20: {  	_ = 	snop  }
0x21: {  	[smem:s5], [sflag:$0x3] =	stream.linear.gather [spmem:s15], $0x80, $0x38;
	[tilespmem:$0x14280] =	vst v63  }
0x22: {  	s26 =	simm.s32 $0x100  }
0x23: {  	[smem:s26], [sflag:$0x3] =	stream.linear.gather [spmem:s16], $0x80, $0x38;
	[tilespmem:$0x14280] =	vst v63  }
0x24: {  	s3 =	simm.s32 $0x180  }
0x25: {  	[smem:s3], [sflag:$0x3] =	stream.linear.gather [spmem:s17], $0x80, $0x38;
	[tilespmem:$0x14280] =	vst v63  }
0x26: {  	_ =	swait.ge [sflag:s20], $0x200  }
0x27: {  	[sflag:s20] =	ssyncset.done $0x0  }
0x28: {  	s0 =	rddreg [dreg:$0x5];
	[sflag:s20] =	ssyncadd.s32 $0xFFFFFE00  }
0x29: {  	[spmem:s23], [sflag:s6] =	dma.local @!p0 [hbm:s0], $0x100  }
0x2a: {  	s0 =	simm.s32 @!p0 $0x3  }
0x2b: {  	_ =	swait.ge @!p0 [sflag:s0], $0x100  }
0x2c: {  	[sflag:s0] =	ssyncset.done @!p0 $0x0;
	s5 =	rddreg [dreg:$0x8]  }
0x2d: {  	s7 =	rddreg [dreg:$0x7];
	[sflag:s0] =	ssyncadd.s32 @!p0 $0xFFFFFF00;
	s29 =	sshrl.u32 s5, $0x3  }
0x2e: {  	[spmem:s29], [sflag:s6] =	dma.local [hbm:s7], $0x800  }
0x2f: {  	_ =	swait.ge [sflag:s20], $0x800  }
0x30: {  	[sflag:s20] =	ssyncset.done $0x0  }
0x31: {  	[sflag:s20] =	ssyncadd.s32 $0xFFFFF800  }
0x32: {  	[bflag:$0x0] =	sbarrier.arrive $0xFFFF  }
0x33: {  	s30 =	simm.s32 $0x2000;
	s31 =	simm.s32 $0xC;
	s8 =	sld [smem:$0x0]  }
0x34: {  	s11 =	simm.s32 $0x4280;
	s22 =	simm.s32 $0x4680;
	s21 =	sld [smem:$0x7]  }
0x35: {  	s24 =	simm.s32 $0x4300;
	s26 =	simm.s32 $0x4700;
	s10 =	sld [smem:$0x2]  }
0x36: {  	s9 =	sshll.u32 s8, $0x8;
	s0 =	sshll.u32 s8, $0x7;
	s7 =	sld [smem:$0x1]  }
0x37: {  	s3 =	sand.u32 $0xFFFFF800, s9;
	s8 =	sand.u32 $0x380, s0;
	s0 =	simm.s32 $0x0  }
0x38: {  	s3 =	sadd.s32 s3, s1;
	s9 =	sshll.u32 s10, $0x7;
	s5 =	sshll.u32 s10, $0x8  }
0x39: {  	s3 =	sadd.s32 s8, s3;
	s19 =	sshll.u32 s7, $0x8;
	s7 =	sshll.u32 s7, $0x7  }
0x3a: {  	[tilespmem:s11], [sflag:$0x1] =	stream.linear.gather [spmem:s3], $0x80, $0x38;
	[tilespmem:$0x14280] =	vst v63  }
0x3b: {  	s5 =	sand.u32 $0xFFFFF800, s5;
	s3 =	sadd.s32 $0x400, s3;
	s8 =	sand.u32 $0xFFFFF800, s19  }
0x3c: {  	s7 =	sand.u32 $0x380, s7;
	s10 =	sadd.s32 s5, s1;
	s8 =	sadd.s32 s8, s1  }
0x3d: {  	[tilespmem:s22], [sflag:$0x1] =	stream.linear.gather [spmem:s3], $0x80, $0x38;
	[tilespmem:$0x14280] =	vst v63  }
0x3e: {  	s11 =	sand.u32 $0x380, s9;
	s7 =	sadd.s32 s7, s8;
	s8 =	sld [smem:$0x3]  }
0x3f: {  	[tilespmem:s24], [sflag:$0x1] =	stream.linear.gather [spmem:s7], $0x80, $0x38;
	[tilespmem:$0x14280] =	vst v63  }
0x40: {  	s19 =	simm.s32 $0x4380;
	s7 =	sadd.s32 $0x400, s7;
	s22 =	sld [smem:$0x4]  }
0x41: {  	[tilespmem:s26], [sflag:$0x1] =	stream.linear.gather [spmem:s7], $0x80, $0x38;
	[tilespmem:$0x14280] =	vst v63  }
0x42: {  	s3 =	sadd.s32 s11, s10;
	s10 =	simm.s32 $0x4400;
	s11 =	simm.s32 $0x4800  }
0x43: {  	[tilespmem:s19], [sflag:$0x1] =	stream.linear.gather [spmem:s3], $0x80, $0x38;
	[tilespmem:$0x14280] =	vst v63  }
0x44: {  	s24 =	sshll.u32 s8, $0x7;
	s26 =	sshll.u32 s8, $0x8;
	s8 =	simm.s32 $0x4780  }
0x45: {  	s3 =	sadd.s32 $0x400, s3;
	s5 =	sand.u32 $0xFFFFF800, s26;
	s9 =	sand.u32 $0x380, s24  }
0x46: {  	s24 =	sshll.u32 s22, $0x8;
	s26 =	sshll.u32 s22, $0x7;
	s5 =	sadd.s32 s5, s1  }
0x47: {  	[tilespmem:s8], [sflag:$0x1] =	stream.linear.gather [spmem:s3], $0x80, $0x38;
	[tilespmem:$0x14280] =	vst v63  }
0x48: {  	s7 =	sand.u32 $0xFFFFF800, s24;
	s5 =	sadd.s32 s9, s5;
	s19 =	sld [smem:$0x5]  }
0x49: {  	[tilespmem:s10], [sflag:$0x1] =	stream.linear.gather [spmem:s5], $0x80, $0x38;
	[tilespmem:$0x14280] =	vst v63  }
0x4a: {  	s9 =	sand.u32 $0x380, s26;
	s7 =	sadd.s32 s7, s1;
	s5 =	sadd.s32 $0x400, s5  }
0x4b: {  	[tilespmem:s11], [sflag:$0x1] =	stream.linear.gather [spmem:s5], $0x80, $0x38;
	[tilespmem:$0x14280] =	vst v63  }
0x4c: {  	s22 =	simm.s32 $0x4980;
	s10 =	simm.s32 $0x4480;
	s11 =	sadd.s32 s9, s7  }
0x4d: {  	s24 =	sshll.u32 s19, $0x8;
	s26 =	sshll.u32 s19, $0x7;
	s9 =	sld [smem:$0x6]  }
0x4e: {  	[tilespmem:s10], [sflag:$0x1] =	stream.linear.gather [spmem:s11], $0x80, $0x38;
	[tilespmem:$0x14280] =	vst v63  }
0x4f: {  	s19 =	simm.s32 $0x4500;
	s5 =	sadd.s32 $0x400, s11;
	s7 =	sand.u32 $0xFFFFF800, s24  }
0x50: {  	s10 =	simm.s32 $0x4880;
	s11 =	sand.u32 $0x380, s26;
	s7 =	sadd.s32 s7, s1  }
0x51: {  	[tilespmem:s10], [sflag:$0x1] =	stream.linear.gather [spmem:s5], $0x80, $0x38;
	[tilespmem:$0x14280] =	vst v63  }
0x52: {  	s5 =	sshll.u32 s21, $0x8;
	s3 =	sadd.s32 s11, s7;
	s24 =	sshll.u32 s9, $0x8  }
0x53: {  	[tilespmem:s19], [sflag:$0x1] =	stream.linear.gather [spmem:s3], $0x80, $0x38;
	[tilespmem:$0x14280] =	vst v63  }
0x54: {  	s7 =	simm.s32 $0x4900;
	s9 =	sshll.u32 s9, $0x7;
	s26 =	sand.u32 $0xFFFFF800, s24  }
0x55: {  	s8 =	sadd.s32 $0x400, s3;
	s3 =	sand.u32 $0x380, s9;
	s9 =	sadd.s32 s26, s1  }
.LBB2_2:
0x56: {  	s9 =	sadd.s32 s3, s9;
	s19 =	sadd.s32 $0x4580, s0  }
0x57: {  	s5 =	sand.u32 $0xFFFFF800, s5;
	s10 =	smov.u32 s30;
	s3 =	smov.u32 s31  }
0x58: {  	[tilespmem:s7], [sflag:$0x1] =	stream.linear.gather [spmem:s8], $0x80, $0x38;
	[tilespmem:$0x14280] =	vst v63  }
0x59: {  	s7 =	sadd.s32 $0x400, s9;
	s8 =	sshll.u32 s21, $0x7;
	s5 =	sadd.s32 s5, s1  }
0x5a: {  	[tilespmem:s19], [sflag:$0x1] =	stream.linear.gather [spmem:s9], $0x80, $0x38;
	[tilespmem:$0x14280] =	vst v63  }
0x5b: {  	p1 =	sne.s32 s30, $0x1E000;
	s30 =	sadd.s32 $0x2000, s30;
	s8 =	sand.u32 $0x380, s8  }
0x5c: {  	s5 =	sadd.s32 s8, s5;
	s8 =	sadd.s32 $0x4600, s0  }
0x5d: {  	[tilespmem:s22], [sflag:$0x1] =	stream.linear.gather [spmem:s7], $0x80, $0x38;
	[tilespmem:$0x14280] =	vst v63  }
0x5e: {  	s7 =	sadd.s32 $0x400, s5  }
0x5f: {  	[tilespmem:s8], [sflag:$0x1] =	stream.linear.gather [spmem:s5], $0x80, $0x38;
	[tilespmem:$0x14280] =	vst v63  }
0x60: {  	s0 =	sadd.s32 $0x4A00, s0;
	s5 =	sld [smem:s31+$0xFFFFFFFC]  }
0x61: {  	[tilespmem:s0], [sflag:$0x1] =	stream.linear.gather [spmem:s7], $0x80, $0x38;
	[tilespmem:$0x14280] =	vst v63  }
0x62: {  	s21 =	sld [smem:s31+$0x3]  }
0x63: {  	s0 =	sshll.u32 s5, $0x8;
	s5 =	sshll.u32 s5, $0x7;
	s7 =	sld [smem:s31+$0xFFFFFFFE]  }
0x64: {  	s31 =	sadd.s32 $0x8, s31;
	s0 =	sand.u32 $0xFFFFF800, s0;
	s8 =	sld [smem:s3+$0xFFFFFFFD]  }
0x65: {  	s5 =	sand.u32 $0x380, s5;
	s9 =	sadd.s32 s0, s1;
	s0 =	sshra.s32 s10, $0x2  }
0x66: {  	s5 =	sadd.s32 s5, s9;
	s9 =	sadd.s32 $0x4280, s0;
	s10 =	sshll.u32 s7, $0x7  }
0x67: {  	s24 =	sadd.s32 $0x4300, s0;
	s7 =	sshll.u32 s7, $0x8;
	s19 =	sshll.u32 s8, $0x8  }
0x68: {  	s26 =	sadd.s32 $0x4680, s0;
	s7 =	sand.u32 $0xFFFFF800, s7;
	s19 =	sand.u32 $0xFFFFF800, s19  }
0x69: {  	s11 =	sadd.s32 $0x400, s5;
	s8 =	sshll.u32 s8, $0x7;
	s7 =	sadd.s32 s7, s1  }
0x6a: {  	[tilespmem:s9], [sflag:$0x1] =	stream.linear.gather [spmem:s5], $0x80, $0x38;
	[tilespmem:$0x14280] =	vst v63  }
0x6b: {  	s22 =	sadd.s32 $0x4980, s0;
	s5 =	sand.u32 $0x380, s8;
	s8 =	sadd.s32 s19, s1  }
0x6c: {  	[tilespmem:s26], [sflag:$0x1] =	stream.linear.gather [spmem:s11], $0x80, $0x38;
	[tilespmem:$0x14280] =	vst v63  }
0x6d: {  	s5 =	sadd.s32 s5, s8;
	s8 =	sadd.s32 $0x4700, s0;
	s9 =	sld [smem:s3+$0xFFFFFFFF]  }
0x6e: {  	[tilespmem:s24], [sflag:$0x1] =	stream.linear.gather [spmem:s5], $0x80, $0x38;
	[tilespmem:$0x14280] =	vst v63  }
0x6f: {  	s10 =	sand.u32 $0x380, s10;
	s19 =	sadd.s32 $0x4380, s0;
	s11 =	sadd.s32 $0x400, s5  }
0x70: {  	s5 =	sshll.u32 s21, $0x8;
	s24 =	sshll.u32 s9, $0x7;
	s26 =	sld [smem:s3+$0x0]  }
0x71: {  	[tilespmem:s8], [sflag:$0x1] =	stream.linear.gather [spmem:s11], $0x80, $0x38;
	[tilespmem:$0x14280] =	vst v63  }
0x72: {  	s7 =	sadd.s32 s10, s7;
	s9 =	sshll.u32 s9, $0x8;
	s8 =	sadd.s32 $0x4780, s0  }
0x73: {  	s10 =	sadd.s32 $0x400, s7;
	s9 =	sand.u32 $0xFFFFF800, s9;
	s11 =	sadd.s32 $0x4400, s0  }
0x74: {  	[tilespmem:s19], [sflag:$0x1] =	stream.linear.gather [spmem:s7], $0x80, $0x38;
	[tilespmem:$0x14280] =	vst v63  }
0x75: {  	s9 =	sadd.s32 s9, s1;
	s7 =	sand.u32 $0x380, s24  }
0x76: {  	s19 =	sadd.s32 $0x4800, s0;
	s7 =	sadd.s32 s7, s9;
	s9 =	sshll.u32 s26, $0x8  }
0x77: {  	s24 =	sshll.u32 s26, $0x7;
	s9 =	sand.u32 $0xFFFFF800, s9  }
0x78: {  	[tilespmem:s8], [sflag:$0x1] =	stream.linear.gather [spmem:s10], $0x80, $0x38;
	[tilespmem:$0x14280] =	vst v63  }
0x79: {  	s8 =	sadd.s32 $0x400, s7;
	s9 =	sadd.s32 s9, s1;
	s10 =	sld [smem:s3+$0x1]  }
0x7a: {  	[tilespmem:s11], [sflag:$0x1] =	stream.linear.gather [spmem:s7], $0x80, $0x38;
	[tilespmem:$0x14280] =	vst v63  }
0x7b: {  	s7 =	sand.u32 $0x380, s24;
	s11 =	sadd.s32 $0x4480, s0;
	s24 =	sadd.s32 $0x4500, s0  }
0x7c: {  	[tilespmem:s19], [sflag:$0x1] =	stream.linear.gather [spmem:s8], $0x80, $0x38;
	[tilespmem:$0x14280] =	vst v63  }
0x7d: {  	s7 =	sadd.s32 s7, s9;
	s8 =	sshll.u32 s10, $0x8;
	s9 =	sshll.u32 s10, $0x7  }
0x7e: {  	s10 =	sadd.s32 $0x400, s7;
	s8 =	sand.u32 $0xFFFFF800, s8;
	s3 =	sld [smem:s3+$0x2]  }
0x7f: {  	[tilespmem:s11], [sflag:$0x1] =	stream.linear.gather [spmem:s7], $0x80, $0x38;
	[tilespmem:$0x14280] =	vst v63  }
0x80: {  	s8 =	sadd.s32 s8, s1;
	s11 =	sadd.s32 $0x4880, s0;
	s7 =	sand.u32 $0x380, s9  }
.Ltmp0:
0x81: {  	s19 =	sadd.s32 s7, s8;
	s8 =	sshll.u32 s3, $0x8;
	(pc) =	sbr.rel @p1 .LBB2_2-.Ltmp0, $4  }
0x82: {  	s7 =	sadd.s32 $0x4900, s0;
	s3 =	sshll.u32 s3, $0x7;
	s9 =	sand.u32 $0xFFFFF800, s8  }
0x83: {  	[tilespmem:s11], [sflag:$0x1] =	stream.linear.gather [spmem:s10], $0x80, $0x38;
	[tilespmem:$0x14280] =	vst v63  }
0x84: {  	s8 =	sadd.s32 $0x400, s19;
	s3 =	sand.u32 $0x380, s3;
	s9 =	sadd.s32 s9, s1  }
0x85: {  	[tilespmem:s24], [sflag:$0x1] =	stream.linear.gather [spmem:s19], $0x80, $0x38;
	[tilespmem:$0x14280] =	vst v63  }
0x86: {  	s3 =	sadd.s32 s3, s9  }
0x87: {  	[tilespmem:s7], [sflag:$0x1] =	stream.linear.gather [spmem:s8], $0x80, $0x38;
	[tilespmem:$0x14280] =	vst v63  }
0x88: {  	s8 =	sadd.s32 $0x4580, s0;
	s5 =	sand.u32 $0xFFFFF800, s5;
	s9 =	sshll.u32 s21, $0x7  }
0x89: {  	[tilespmem:s8], [sflag:$0x1] =	stream.linear.gather [spmem:s3], $0x80, $0x38;
	[tilespmem:$0x14280] =	vst v63  }
0x8a: {  	s5 =	sadd.s32 s5, s1;
	s10 =	sand.u32 $0x380, s9;
	s3 =	sadd.s32 $0x400, s3  }
0x8b: {  	[tilespmem:s22], [sflag:$0x1] =	stream.linear.gather [spmem:s3], $0x80, $0x38;
	[tilespmem:$0x14280] =	vst v63  }
0x8c: {  	s19 =	sadd.s32 $0x4600, s0;
	s11 =	sadd.s32 s10, s5  }
0x8d: {  	[tilespmem:s19], [sflag:$0x1] =	stream.linear.gather [spmem:s11], $0x80, $0x38;
	[tilespmem:$0x14280] =	vst v63  }
0x8e: {  	s21 =	sadd.s32 $0x4A00, s0;
	s3 =	sadd.s32 $0x400, s11  }
0x8f: {  	[tilespmem:s21], [sflag:$0x1] =	stream.linear.gather [spmem:s3], $0x80, $0x38;
	[tilespmem:$0x14280] =	vst v63  }
0x90: {  	s0 =	sld [smem:$0x80]  }
0x91: {  	s30 =	simm.s32 $0x2000;
	s21 =	sld [smem:$0x87]  }
0x92: {  	s31 =	simm.s32 $0x8F;
	s11 =	simm.s32 $0xC300;
	s24 =	sld [smem:$0x82]  }
0x93: {  	s22 =	sshll.u32 s0, $0x8;
	s0 =	sshll.u32 s0, $0x7;
	s26 =	sld [smem:$0x81]  }
0x94: {  	s3 =	sand.u32 $0xFFFFF800, s22;
	s19 =	sand.u32 $0x380, s0;
	s0 =	simm.s32 $0x0  }
0x95: {  	s22 =	simm.s32 $0xC280;
	s3 =	sadd.s32 s3, s1;
	s9 =	sshll.u32 s24, $0x7  }
0x96: {  	s5 =	sshll.u32 s24, $0x8;
	s3 =	sadd.s32 s19, s3;
	s10 =	sshll.u32 s26, $0x8  }
0x97: {  	s19 =	simm.s32 $0xC680;
	s5 =	sand.u32 $0xFFFFF800, s5;
	s7 =	sshll.u32 s26, $0x7  }
0x98: {  	s9 =	sand.u32 $0x380, s9;
	s10 =	sand.u32 $0xFFFFF800, s10;
	s24 =	sadd.s32 $0x400, s3  }
0x99: {  	[tilespmem:s22], [sflag:$0x2] =	stream.linear.gather [spmem:s3], $0x80, $0x38;
	[tilespmem:$0x14280] =	vst v63  }
0x9a: {  	s26 =	sadd.s32 s5, s1;
	s8 =	sand.u32 $0x380, s7;
	s22 =	simm.s32 $0xC980  }
0x9b: {  	s5 =	sshll.u32 s21, $0x8;
	s7 =	simm.s32 $0xC780;
	s10 =	sadd.s32 s10, s1  }
0x9c: {  	[tilespmem:s19], [sflag:$0x2] =	stream.linear.gather [spmem:s24], $0x80, $0x38;
	[tilespmem:$0x14280] =	vst v63  }
0x9d: {  	s26 =	sadd.s32 s9, s26;
	s3 =	sadd.s32 s8, s10;
	s8 =	sld [smem:$0x83]  }
0x9e: {  	[tilespmem:s11], [sflag:$0x2] =	stream.linear.gather [spmem:s3], $0x80, $0x38;
	[tilespmem:$0x14280] =	vst v63  }
0x9f: {  	s24 =	simm.s32 $0xC700;
	s3 =	sadd.s32 $0x400, s3;
	s19 =	sld [smem:$0x84]  }
0xa0: {  	[tilespmem:s24], [sflag:$0x2] =	stream.linear.gather [spmem:s3], $0x80, $0x38;
	[tilespmem:$0x14280] =	vst v63  }
0xa1: {  	s10 =	simm.s32 $0xC380;
	s11 =	sshll.u32 s8, $0x7;
	s8 =	sshll.u32 s8, $0x8  }
0xa2: {  	[tilespmem:s10], [sflag:$0x2] =	stream.linear.gather [spmem:s26], $0x80, $0x38;
	[tilespmem:$0x14280] =	vst v63  }
0xa3: {  	s9 =	sadd.s32 $0x400, s26;
	s24 =	simm.s32 $0xC400;
	s8 =	sand.u32 $0xFFFFF800, s8  }
0xa4: {  	s10 =	simm.s32 $0xC800;
	s26 =	sand.u32 $0x380, s11;
	s8 =	sadd.s32 s8, s1  }
0xa5: {  	[tilespmem:s7], [sflag:$0x2] =	stream.linear.gather [spmem:s9], $0x80, $0x38;
	[tilespmem:$0x14280] =	vst v63  }
0xa6: {  	s11 =	sshll.u32 s19, $0x8;
	s3 =	sadd.s32 s26, s8;
	s26 =	sshll.u32 s19, $0x7  }
0xa7: {  	s8 =	sand.u32 $0xFFFFF800, s11;
	s9 =	sld [smem:$0x85];
	s19 =	sadd.s32 $0x400, s3  }
0xa8: {  	[tilespmem:s24], [sflag:$0x2] =	stream.linear.gather [spmem:s3], $0x80, $0x38;
	[tilespmem:$0x14280] =	vst v63  }
0xa9: {  	s24 =	sand.u32 $0x380, s26;
	s8 =	sadd.s32 s8, s1;
	s26 =	simm.s32 $0xC480  }
0xaa: {  	[tilespmem:s10], [sflag:$0x2] =	stream.linear.gather [spmem:s19], $0x80, $0x38;
	[tilespmem:$0x14280] =	vst v63  }
0xab: {  	s3 =	sadd.s32 s24, s8;
	s10 =	sshll.u32 s9, $0x8;
	s19 =	sshll.u32 s9, $0x7  }
0xac: {  	s24 =	sadd.s32 $0x400, s3;
	s7 =	sand.u32 $0xFFFFF800, s10;
	s10 =	sld [smem:$0x86]  }
0xad: {  	[tilespmem:s26], [sflag:$0x2] =	stream.linear.gather [spmem:s3], $0x80, $0x38;
	[tilespmem:$0x14280] =	vst v63  }
0xae: {  	s26 =	simm.s32 $0xC880;
	s8 =	sand.u32 $0x380, s19;
	s7 =	sadd.s32 s7, s1  }
0xaf: {  	[tilespmem:s26], [sflag:$0x2] =	stream.linear.gather [spmem:s24], $0x80, $0x38;
	[tilespmem:$0x14280] =	vst v63  }
0xb0: {  	s19 =	simm.s32 $0xC500;
	s11 =	sadd.s32 s8, s7;
	s24 =	sshll.u32 s10, $0x8  }
0xb1: {  	[tilespmem:s19], [sflag:$0x2] =	stream.linear.gather [spmem:s11], $0x80, $0x38;
	[tilespmem:$0x14280] =	vst v63  }
0xb2: {  	s7 =	simm.s32 $0xC900;
	s10 =	sshll.u32 s10, $0x7;
	s26 =	sand.u32 $0xFFFFF800, s24  }
0xb3: {  	s8 =	sadd.s32 $0x400, s11;
	s3 =	sand.u32 $0x380, s10;
	s9 =	sadd.s32 s26, s1  }
.LBB2_4:
0xb4: {  	s9 =	sadd.s32 s3, s9;
	s10 =	sadd.s32 $0xC580, s0  }
0xb5: {  	s5 =	sand.u32 $0xFFFFF800, s5;
	s11 =	smov.u32 s30;
	s3 =	smov.u32 s31  }
0xb6: {  	[tilespmem:s7], [sflag:$0x2] =	stream.linear.gather [spmem:s8], $0x80, $0x38;
	[tilespmem:$0x14280] =	vst v63  }
0xb7: {  	s7 =	sadd.s32 $0x400, s9;
	s8 =	sshll.u32 s21, $0x7;
	s5 =	sadd.s32 s5, s1  }
0xb8: {  	[tilespmem:s10], [sflag:$0x2] =	stream.linear.gather [spmem:s9], $0x80, $0x38;
	[tilespmem:$0x14280] =	vst v63  }
0xb9: {  	p1 =	sne.s32 s30, $0x1E000;
	s30 =	sadd.s32 $0x2000, s30;
	s8 =	sand.u32 $0x380, s8  }
0xba: {  	s5 =	sadd.s32 s8, s5;
	s8 =	sadd.s32 $0xC600, s0  }
0xbb: {  	[tilespmem:s22], [sflag:$0x2] =	stream.linear.gather [spmem:s7], $0x80, $0x38;
	[tilespmem:$0x14280] =	vst v63  }
0xbc: {  	s7 =	sadd.s32 $0x400, s5  }
0xbd: {  	[tilespmem:s8], [sflag:$0x2] =	stream.linear.gather [spmem:s5], $0x80, $0x38;
	[tilespmem:$0x14280] =	vst v63  }
0xbe: {  	s0 =	sadd.s32 $0xCA00, s0;
	s5 =	sld [smem:s31+$0xFFFFFFF9]  }
0xbf: {  	[tilespmem:s0], [sflag:$0x2] =	stream.linear.gather [spmem:s7], $0x80, $0x38;
	[tilespmem:$0x14280] =	vst v63  }
0xc0: {  	s21 =	sld [smem:s31+$0x0]  }
0xc1: {  	s0 =	sshll.u32 s5, $0x8;
	s5 =	sshll.u32 s5, $0x7;
	s7 =	sld [smem:s31+$0xFFFFFFFB]  }
0xc2: {  	s31 =	sadd.s32 $0x8, s31;
	s0 =	sand.u32 $0xFFFFF800, s0;
	s8 =	sld [smem:s3+$0xFFFFFFFA]  }
0xc3: {  	s5 =	sand.u32 $0x380, s5;
	s9 =	sadd.s32 s0, s1;
	s0 =	sshra.s32 s11, $0x2  }
0xc4: {  	s5 =	sadd.s32 s5, s9;
	s9 =	sadd.s32 $0xC280, s0;
	s10 =	sshll.u32 s7, $0x7  }
0xc5: {  	s19 =	sadd.s32 $0xC300, s0;
	s7 =	sshll.u32 s7, $0x8;
	s11 =	sshll.u32 s8, $0x8  }
0xc6: {  	s24 =	sadd.s32 $0xC680, s0;
	s7 =	sand.u32 $0xFFFFF800, s7;
	s11 =	sand.u32 $0xFFFFF800, s11  }
0xc7: {  	s26 =	sadd.s32 $0x400, s5;
	s8 =	sshll.u32 s8, $0x7;
	s7 =	sadd.s32 s7, s1  }
0xc8: {  	[tilespmem:s9], [sflag:$0x2] =	stream.linear.gather [spmem:s5], $0x80, $0x38;
	[tilespmem:$0x14280] =	vst v63  }
0xc9: {  	s22 =	sadd.s32 $0xC980, s0;
	s5 =	sand.u32 $0x380, s8;
	s8 =	sadd.s32 s11, s1  }
0xca: {  	[tilespmem:s24], [sflag:$0x2] =	stream.linear.gather [spmem:s26], $0x80, $0x38;
	[tilespmem:$0x14280] =	vst v63  }
0xcb: {  	s5 =	sadd.s32 s5, s8;
	s8 =	sadd.s32 $0xC700, s0;
	s9 =	sld [smem:s3+$0xFFFFFFFC]  }
0xcc: {  	[tilespmem:s19], [sflag:$0x2] =	stream.linear.gather [spmem:s5], $0x80, $0x38;
	[tilespmem:$0x14280] =	vst v63  }
0xcd: {  	s10 =	sand.u32 $0x380, s10;
	s11 =	sadd.s32 $0x400, s5;
	s19 =	sadd.s32 $0xC380, s0  }
0xce: {  	s5 =	sshll.u32 s21, $0x8;
	s24 =	sshll.u32 s9, $0x7;
	s26 =	sld [smem:s3+$0xFFFFFFFD]  }
0xcf: {  	[tilespmem:s8], [sflag:$0x2] =	stream.linear.gather [spmem:s11], $0x80, $0x38;
	[tilespmem:$0x14280] =	vst v63  }
0xd0: {  	s7 =	sadd.s32 s10, s7;
	s9 =	sshll.u32 s9, $0x8;
	s8 =	sadd.s32 $0xC780, s0  }
0xd1: {  	s10 =	sadd.s32 $0x400, s7;
	s9 =	sand.u32 $0xFFFFF800, s9;
	s11 =	sadd.s32 $0xC400, s0  }
0xd2: {  	[tilespmem:s19], [sflag:$0x2] =	stream.linear.gather [spmem:s7], $0x80, $0x38;
	[tilespmem:$0x14280] =	vst v63  }
0xd3: {  	s9 =	sadd.s32 s9, s1;
	s7 =	sand.u32 $0x380, s24  }
0xd4: {  	s19 =	sadd.s32 $0xC800, s0;
	s7 =	sadd.s32 s7, s9;
	s9 =	sshll.u32 s26, $0x8  }
0xd5: {  	s24 =	sshll.u32 s26, $0x7;
	s9 =	sand.u32 $0xFFFFF800, s9  }
0xd6: {  	[tilespmem:s8], [sflag:$0x2] =	stream.linear.gather [spmem:s10], $0x80, $0x38;
	[tilespmem:$0x14280] =	vst v63  }
0xd7: {  	s8 =	sadd.s32 $0x400, s7;
	s9 =	sadd.s32 s9, s1;
	s10 =	sld [smem:s3+$0xFFFFFFFE]  }
0xd8: {  	[tilespmem:s11], [sflag:$0x2] =	stream.linear.gather [spmem:s7], $0x80, $0x38;
	[tilespmem:$0x14280] =	vst v63  }
0xd9: {  	s7 =	sand.u32 $0x380, s24;
	s11 =	sadd.s32 $0xC480, s0;
	s24 =	sadd.s32 $0xC500, s0  }
0xda: {  	[tilespmem:s19], [sflag:$0x2] =	stream.linear.gather [spmem:s8], $0x80, $0x38;
	[tilespmem:$0x14280] =	vst v63  }
0xdb: {  	s7 =	sadd.s32 s7, s9;
	s8 =	sshll.u32 s10, $0x8;
	s9 =	sshll.u32 s10, $0x7  }
0xdc: {  	s10 =	sadd.s32 $0x400, s7;
	s8 =	sand.u32 $0xFFFFF800, s8;
	s3 =	sld [smem:s3+$0xFFFFFFFF]  }
0xdd: {  	[tilespmem:s11], [sflag:$0x2] =	stream.linear.gather [spmem:s7], $0x80, $0x38;
	[tilespmem:$0x14280] =	vst v63  }
0xde: {  	s8 =	sadd.s32 s8, s1;
	s11 =	sadd.s32 $0xC880, s0;
	s7 =	sand.u32 $0x380, s9  }
.Ltmp1:
0xdf: {  	s19 =	sadd.s32 s7, s8;
	s8 =	sshll.u32 s3, $0x8;
	(pc) =	sbr.rel @p1 .LBB2_4-.Ltmp1, $4  }
0xe0: {  	s7 =	sadd.s32 $0xC900, s0;
	s3 =	sshll.u32 s3, $0x7;
	s9 =	sand.u32 $0xFFFFF800, s8  }
0xe1: {  	[tilespmem:s11], [sflag:$0x2] =	stream.linear.gather [spmem:s10], $0x80, $0x38;
	[tilespmem:$0x14280] =	vst v63  }
0xe2: {  	s8 =	sadd.s32 $0x400, s19;
	s3 =	sand.u32 $0x380, s3;
	s9 =	sadd.s32 s9, s1  }
0xe3: {  	[tilespmem:s24], [sflag:$0x2] =	stream.linear.gather [spmem:s19], $0x80, $0x38;
	[tilespmem:$0x14280] =	vst v63  }
0xe4: {  	s3 =	sadd.s32 s3, s9  }
0xe5: {  	[tilespmem:s7], [sflag:$0x2] =	stream.linear.gather [spmem:s8], $0x80, $0x38;
	[tilespmem:$0x14280] =	vst v63  }
0xe6: {  	s11 =	sadd.s32 $0xC580, s0;
	s5 =	sand.u32 $0xFFFFF800, s5;
	s19 =	sshll.u32 s21, $0x7  }
0xe7: {  	[tilespmem:s11], [sflag:$0x2] =	stream.linear.gather [spmem:s3], $0x80, $0x38;
	[tilespmem:$0x14280] =	vst v63  }
0xe8: {  	s5 =	sadd.s32 s5, s1;
	s21 =	sand.u32 $0x380, s19;
	s3 =	sadd.s32 $0x400, s3  }
0xe9: {  	[tilespmem:s22], [sflag:$0x2] =	stream.linear.gather [spmem:s3], $0x80, $0x38;
	[tilespmem:$0x14280] =	vst v63  }
0xea: {  	s26 =	sadd.s32 $0xC600, s0;
	s24 =	sadd.s32 s21, s5  }
0xeb: {  	[tilespmem:s26], [sflag:$0x2] =	stream.linear.gather [spmem:s24], $0x80, $0x38;
	[tilespmem:$0x14280] =	vst v63  }
0xec: {  	s5 =	sadd.s32 $0xCA00, s0;
	s3 =	sadd.s32 $0x400, s24  }
0xed: {  	[tilespmem:s5], [sflag:$0x2] =	stream.linear.gather [spmem:s3], $0x80, $0x38;
	[tilespmem:$0x14280] =	vst v63  }
0xee: {  	_ =	swait.ge [sflag:s18], $0x8000  }
0xef: {  	s7 =	simm.s32 $0x0;
	[sflag:s18] =	ssyncset.done $0x0  }
0xf0: {  	s31 =	simm.s32 $0x4280;
	s8 =	rddreg [dreg:$0x9];
	[sflag:s18] =	ssyncadd.s32 $0xFFFF8000  }
0xf1: {  	[hbm4b:s8+s7] =	stream.linear.scatter [tilespmem:s31], [sflag:$0x3], $0x8000, $0x38;
	[tilespmem:$0x14280] =	vst v63  }
0xf2: {  	_ =	swait.ge [sflag:s20], $0x8000  }
0xf3: {  	[sflag:s20] =	ssyncset.done $0x0  }
0xf4: {  	[sflag:s20] =	ssyncadd.s32 $0xFFFF8000  }
0xf5: {  	_ =	swait.ge [sflag:s25], $0x8000  }
0xf6: {  	[sflag:s25] =	ssyncset.done $0x0  }
0xf7: {  	s10 =	simm.s32 $0xC280;
	s9 =	rddreg [dreg:$0xa];
	[sflag:s25] =	ssyncadd.s32 $0xFFFF8000  }
0xf8: {  	[hbm4b:s9+s7] =	stream.linear.scatter [tilespmem:s10], [sflag:$0x3], $0x8000, $0x38;
	[tilespmem:$0x14280] =	vst v63  }
0xf9: {  	_ =	swait.ge [sflag:s20], $0x8000  }
0xfa: {  	[sflag:s20] =	ssyncset.done $0x0  }
0xfb: {  	[sflag:s20] =	ssyncadd.s32 $0xFFFF8000  }
0xfc: {  	[bflag:$0x0] =	sbarrier.arrive $0xFFFF  }
0xfd: {  	s11 =	rddreg [dreg:$0xb]  }
0xfe: {  	[spmem:s29], [sflag:s6] =	dma.local [hbm:s11], $0x800  }
0xff: {  	_ =	swait.ge [sflag:s20], $0x800  }
0x100: {  	[sflag:s20] =	ssyncset.done $0x0  }
0x101: {  	[sflag:s20] =	ssyncadd.s32 $0xFFFFF800  }
0x102: {  	[bflag:$0x0] =	sbarrier.arrive $0xFFFF  }
0x103: {  	s19 =	sld [smem:$0x100]  }
0x104: {  	s30 =	simm.s32 $0x10F;
	s21 =	sld [smem:$0x107]  }
0x105: {  	s29 =	simm.s32 $0x2000;
	s11 =	simm.s32 $0x4300;
	s24 =	sld [smem:$0x102]  }
0x106: {  	s22 =	sshll.u32 s19, $0x8;
	s0 =	sshll.u32 s19, $0x7;
	s26 =	sld [smem:$0x101]  }
0x107: {  	s3 =	sand.u32 $0xFFFFF800, s22;
	s19 =	sand.u32 $0x380, s0;
	s0 =	simm.s32 $0x0  }
0x108: {  	s22 =	simm.s32 $0x4280;
	s3 =	sadd.s32 s3, s1;
	s9 =	sshll.u32 s24, $0x7  }
0x109: {  	s5 =	sshll.u32 s24, $0x8;
	s3 =	sadd.s32 s19, s3;
	s10 =	sshll.u32 s26, $0x8  }
0x10a: {  	s19 =	simm.s32 $0x4680;
	s5 =	sand.u32 $0xFFFFF800, s5;
	s7 =	sshll.u32 s26, $0x7  }
0x10b: {  	s9 =	sand.u32 $0x380, s9;
	s10 =	sand.u32 $0xFFFFF800, s10;
	s24 =	sadd.s32 $0x400, s3  }
0x10c: {  	[tilespmem:s22], [sflag:$0x1] =	stream.linear.gather [spmem:s3], $0x80, $0x38;
	[tilespmem:$0x14280] =	vst v63  }
0x10d: {  	s26 =	sadd.s32 s5, s1;
	s8 =	sand.u32 $0x380, s7;
	s22 =	simm.s32 $0x4980  }
0x10e: {  	s5 =	sshll.u32 s21, $0x8;
	s7 =	simm.s32 $0x4780;
	s10 =	sadd.s32 s10, s1  }
0x10f: {  	[tilespmem:s19], [sflag:$0x1] =	stream.linear.gather [spmem:s24], $0x80, $0x38;
	[tilespmem:$0x14280] =	vst v63  }
0x110: {  	s26 =	sadd.s32 s9, s26;
	s3 =	sadd.s32 s8, s10;
	s8 =	sld [smem:$0x103]  }
0x111: {  	[tilespmem:s11], [sflag:$0x1] =	stream.linear.gather [spmem:s3], $0x80, $0x38;
	[tilespmem:$0x14280] =	vst v63  }
0x112: {  	s24 =	simm.s32 $0x4700;
	s3 =	sadd.s32 $0x400, s3;
	s19 =	sld [smem:$0x104]  }
0x113: {  	[tilespmem:s24], [sflag:$0x1] =	stream.linear.gather [spmem:s3], $0x80, $0x38;
	[tilespmem:$0x14280] =	vst v63  }
0x114: {  	s10 =	simm.s32 $0x4380;
	s11 =	sshll.u32 s8, $0x7;
	s8 =	sshll.u32 s8, $0x8  }
0x115: {  	[tilespmem:s10], [sflag:$0x1] =	stream.linear.gather [spmem:s26], $0x80, $0x38;
	[tilespmem:$0x14280] =	vst v63  }
0x116: {  	s9 =	sadd.s32 $0x400, s26;
	s24 =	simm.s32 $0x4400;
	s8 =	sand.u32 $0xFFFFF800, s8  }
0x117: {  	s10 =	simm.s32 $0x4800;
	s26 =	sand.u32 $0x380, s11;
	s8 =	sadd.s32 s8, s1  }
0x118: {  	[tilespmem:s7], [sflag:$0x1] =	stream.linear.gather [spmem:s9], $0x80, $0x38;
	[tilespmem:$0x14280] =	vst v63  }
0x119: {  	s11 =	sshll.u32 s19, $0x8;
	s3 =	sadd.s32 s26, s8;
	s26 =	sshll.u32 s19, $0x7  }
0x11a: {  	s8 =	sand.u32 $0xFFFFF800, s11;
	s9 =	sld [smem:$0x105];
	s19 =	sadd.s32 $0x400, s3  }
0x11b: {  	[tilespmem:s24], [sflag:$0x1] =	stream.linear.gather [spmem:s3], $0x80, $0x38;
	[tilespmem:$0x14280] =	vst v63  }
0x11c: {  	s24 =	sand.u32 $0x380, s26;
	s8 =	sadd.s32 s8, s1;
	s26 =	simm.s32 $0x4480  }
0x11d: {  	[tilespmem:s10], [sflag:$0x1] =	stream.linear.gather [spmem:s19], $0x80, $0x38;
	[tilespmem:$0x14280] =	vst v63  }
0x11e: {  	s3 =	sadd.s32 s24, s8;
	s10 =	sshll.u32 s9, $0x8;
	s19 =	sshll.u32 s9, $0x7  }
0x11f: {  	s24 =	sadd.s32 $0x400, s3;
	s7 =	sand.u32 $0xFFFFF800, s10;
	s10 =	sld [smem:$0x106]  }
0x120: {  	[tilespmem:s26], [sflag:$0x1] =	stream.linear.gather [spmem:s3], $0x80, $0x38;
	[tilespmem:$0x14280] =	vst v63  }
0x121: {  	s26 =	simm.s32 $0x4880;
	s8 =	sand.u32 $0x380, s19;
	s7 =	sadd.s32 s7, s1  }
0x122: {  	[tilespmem:s26], [sflag:$0x1] =	stream.linear.gather [spmem:s24], $0x80, $0x38;
	[tilespmem:$0x14280] =	vst v63  }
0x123: {  	s19 =	simm.s32 $0x4500;
	s11 =	sadd.s32 s8, s7;
	s24 =	sshll.u32 s10, $0x8  }
0x124: {  	[tilespmem:s19], [sflag:$0x1] =	stream.linear.gather [spmem:s11], $0x80, $0x38;
	[tilespmem:$0x14280] =	vst v63  }
0x125: {  	s7 =	simm.s32 $0x4900;
	s10 =	sshll.u32 s10, $0x7;
	s26 =	sand.u32 $0xFFFFF800, s24  }
0x126: {  	s8 =	sadd.s32 $0x400, s11;
	s3 =	sand.u32 $0x380, s10;
	s9 =	sadd.s32 s26, s1  }
.LBB2_6:
0x127: {  	s9 =	sadd.s32 s3, s9;
	s10 =	sadd.s32 $0x4580, s0  }
0x128: {  	s5 =	sand.u32 $0xFFFFF800, s5;
	s11 =	smov.u32 s29;
	s3 =	smov.u32 s30  }
0x129: {  	[tilespmem:s7], [sflag:$0x1] =	stream.linear.gather [spmem:s8], $0x80, $0x38;
	[tilespmem:$0x14280] =	vst v63  }
0x12a: {  	s7 =	sadd.s32 $0x400, s9;
	s8 =	sshll.u32 s21, $0x7;
	s5 =	sadd.s32 s5, s1  }
0x12b: {  	[tilespmem:s10], [sflag:$0x1] =	stream.linear.gather [spmem:s9], $0x80, $0x38;
	[tilespmem:$0x14280] =	vst v63  }
0x12c: {  	p1 =	sne.s32 s29, $0x1E000;
	s29 =	sadd.s32 $0x2000, s29;
	s8 =	sand.u32 $0x380, s8  }
0x12d: {  	s5 =	sadd.s32 s8, s5;
	s8 =	sadd.s32 $0x4600, s0  }
0x12e: {  	[tilespmem:s22], [sflag:$0x1] =	stream.linear.gather [spmem:s7], $0x80, $0x38;
	[tilespmem:$0x14280] =	vst v63  }
0x12f: {  	s7 =	sadd.s32 $0x400, s5  }
0x130: {  	[tilespmem:s8], [sflag:$0x1] =	stream.linear.gather [spmem:s5], $0x80, $0x38;
	[tilespmem:$0x14280] =	vst v63  }
0x131: {  	s0 =	sadd.s32 $0x4A00, s0;
	s5 =	sld [smem:s30+$0xFFFFFFF9]  }
0x132: {  	[tilespmem:s0], [sflag:$0x1] =	stream.linear.gather [spmem:s7], $0x80, $0x38;
	[tilespmem:$0x14280] =	vst v63  }
0x133: {  	s21 =	sld [smem:s30+$0x0]  }
0x134: {  	s0 =	sshll.u32 s5, $0x8;
	s5 =	sshll.u32 s5, $0x7;
	s7 =	sld [smem:s30+$0xFFFFFFFB]  }
0x135: {  	s30 =	sadd.s32 $0x8, s30;
	s0 =	sand.u32 $0xFFFFF800, s0;
	s8 =	sld [smem:s3+$0xFFFFFFFA]  }
0x136: {  	s5 =	sand.u32 $0x380, s5;
	s9 =	sadd.s32 s0, s1;
	s0 =	sshra.s32 s11, $0x2  }
0x137: {  	s5 =	sadd.s32 s5, s9;
	s9 =	sadd.s32 $0x4280, s0;
	s10 =	sshll.u32 s7, $0x7  }
0x138: {  	s19 =	sadd.s32 $0x4300, s0;
	s7 =	sshll.u32 s7, $0x8;
	s11 =	sshll.u32 s8, $0x8  }
0x139: {  	s24 =	sadd.s32 $0x4680, s0;
	s7 =	sand.u32 $0xFFFFF800, s7;
	s11 =	sand.u32 $0xFFFFF800, s11  }
0x13a: {  	s26 =	sadd.s32 $0x400, s5;
	s8 =	sshll.u32 s8, $0x7;
	s7 =	sadd.s32 s7, s1  }
0x13b: {  	[tilespmem:s9], [sflag:$0x1] =	stream.linear.gather [spmem:s5], $0x80, $0x38;
	[tilespmem:$0x14280] =	vst v63  }
0x13c: {  	s22 =	sadd.s32 $0x4980, s0;
	s5 =	sand.u32 $0x380, s8;
	s8 =	sadd.s32 s11, s1  }
0x13d: {  	[tilespmem:s24], [sflag:$0x1] =	stream.linear.gather [spmem:s26], $0x80, $0x38;
	[tilespmem:$0x14280] =	vst v63  }
0x13e: {  	s5 =	sadd.s32 s5, s8;
	s8 =	sadd.s32 $0x4700, s0;
	s9 =	sld [smem:s3+$0xFFFFFFFC]  }
0x13f: {  	[tilespmem:s19], [sflag:$0x1] =	stream.linear.gather [spmem:s5], $0x80, $0x38;
	[tilespmem:$0x14280] =	vst v63  }
0x140: {  	s10 =	sand.u32 $0x380, s10;
	s11 =	sadd.s32 $0x400, s5;
	s19 =	sadd.s32 $0x4380, s0  }
0x141: {  	s5 =	sshll.u32 s21, $0x8;
	s24 =	sshll.u32 s9, $0x7;
	s26 =	sld [smem:s3+$0xFFFFFFFD]  }
0x142: {  	[tilespmem:s8], [sflag:$0x1] =	stream.linear.gather [spmem:s11], $0x80, $0x38;
	[tilespmem:$0x14280] =	vst v63  }
0x143: {  	s7 =	sadd.s32 s10, s7;
	s9 =	sshll.u32 s9, $0x8;
	s8 =	sadd.s32 $0x4780, s0  }
0x144: {  	s10 =	sadd.s32 $0x400, s7;
	s9 =	sand.u32 $0xFFFFF800, s9;
	s11 =	sadd.s32 $0x4400, s0  }
0x145: {  	[tilespmem:s19], [sflag:$0x1] =	stream.linear.gather [spmem:s7], $0x80, $0x38;
	[tilespmem:$0x14280] =	vst v63  }
0x146: {  	s9 =	sadd.s32 s9, s1;
	s7 =	sand.u32 $0x380, s24  }
0x147: {  	s19 =	sadd.s32 $0x4800, s0;
	s7 =	sadd.s32 s7, s9;
	s9 =	sshll.u32 s26, $0x8  }
0x148: {  	s24 =	sshll.u32 s26, $0x7;
	s9 =	sand.u32 $0xFFFFF800, s9  }
0x149: {  	[tilespmem:s8], [sflag:$0x1] =	stream.linear.gather [spmem:s10], $0x80, $0x38;
	[tilespmem:$0x14280] =	vst v63  }
0x14a: {  	s8 =	sadd.s32 $0x400, s7;
	s9 =	sadd.s32 s9, s1;
	s10 =	sld [smem:s3+$0xFFFFFFFE]  }
0x14b: {  	[tilespmem:s11], [sflag:$0x1] =	stream.linear.gather [spmem:s7], $0x80, $0x38;
	[tilespmem:$0x14280] =	vst v63  }
0x14c: {  	s7 =	sand.u32 $0x380, s24;
	s11 =	sadd.s32 $0x4480, s0;
	s24 =	sadd.s32 $0x4500, s0  }
0x14d: {  	[tilespmem:s19], [sflag:$0x1] =	stream.linear.gather [spmem:s8], $0x80, $0x38;
	[tilespmem:$0x14280] =	vst v63  }
0x14e: {  	s7 =	sadd.s32 s7, s9;
	s8 =	sshll.u32 s10, $0x8;
	s9 =	sshll.u32 s10, $0x7  }
0x14f: {  	s10 =	sadd.s32 $0x400, s7;
	s8 =	sand.u32 $0xFFFFF800, s8;
	s3 =	sld [smem:s3+$0xFFFFFFFF]  }
0x150: {  	[tilespmem:s11], [sflag:$0x1] =	stream.linear.gather [spmem:s7], $0x80, $0x38;
	[tilespmem:$0x14280] =	vst v63  }
0x151: {  	s8 =	sadd.s32 s8, s1;
	s11 =	sadd.s32 $0x4880, s0;
	s7 =	sand.u32 $0x380, s9  }
.Ltmp2:
0x152: {  	s19 =	sadd.s32 s7, s8;
	s8 =	sshll.u32 s3, $0x8;
	(pc) =	sbr.rel @p1 .LBB2_6-.Ltmp2, $4  }
0x153: {  	s7 =	sadd.s32 $0x4900, s0;
	s3 =	sshll.u32 s3, $0x7;
	s9 =	sand.u32 $0xFFFFF800, s8  }
0x154: {  	[tilespmem:s11], [sflag:$0x1] =	stream.linear.gather [spmem:s10], $0x80, $0x38;
	[tilespmem:$0x14280] =	vst v63  }
0x155: {  	s8 =	sadd.s32 $0x400, s19;
	s3 =	sand.u32 $0x380, s3;
	s9 =	sadd.s32 s9, s1  }
0x156: {  	[tilespmem:s24], [sflag:$0x1] =	stream.linear.gather [spmem:s19], $0x80, $0x38;
	[tilespmem:$0x14280] =	vst v63  }
0x157: {  	s3 =	sadd.s32 s3, s9  }
0x158: {  	[tilespmem:s7], [sflag:$0x1] =	stream.linear.gather [spmem:s8], $0x80, $0x38;
	[tilespmem:$0x14280] =	vst v63  }
0x159: {  	s8 =	sadd.s32 $0x4580, s0;
	s5 =	sand.u32 $0xFFFFF800, s5;
	s9 =	sshll.u32 s21, $0x7  }
0x15a: {  	[tilespmem:s8], [sflag:$0x1] =	stream.linear.gather [spmem:s3], $0x80, $0x38;
	[tilespmem:$0x14280] =	vst v63  }
0x15b: {  	s5 =	sadd.s32 s5, s1;
	s10 =	sand.u32 $0x380, s9;
	s3 =	sadd.s32 $0x400, s3  }
0x15c: {  	[tilespmem:s22], [sflag:$0x1] =	stream.linear.gather [spmem:s3], $0x80, $0x38;
	[tilespmem:$0x14280] =	vst v63  }
0x15d: {  	s19 =	sadd.s32 $0x4600, s0;
	s11 =	sadd.s32 s10, s5  }
0x15e: {  	[tilespmem:s19], [sflag:$0x1] =	stream.linear.gather [spmem:s11], $0x80, $0x38;
	[tilespmem:$0x14280] =	vst v63  }
0x15f: {  	s21 =	sadd.s32 $0x4A00, s0;
	s3 =	sadd.s32 $0x400, s11  }
0x160: {  	[tilespmem:s21], [sflag:$0x1] =	stream.linear.gather [spmem:s3], $0x80, $0x38;
	[tilespmem:$0x14280] =	vst v63  }
0x161: {  	s0 =	sld [smem:$0x180]  }
0x162: {  	s29 =	simm.s32 $0x2000;
	s21 =	sld [smem:$0x187]  }
0x163: {  	s30 =	simm.s32 $0x18F;
	s11 =	simm.s32 $0xC300;
	s24 =	sld [smem:$0x182]  }
0x164: {  	s22 =	sshll.u32 s0, $0x8;
	s0 =	sshll.u32 s0, $0x7;
	s26 =	sld [smem:$0x181]  }
0x165: {  	s3 =	sand.u32 $0xFFFFF800, s22;
	s19 =	sand.u32 $0x380, s0;
	s0 =	simm.s32 $0x0  }
0x166: {  	s22 =	simm.s32 $0xC280;
	s3 =	sadd.s32 s3, s1;
	s9 =	sshll.u32 s24, $0x7  }
0x167: {  	s5 =	sshll.u32 s24, $0x8;
	s3 =	sadd.s32 s19, s3;
	s10 =	sshll.u32 s26, $0x8  }
0x168: {  	s19 =	simm.s32 $0xC680;
	s5 =	sand.u32 $0xFFFFF800, s5;
	s7 =	sshll.u32 s26, $0x7  }
0x169: {  	s9 =	sand.u32 $0x380, s9;
	s10 =	sand.u32 $0xFFFFF800, s10;
	s24 =	sadd.s32 $0x400, s3  }
0x16a: {  	[tilespmem:s22], [sflag:$0x2] =	stream.linear.gather [spmem:s3], $0x80, $0x38;
	[tilespmem:$0x14280] =	vst v63  }
0x16b: {  	s26 =	sadd.s32 s5, s1;
	s8 =	sand.u32 $0x380, s7;
	s22 =	simm.s32 $0xC980  }
0x16c: {  	s5 =	sshll.u32 s21, $0x8;
	s7 =	simm.s32 $0xC780;
	s10 =	sadd.s32 s10, s1  }
0x16d: {  	[tilespmem:s19], [sflag:$0x2] =	stream.linear.gather [spmem:s24], $0x80, $0x38;
	[tilespmem:$0x14280] =	vst v63  }
0x16e: {  	s26 =	sadd.s32 s9, s26;
	s3 =	sadd.s32 s8, s10;
	s8 =	sld [smem:$0x183]  }
0x16f: {  	[tilespmem:s11], [sflag:$0x2] =	stream.linear.gather [spmem:s3], $0x80, $0x38;
	[tilespmem:$0x14280] =	vst v63  }
0x170: {  	s24 =	simm.s32 $0xC700;
	s3 =	sadd.s32 $0x400, s3;
	s19 =	sld [smem:$0x184]  }
0x171: {  	[tilespmem:s24], [sflag:$0x2] =	stream.linear.gather [spmem:s3], $0x80, $0x38;
	[tilespmem:$0x14280] =	vst v63  }
0x172: {  	s10 =	simm.s32 $0xC380;
	s11 =	sshll.u32 s8, $0x7;
	s8 =	sshll.u32 s8, $0x8  }
0x173: {  	[tilespmem:s10], [sflag:$0x2] =	stream.linear.gather [spmem:s26], $0x80, $0x38;
	[tilespmem:$0x14280] =	vst v63  }
0x174: {  	s9 =	sadd.s32 $0x400, s26;
	s24 =	simm.s32 $0xC400;
	s8 =	sand.u32 $0xFFFFF800, s8  }
0x175: {  	s10 =	simm.s32 $0xC800;
	s26 =	sand.u32 $0x380, s11;
	s8 =	sadd.s32 s8, s1  }
0x176: {  	[tilespmem:s7], [sflag:$0x2] =	stream.linear.gather [spmem:s9], $0x80, $0x38;
	[tilespmem:$0x14280] =	vst v63  }
0x177: {  	s11 =	sshll.u32 s19, $0x8;
	s3 =	sadd.s32 s26, s8;
	s26 =	sshll.u32 s19, $0x7  }
0x178: {  	s8 =	sand.u32 $0xFFFFF800, s11;
	s9 =	sld [smem:$0x185];
	s19 =	sadd.s32 $0x400, s3  }
0x179: {  	[tilespmem:s24], [sflag:$0x2] =	stream.linear.gather [spmem:s3], $0x80, $0x38;
	[tilespmem:$0x14280] =	vst v63  }
0x17a: {  	s24 =	sand.u32 $0x380, s26;
	s8 =	sadd.s32 s8, s1;
	s26 =	simm.s32 $0xC480  }
0x17b: {  	[tilespmem:s10], [sflag:$0x2] =	stream.linear.gather [spmem:s19], $0x80, $0x38;
	[tilespmem:$0x14280] =	vst v63  }
0x17c: {  	s3 =	sadd.s32 s24, s8;
	s10 =	sshll.u32 s9, $0x8;
	s19 =	sshll.u32 s9, $0x7  }
0x17d: {  	s24 =	sadd.s32 $0x400, s3;
	s7 =	sand.u32 $0xFFFFF800, s10;
	s10 =	sld [smem:$0x186]  }
0x17e: {  	[tilespmem:s26], [sflag:$0x2] =	stream.linear.gather [spmem:s3], $0x80, $0x38;
	[tilespmem:$0x14280] =	vst v63  }
0x17f: {  	s26 =	simm.s32 $0xC880;
	s8 =	sand.u32 $0x380, s19;
	s7 =	sadd.s32 s7, s1  }
0x180: {  	[tilespmem:s26], [sflag:$0x2] =	stream.linear.gather [spmem:s24], $0x80, $0x38;
	[tilespmem:$0x14280] =	vst v63  }
0x181: {  	s19 =	simm.s32 $0xC500;
	s11 =	sadd.s32 s8, s7;
	s24 =	sshll.u32 s10, $0x8  }
0x182: {  	[tilespmem:s19], [sflag:$0x2] =	stream.linear.gather [spmem:s11], $0x80, $0x38;
	[tilespmem:$0x14280] =	vst v63  }
0x183: {  	s7 =	simm.s32 $0xC900;
	s10 =	sshll.u32 s10, $0x7;
	s26 =	sand.u32 $0xFFFFF800, s24  }
0x184: {  	s8 =	sadd.s32 $0x400, s11;
	s3 =	sand.u32 $0x380, s10;
	s9 =	sadd.s32 s26, s1  }
.LBB2_8:
0x185: {  	s9 =	sadd.s32 s3, s9;
	s10 =	sadd.s32 $0xC580, s0  }
0x186: {  	s5 =	sand.u32 $0xFFFFF800, s5;
	s11 =	smov.u32 s29;
	s3 =	smov.u32 s30  }
0x187: {  	[tilespmem:s7], [sflag:$0x2] =	stream.linear.gather [spmem:s8], $0x80, $0x38;
	[tilespmem:$0x14280] =	vst v63  }
0x188: {  	s7 =	sadd.s32 $0x400, s9;
	s8 =	sshll.u32 s21, $0x7;
	s5 =	sadd.s32 s5, s1  }
0x189: {  	[tilespmem:s10], [sflag:$0x2] =	stream.linear.gather [spmem:s9], $0x80, $0x38;
	[tilespmem:$0x14280] =	vst v63  }
0x18a: {  	p1 =	sne.s32 s29, $0x1E000;
	s29 =	sadd.s32 $0x2000, s29;
	s8 =	sand.u32 $0x380, s8  }
0x18b: {  	s5 =	sadd.s32 s8, s5;
	s8 =	sadd.s32 $0xC600, s0  }
0x18c: {  	[tilespmem:s22], [sflag:$0x2] =	stream.linear.gather [spmem:s7], $0x80, $0x38;
	[tilespmem:$0x14280] =	vst v63  }
0x18d: {  	s7 =	sadd.s32 $0x400, s5  }
0x18e: {  	[tilespmem:s8], [sflag:$0x2] =	stream.linear.gather [spmem:s5], $0x80, $0x38;
	[tilespmem:$0x14280] =	vst v63  }
0x18f: {  	s0 =	sadd.s32 $0xCA00, s0;
	s5 =	sld [smem:s30+$0xFFFFFFF9]  }
0x190: {  	[tilespmem:s0], [sflag:$0x2] =	stream.linear.gather [spmem:s7], $0x80, $0x38;
	[tilespmem:$0x14280] =	vst v63  }
0x191: {  	s21 =	sld [smem:s30+$0x0]  }
0x192: {  	s0 =	sshll.u32 s5, $0x8;
	s5 =	sshll.u32 s5, $0x7;
	s7 =	sld [smem:s30+$0xFFFFFFFB]  }
0x193: {  	s30 =	sadd.s32 $0x8, s30;
	s0 =	sand.u32 $0xFFFFF800, s0;
	s8 =	sld [smem:s3+$0xFFFFFFFA]  }
0x194: {  	s5 =	sand.u32 $0x380, s5;
	s9 =	sadd.s32 s0, s1;
	s0 =	sshra.s32 s11, $0x2  }
0x195: {  	s5 =	sadd.s32 s5, s9;
	s9 =	sadd.s32 $0xC280, s0;
	s10 =	sshll.u32 s7, $0x7  }
0x196: {  	s19 =	sadd.s32 $0xC300, s0;
	s7 =	sshll.u32 s7, $0x8;
	s11 =	sshll.u32 s8, $0x8  }
0x197: {  	s24 =	sadd.s32 $0xC680, s0;
	s7 =	sand.u32 $0xFFFFF800, s7;
	s11 =	sand.u32 $0xFFFFF800, s11  }
0x198: {  	s26 =	sadd.s32 $0x400, s5;
	s8 =	sshll.u32 s8, $0x7;
	s7 =	sadd.s32 s7, s1  }
0x199: {  	[tilespmem:s9], [sflag:$0x2] =	stream.linear.gather [spmem:s5], $0x80, $0x38;
	[tilespmem:$0x14280] =	vst v63  }
0x19a: {  	s22 =	sadd.s32 $0xC980, s0;
	s5 =	sand.u32 $0x380, s8;
	s8 =	sadd.s32 s11, s1  }
0x19b: {  	[tilespmem:s24], [sflag:$0x2] =	stream.linear.gather [spmem:s26], $0x80, $0x38;
	[tilespmem:$0x14280] =	vst v63  }
0x19c: {  	s5 =	sadd.s32 s5, s8;
	s8 =	sadd.s32 $0xC700, s0;
	s9 =	sld [smem:s3+$0xFFFFFFFC]  }
0x19d: {  	[tilespmem:s19], [sflag:$0x2] =	stream.linear.gather [spmem:s5], $0x80, $0x38;
	[tilespmem:$0x14280] =	vst v63  }
0x19e: {  	s10 =	sand.u32 $0x380, s10;
	s11 =	sadd.s32 $0x400, s5;
	s19 =	sadd.s32 $0xC380, s0  }
0x19f: {  	s5 =	sshll.u32 s21, $0x8;
	s24 =	sshll.u32 s9, $0x7;
	s26 =	sld [smem:s3+$0xFFFFFFFD]  }
0x1a0: {  	[tilespmem:s8], [sflag:$0x2] =	stream.linear.gather [spmem:s11], $0x80, $0x38;
	[tilespmem:$0x14280] =	vst v63  }
0x1a1: {  	s7 =	sadd.s32 s10, s7;
	s9 =	sshll.u32 s9, $0x8;
	s8 =	sadd.s32 $0xC780, s0  }
0x1a2: {  	s10 =	sadd.s32 $0x400, s7;
	s9 =	sand.u32 $0xFFFFF800, s9;
	s11 =	sadd.s32 $0xC400, s0  }
0x1a3: {  	[tilespmem:s19], [sflag:$0x2] =	stream.linear.gather [spmem:s7], $0x80, $0x38;
	[tilespmem:$0x14280] =	vst v63  }
0x1a4: {  	s9 =	sadd.s32 s9, s1;
	s7 =	sand.u32 $0x380, s24  }
0x1a5: {  	s19 =	sadd.s32 $0xC800, s0;
	s7 =	sadd.s32 s7, s9;
	s9 =	sshll.u32 s26, $0x8  }
0x1a6: {  	s24 =	sshll.u32 s26, $0x7;
	s9 =	sand.u32 $0xFFFFF800, s9  }
0x1a7: {  	[tilespmem:s8], [sflag:$0x2] =	stream.linear.gather [spmem:s10], $0x80, $0x38;
	[tilespmem:$0x14280] =	vst v63  }
0x1a8: {  	s8 =	sadd.s32 $0x400, s7;
	s9 =	sadd.s32 s9, s1;
	s10 =	sld [smem:s3+$0xFFFFFFFE]  }
0x1a9: {  	[tilespmem:s11], [sflag:$0x2] =	stream.linear.gather [spmem:s7], $0x80, $0x38;
	[tilespmem:$0x14280] =	vst v63  }
0x1aa: {  	s7 =	sand.u32 $0x380, s24;
	s11 =	sadd.s32 $0xC480, s0;
	s24 =	sadd.s32 $0xC500, s0  }
0x1ab: {  	[tilespmem:s19], [sflag:$0x2] =	stream.linear.gather [spmem:s8], $0x80, $0x38;
	[tilespmem:$0x14280] =	vst v63  }
0x1ac: {  	s7 =	sadd.s32 s7, s9;
	s8 =	sshll.u32 s10, $0x8;
	s9 =	sshll.u32 s10, $0x7  }
0x1ad: {  	s10 =	sadd.s32 $0x400, s7;
	s8 =	sand.u32 $0xFFFFF800, s8;
	s3 =	sld [smem:s3+$0xFFFFFFFF]  }
0x1ae: {  	[tilespmem:s11], [sflag:$0x2] =	stream.linear.gather [spmem:s7], $0x80, $0x38;
	[tilespmem:$0x14280] =	vst v63  }
0x1af: {  	s8 =	sadd.s32 s8, s1;
	s11 =	sadd.s32 $0xC880, s0;
	s7 =	sand.u32 $0x380, s9  }
.Ltmp3:
0x1b0: {  	s19 =	sadd.s32 s7, s8;
	s8 =	sshll.u32 s3, $0x8;
	(pc) =	sbr.rel @p1 .LBB2_8-.Ltmp3, $4  }
0x1b1: {  	s7 =	sadd.s32 $0xC900, s0;
	s3 =	sshll.u32 s3, $0x7;
	s9 =	sand.u32 $0xFFFFF800, s8  }
0x1b2: {  	[tilespmem:s11], [sflag:$0x2] =	stream.linear.gather [spmem:s10], $0x80, $0x38;
	[tilespmem:$0x14280] =	vst v63  }
0x1b3: {  	s8 =	sadd.s32 $0x400, s19;
	s3 =	sand.u32 $0x380, s3;
	s9 =	sadd.s32 s9, s1  }
0x1b4: {  	[tilespmem:s24], [sflag:$0x2] =	stream.linear.gather [spmem:s19], $0x80, $0x38;
	[tilespmem:$0x14280] =	vst v63  }
0x1b5: {  	s3 =	sadd.s32 s3, s9  }
0x1b6: {  	[tilespmem:s7], [sflag:$0x2] =	stream.linear.gather [spmem:s8], $0x80, $0x38;
	[tilespmem:$0x14280] =	vst v63  }
0x1b7: {  	s19 =	sadd.s32 $0xC580, s0;
	s5 =	sand.u32 $0xFFFFF800, s5;
	s21 =	sshll.u32 s21, $0x7  }
0x1b8: {  	[tilespmem:s19], [sflag:$0x2] =	stream.linear.gather [spmem:s3], $0x80, $0x38;
	[tilespmem:$0x14280] =	vst v63  }
0x1b9: {  	s5 =	sadd.s32 s5, s1;
	s24 =	sand.u32 $0x380, s21;
	s3 =	sadd.s32 $0x400, s3  }
0x1ba: {  	[tilespmem:s22], [sflag:$0x2] =	stream.linear.gather [spmem:s3], $0x80, $0x38;
	[tilespmem:$0x14280] =	vst v63  }
0x1bb: {  	s29 =	sadd.s32 $0xC600, s0;
	s26 =	sadd.s32 s24, s5  }
0x1bc: {  	[tilespmem:s29], [sflag:$0x2] =	stream.linear.gather [spmem:s26], $0x80, $0x38;
	[tilespmem:$0x14280] =	vst v63  }
0x1bd: {  	s30 =	sadd.s32 $0xCA00, s0;
	s3 =	sadd.s32 $0x400, s26  }
0x1be: {  	[tilespmem:s30], [sflag:$0x2] =	stream.linear.gather [spmem:s3], $0x80, $0x38;
	[tilespmem:$0x14280] =	vst v63  }
0x1bf: {  	_ =	swait.ge [sflag:s18], $0x8000  }
0x1c0: {  	[sflag:s18] =	ssyncset.done $0x0  }
0x1c1: {  	[sflag:s18] =	ssyncadd.s32 $0xFFFF8000  }
0x1c2: {  	[hbm4b:s12+s2] =	stream.linear.scatter [tilespmem:s31], [sflag:$0x3], $0x8000, $0x38;
	[tilespmem:$0x14280] =	vst v63  }
0x1c3: {  	_ =	swait.ge [sflag:s20], $0x8000  }
0x1c4: {  	[sflag:s20] =	ssyncset.done $0x0  }
0x1c5: {  	[sflag:s20] =	ssyncadd.s32 $0xFFFF8000  }
0x1c6: {  	_ =	swait.ge [sflag:s25], $0x8000  }
0x1c7: {  	s28 =	sadd.s32 $0x1, s28;
	[sflag:s25] =	ssyncset.done $0x0  }
0x1c8: {  	p1 =	sne.s32 s28, s14;
	s31 =	simm.s32 $0xC280;
	[sflag:s25] =	ssyncadd.s32 $0xFFFF8000  }
0x1c9: {  	[hbm4b:s13+s2] =	stream.linear.scatter [tilespmem:s31], [sflag:$0x3], $0x8000, $0x38;
	[tilespmem:$0x14280] =	vst v63  }
.Ltmp4:
0x1ca: {  	_ =	swait.ge [sflag:s20], $0x8000;
	(pc) =	sbr.rel @p1 .LBB2_1-.Ltmp4, $3  }
0x1cb: {  	[sflag:s20] =	ssyncset.done $0x0  }
0x1cc: {  	[sflag:s20] =	ssyncadd.s32 $0xFFFF8000  }
0x1cd: {  	[bflag:$0x0] =	sbarrier.arrive $0xFFFF;
	_ =	sdelay $0x1  }
0x1ce: {  	_ =	sfence.sel $0x180000  }
0x1cf: {  	[bflag:$0x0] =	sbarrier.arrive $0xFFFF  }
0x1d0: {  	_ =	strace $0x90000047  }
0x1d1: {  	[bflag:$0x2] =	sbarrier.arrive $0xFFFF  }
0x1d2: {  	s0 =	rddreg [dreg:$0x4]  }
0x1d3: {  	s0 =	sadd.s32 @!p0 $0x100000, s0  }
0x1d4: {  	[sflag:s0] =	ssyncadd.tile.s32 @!p0 $0x1;
	_ =	shalt  }
.Lfunc_end2:
_tile_overlayer_lowered:
.L_overlay_start_2:
0x1d5: {  	(tag) =	ssettag $0x2  }
0x1d6: {  	s0 =	rddreg [dreg:$0x0];
	s2 =	stileid.u32  }
0x1d7: {  	s1 =	rddreg [dreg:$0x1];
	p0 =	sne.s32 s2, $0x0  }
0x1d8: {  	s3 =	rddreg [dreg:$0x2];
	[bflag:$0x3] =	sbarrier.arrive $0xFFFF;
	s2 =	simm.s32 @!p0 $0x1C03  }
0x1d9: {  	[timem:s3], [sflag:s2] =	dma.local @!p0 [hbm:s0], s1  }
0x1da: {  	s0 =	simm.s32 @!p0 $0x3  }
0x1db: {  	_ =	swait.ge @!p0 [sflag:s0], s1  }
0x1dc: {  	s1 =	ssub.s32 @!p0 $0x0, s1;
	[sflag:s0] =	ssyncset.done @!p0 $0x0  }
0x1dd: {  	[sflag:s0] =	ssyncadd.s32 @!p0 s1  }
0x1de: {  	[bflag:$0x3] =	sbarrier.arrive $0xFFFF  }
0x1df: {  	_ =	shalt  }

</sc_bundles>
